<compile_context>
chip_gen: v7x
topology: tpu7x:2x2x1
jax: 0.10.2.dev20260603
libtpu: 0.0.44.dev20260713+nightly
codegen_flags: <defaults>
</compile_context>

<pallas_src>
import functools

import jax
import jax.numpy as jnp
from jax import lax
from jax.experimental import pallas as pl
from jax.experimental.pallas import tpu as pltpu
from jax.experimental.pallas import tpu_sc as plsc

D_MODEL = 2048
NUM_EXPERTS = 8
EXPERT_DIM = 1024
SHARED_DIM = 2048
BR = 256


def _sigmoid(z):
    return 1.0 / (1.0 + jnp.exp(-z))


def _rnd_bf16_bits(v):
    u = lax.bitcast_convert_type(v, jnp.uint32)
    return (u + jnp.uint32(0x7FFF) + ((u >> 16) & jnp.uint32(1))) >> 16


def _pack_halves(a_f32, b_f32):
    return lax.bitcast_convert_type(
        _rnd_bf16_bits(a_f32) | (_rnd_bf16_bits(b_f32) << 16), jnp.int32)


def _unpack_halves(p_i32):
    u = lax.bitcast_convert_type(p_i32, jnp.uint32)
    lo = lax.bitcast_convert_type(u << 16, jnp.float32)
    hi = lax.bitcast_convert_type(u & jnp.uint32(0xFFFF0000), jnp.float32)
    return lo, hi


def _router_body(x_ref, rwt_ref, w_ref, xp_ref):
    xf = x_ref[...]
    half = xf.shape[1] // 2
    xp_ref[...] = _pack_halves(xf[:, :half], xf[:, half:])
    logits = jnp.dot(xf, rwt_ref[...], preferred_element_type=jnp.float32)
    iota = jax.lax.broadcasted_iota(jnp.int32, logits.shape, 1)
    big = jnp.int32(2**30)
    m1 = jnp.max(logits, axis=1, keepdims=True)
    a1 = jnp.min(jnp.where(logits == m1, iota, big), axis=1, keepdims=True)
    masked = jnp.where(iota == a1, -jnp.inf, logits)
    m2 = jnp.max(masked, axis=1, keepdims=True)
    a2 = jnp.min(jnp.where(masked == m2, iota, big), axis=1, keepdims=True)
    w_ref[...] = jnp.where(iota == a1, _sigmoid(m1), 0.0) + jnp.where(
        iota == a2, _sigmoid(m2), 0.0)


def _expert_body(meta_ref, disp_ref, guw_ref, dw_ref, out_ref):
    g = pl.program_id(0)

    @pl.when(g * BR < meta_ref[pl.num_programs(0)])
    def _():
        half = D_MODEL // 2
        xlo, xhi = _unpack_halves(disp_ref[...])
        gu = jnp.dot(xlo.astype(jnp.bfloat16), guw_ref[0, :half],
                     preferred_element_type=jnp.float32)
        gu += jnp.dot(xhi.astype(jnp.bfloat16), guw_ref[0, half:],
                      preferred_element_type=jnp.float32)
        act = (_sigmoid(gu[:, :EXPERT_DIM]) * gu[:, :EXPERT_DIM]
               * gu[:, EXPERT_DIM:])
        o = jnp.dot(act.astype(jnp.bfloat16), dw_ref[0],
                    preferred_element_type=jnp.float32)
        out_ref[...] = _pack_halves(o[:, :half], o[:, half:])


def _combine_body(x_ref, sguw_ref, sdwt_ref, b0_ref, b1_ref, w1_ref, w2_ref,
                  out_ref):
    xb = x_ref[...].astype(jnp.bfloat16)
    gu = jnp.dot(xb, sguw_ref[...], preferred_element_type=jnp.float32)
    act = _sigmoid(gu[:, :SHARED_DIM]) * gu[:, :SHARED_DIM] * gu[:, SHARED_DIM:]
    sh = jnp.dot(act.astype(jnp.bfloat16), sdwt_ref[...],
                 preferred_element_type=jnp.float32)
    half = D_MODEL // 2
    a0, b0 = _unpack_halves(b0_ref[...])
    a1, b1 = _unpack_halves(b1_ref[...])
    w1 = w1_ref[...]
    w2 = w2_ref[...]
    out_ref[:, :half] = sh[:, :half] + w1 * a0 + w2 * a1
    out_ref[:, half:] = sh[:, half:] + w1 * b0 + w2 * b1


def _make_row_gather(n_rows_table, n_rows_out, n_cols, dtype):
    info = plsc.get_sparse_core_info()
    nw = info.num_cores * info.num_subcores
    b_per_w = n_rows_out // nw
    ch = 32 if n_cols <= 1024 else 16
    while b_per_w % ch:
        ch //= 2
    nch = b_per_w // ch
    mesh = plsc.VectorSubcoreMesh(core_axis_name="c", subcore_axis_name="s")

    @functools.partial(
        pl.kernel,
        out_type=jax.ShapeDtypeStruct((n_rows_out, n_cols), dtype),
        mesh=mesh,
        scratch_types=[
            pltpu.VMEM((b_per_w,), jnp.int32),
            pltpu.VMEM((ch, n_cols), dtype),
            pltpu.VMEM((ch, n_cols), dtype),
            pltpu.SemaphoreType.DMA,
            pltpu.SemaphoreType.DMA,
        ],
    )
    def gather(table_hbm, idx_hbm, out_hbm, idx_v, rows0, rows1, sem0, sem1):
        wid = lax.axis_index("s") * info.num_cores + lax.axis_index("c")
        base = wid * b_per_w
        pltpu.sync_copy(idx_hbm.at[pl.ds(base, b_per_w)], idx_v)
        bufs = (rows0, rows1)
        sems = (sem0, sem1)
        handles = [None] * nch
        handles[0] = pltpu.async_copy(
            table_hbm.at[idx_v.at[pl.ds(0, ch)]], bufs[0], sems[0])
        for c in range(nch):
            if c + 1 < nch:
                handles[c + 1] = pltpu.async_copy(
                    table_hbm.at[idx_v.at[pl.ds((c + 1) * ch, ch)]],
                    bufs[(c + 1) % 2], sems[(c + 1) % 2])
            handles[c].wait()
            pltpu.sync_copy(bufs[c % 2], out_hbm.at[pl.ds(base + c * ch, ch)])

    return gather


def kernel(x, router_w, gate_up_w, down_w, shared_gate_w, shared_up_w,
           shared_down_w):
    B, T, C = x.shape
    N = B * T
    P = N * 2
    P_max = P + NUM_EXPERTS * BR
    G = P_max // BR
    x_flat = x.reshape(N, C)
    rwt = router_w.T
    guw16 = gate_up_w.astype(jnp.bfloat16)
    dw16 = down_w.astype(jnp.bfloat16)
    sguw = jnp.concatenate([shared_gate_w.T, shared_up_w.T], axis=1).astype(jnp.bfloat16)
    sdwt = shared_down_w.T.astype(jnp.bfloat16)

    BTR = 512
    H = C // 2
    w_dense, x_packed = pl.pallas_call(
        _router_body,
        grid=(N // BTR,),
        in_specs=[
            pl.BlockSpec((BTR, C), lambda i: (i, 0)),
            pl.BlockSpec((C, NUM_EXPERTS), lambda i: (0, 0)),
        ],
        out_specs=[
            pl.BlockSpec((BTR, NUM_EXPERTS), lambda i: (i, 0)),
            pl.BlockSpec((BTR, H), lambda i: (i, 0)),
        ],
        out_shape=[
            jax.ShapeDtypeStruct((N, NUM_EXPERTS), jnp.float32),
            jax.ShapeDtypeStruct((N, H), jnp.int32),
        ],
    )(x_flat, rwt)

    eye = jnp.arange(NUM_EXPERTS, dtype=jnp.int32)
    w1 = jnp.max(w_dense, axis=1)
    e1 = jnp.argmax(w_dense, axis=1).astype(jnp.int32)
    wd2 = jnp.where(eye[None, :] == e1[:, None], -1.0, w_dense)
    w2 = jnp.max(wd2, axis=1)
    e2 = jnp.argmax(wd2, axis=1).astype(jnp.int32)
    sel = jnp.stack([e1, e2], axis=1).reshape(-1)
    oh = sel[:, None] == eye[None, :]
    rank_incl = jnp.cumsum(oh.astype(jnp.int32), axis=0)
    rank = jnp.sum(jnp.where(oh, rank_incl, 0), axis=1) - 1
    counts = rank_incl[-1]
    pcounts = ((counts + BR - 1) // BR) * BR
    pcum = jnp.cumsum(pcounts)
    poffsets = (pcum - pcounts).astype(jnp.int32)
    pos = poffsets[sel] + rank
    tok_padded = jnp.zeros(P_max, jnp.int32).at[pos].set(
        jnp.arange(P, dtype=jnp.int32) // 2, mode="drop", unique_indices=True)
    block_expert = jnp.minimum(
        jnp.sum((jnp.arange(G, dtype=jnp.int32)[:, None] * BR >= pcum[None, :])
                .astype(jnp.int32), axis=1),
        NUM_EXPERTS - 1).astype(jnp.int32)
    meta = jnp.concatenate([block_expert, pcum[-1:].astype(jnp.int32)])
    p_cat = jnp.concatenate([pos[0::2], pos[1::2]])

    dispatch = _make_row_gather(N, P_max, H, jnp.int32)(x_packed, tok_padded)

    grid_spec = pltpu.PrefetchScalarGridSpec(
        num_scalar_prefetch=1,
        grid=(G,),
        in_specs=[
            pl.BlockSpec((BR, H), lambda g, be: (g, 0)),
            pl.BlockSpec((1, C, 2 * EXPERT_DIM), lambda g, be: (be[g], 0, 0)),
            pl.BlockSpec((1, EXPERT_DIM, C), lambda g, be: (be[g], 0, 0)),
        ],
        out_specs=pl.BlockSpec((BR, H), lambda g, be: (g, 0)),
    )
    out_sorted = pl.pallas_call(
        _expert_body,
        grid_spec=grid_spec,
        out_shape=jax.ShapeDtypeStruct((P_max, H), jnp.int32),
        compiler_params=pltpu.CompilerParams(
            dimension_semantics=("arbitrary",)),
    )(meta, dispatch, guw16, dw16)

    bufs = _make_row_gather(P_max, P, H, jnp.int32)(out_sorted, p_cat)

    BT3 = 256
    nb3 = N // BT3
    out = pl.pallas_call(
        _combine_body,
        grid=(nb3,),
        in_specs=[
            pl.BlockSpec((BT3, C), lambda i: (i, 0)),
            pl.BlockSpec((C, 2 * SHARED_DIM), lambda i: (0, 0)),
            pl.BlockSpec((SHARED_DIM, C), lambda i: (0, 0)),
            pl.BlockSpec((BT3, H), lambda i: (i, 0)),
            pl.BlockSpec((BT3, H), lambda i, _n=nb3: (i + _n, 0)),
            pl.BlockSpec((BT3, 1), lambda i: (i, 0)),
            pl.BlockSpec((BT3, 1), lambda i: (i, 0)),
        ],
        out_specs=pl.BlockSpec((BT3, C), lambda i: (i, 0)),
        out_shape=jax.ShapeDtypeStruct((N, C), jnp.float32),
    )(x_flat, sguw, sdwt, bufs, bufs, w1.reshape(N, 1), w2.reshape(N, 1))
    return out.reshape(B, T, C)

# --- scband reference (transcript-rebuilt; emitter-appended) ---
"""Pipeline reference for scband-mo-elayer-39384850104908 (READ-ONLY COPY).

The authoritative reference and input builder live on the scoring server;
editing this copy changes nothing except your own understanding.
"""

import jax, jax.numpy as jnp
import numpy as np

D_MODEL = 2048
NUM_EXPERTS = 8
TOP_K = 2
EXPERT_DIM = 1024
SHARED_DIM = 2048


def setup_inputs(seed: int = 0) -> dict:
    key = jax.random.key(seed)
    ks = jax.random.split(key, 8)
    x = jax.random.normal(ks[0], (2, 2048, D_MODEL), dtype=jnp.float32)
    router_w = jax.random.normal(ks[1], (NUM_EXPERTS, D_MODEL), dtype=jnp.float32) * 0.02
    gate_up_w = jax.random.normal(ks[2], (NUM_EXPERTS, D_MODEL, 2 * EXPERT_DIM), dtype=jnp.float32) * 0.02
    down_w = jax.random.normal(ks[3], (NUM_EXPERTS, EXPERT_DIM, D_MODEL), dtype=jnp.float32) * 0.02
    shared_gate_w = jax.random.normal(ks[4], (SHARED_DIM, D_MODEL), dtype=jnp.float32) * 0.02
    shared_up_w = jax.random.normal(ks[5], (SHARED_DIM, D_MODEL), dtype=jnp.float32) * 0.02
    shared_down_w = jax.random.normal(ks[6], (D_MODEL, SHARED_DIM), dtype=jnp.float32) * 0.02
    return {
        'x': x,
        'router_w': router_w,
        'gate_up_w': gate_up_w,
        'down_w': down_w,
        'shared_gate_w': shared_gate_w,
        'shared_up_w': shared_up_w,
        'shared_down_w': shared_down_w,
    }


def reference(x, router_w, gate_up_w, down_w, shared_gate_w, shared_up_w, shared_down_w):
    B, T, C = x.shape
    router_logits = jnp.einsum('btc,ec->bte', x, router_w)
    routing_weights, selected_experts = jax.lax.top_k(router_logits, TOP_K)
    routing_weights = jax.nn.sigmoid(routing_weights)
    x_flat = x.reshape(-1, C)
    sel_flat = selected_experts.reshape(-1)
    rw_flat = routing_weights.reshape(-1)
    token_idx = jnp.repeat(jnp.arange(B * T), TOP_K)
    expert_inputs = x_flat[token_idx]
    guw_sel = gate_up_w[sel_flat]
    dw_sel = down_w[sel_flat]
    gate_up_states = jnp.einsum('nc,nce->ne', expert_inputs, guw_sel)
    gate, up = jnp.split(gate_up_states, 2, axis=-1)
    activated = jax.nn.silu(gate) * up
    expert_outputs = jnp.einsum('ne,nec->nc', activated, dw_sel)
    expert_outputs = expert_outputs * rw_flat[:, None]
    combined = jnp.zeros_like(x_flat).at[token_idx].add(expert_outputs)
    shared_gate_val = jnp.einsum('btc,hc->bth', x, shared_gate_w)
    shared_up_val = jnp.einsum('btc,hc->bth', x, shared_up_w)
    shared_activated = jax.nn.silu(shared_gate_val) * shared_up_val
    shared_output = jnp.einsum('bth,ch->btc', shared_activated, shared_down_w)
    return combined.reshape(B, T, C) + shared_output

if __name__ == "__main__":
    import jax
    _d = setup_inputs()
    print(jax.jit(kernel)(*tuple(_d.values())))

</pallas_src>

<mosaic_0001>
#map = affine_map<(d0, d1) -> (0, 0)>
#map1 = affine_map<(d0, d1) -> (0)>
module attributes {stable_mosaic.version = 14 : i64} {
  func.func @gather(%arg0: i32, %arg1: i32, %arg2: memref<10240x1024xi32, #tpu.memory_space<hbm>>, %arg3: memref<8192xi32, #tpu.memory_space<hbm>>, %arg4: memref<8192x1024xi32, #tpu.memory_space<hbm>>, %arg5: memref<256xi32, #tpu.memory_space<vmem>>, %arg6: memref<32x1024xi32, #tpu.memory_space<vmem>>, %arg7: memref<32x1024xi32, #tpu.memory_space<vmem>>, %arg8: memref<!tpu.dma_semaphore, #tpu.memory_space<semaphore_mem>>, %arg9: memref<!tpu.dma_semaphore, #tpu.memory_space<semaphore_mem>>) attributes {dimension_semantics = [#tpu.dimension_semantics<core_parallel>, #tpu.dimension_semantics<subcore_parallel>], iteration_bounds = array<i64: 2, 16>, scalar_prefetch = 0 : i64, scratch_operands = 5 : i64, tpu.core_type = #tpu.core_type<sc_vector_subcore>, window_params = [{transform_indices = #map}, {transform_indices = #map1}, {transform_indices = #map}]} {
    %mul3A = arith.constant 2 : i32
    %mul3A_0 = arith.muli %arg1, %mul3A : i32
    %add3A = arith.addi %mul3A_0, %arg0 : i32
    %mul3A_1 = arith.constant 256 : i32
    %mul3A_2 = arith.muli %add3A, %mul3A_1 : i32
    "tpu.region"() ({
      %run_scoped3A = tpu.sem_alloc : memref<!tpu.dma_semaphore, #tpu.memory_space<semaphore_mem>>
      %dma_start3A_97 = tpu.memref_slice %arg3[%mul3A_2] : memref<8192xi32, #tpu.memory_space<hbm>> -> memref<256xi32, #tpu.memory_space<hbm>>
      %dma_start3A_98 = tpu.memref_slice %arg3[%mul3A_2] : memref<8192xi32, #tpu.memory_space<hbm>> -> memref<256xi32, #tpu.memory_space<hbm>>
      tpu.enqueue_dma source(%dma_start3A_98 : memref<256xi32, #tpu.memory_space<hbm>>) target(%arg5 : memref<256xi32, #tpu.memory_space<vmem>>) target_semaphore(%run_scoped3A : memref<!tpu.dma_semaphore, #tpu.memory_space<semaphore_mem>>)
      %dma_wait3A_99 = tpu.memref_slice %arg3[%mul3A_2] : memref<8192xi32, #tpu.memory_space<hbm>> -> memref<256xi32, #tpu.memory_space<hbm>>
      %dma_wait3A_100 = tpu.memref_slice %arg3[%mul3A_2] : memref<8192xi32, #tpu.memory_space<hbm>> -> memref<256xi32, #tpu.memory_space<hbm>>
      tpu.wait_dma2 semaphore(%run_scoped3A : memref<!tpu.dma_semaphore, #tpu.memory_space<semaphore_mem>>) src(%dma_wait3A_100 : memref<256xi32, #tpu.memory_space<hbm>>) dst(%arg5 : memref<256xi32, #tpu.memory_space<vmem>>)
      tpu.yield
    }) : () -> ()
    %dma_start3A = arith.constant 0 : i32
    %dma_start3A_3 = tpu.memref_slice %arg5[%dma_start3A] : memref<256xi32, #tpu.memory_space<vmem>> -> memref<32xi32, #tpu.memory_space<vmem>>
    %dma_start3A_4 = arith.constant 0 : i32
    %dma_start3A_5 = arith.constant 0 : i32
    %dma_start3A_6 = tpu.memref_slice %arg2[%dma_start3A_4, %dma_start3A_5] : memref<10240x1024xi32, #tpu.memory_space<hbm>> -> memref<10240x1024xi32, #tpu.memory_space<hbm>>
    tpu.enqueue_indirect_dma source(%dma_start3A_6 : memref<10240x1024xi32, #tpu.memory_space<hbm>>) target(%arg6 : memref<32x1024xi32, #tpu.memory_space<vmem>>) offsets(%dma_start3A_3 : memref<32xi32, #tpu.memory_space<vmem>>) semaphore(%arg8 : memref<!tpu.dma_semaphore, #tpu.memory_space<semaphore_mem>>)
    %dma_start3A_7 = arith.constant 32 : i32
    %dma_start3A_8 = tpu.memref_slice %arg5[%dma_start3A_7] : memref<256xi32, #tpu.memory_space<vmem>> -> memref<32xi32, #tpu.memory_space<vmem>>
    %dma_start3A_9 = arith.constant 0 : i32
    %dma_start3A_10 = arith.constant 0 : i32
    %dma_start3A_11 = tpu.memref_slice %arg2[%dma_start3A_9, %dma_start3A_10] : memref<10240x1024xi32, #tpu.memory_space<hbm>> -> memref<10240x1024xi32, #tpu.memory_space<hbm>>
    tpu.enqueue_indirect_dma source(%dma_start3A_11 : memref<10240x1024xi32, #tpu.memory_space<hbm>>) target(%arg7 : memref<32x1024xi32, #tpu.memory_space<vmem>>) offsets(%dma_start3A_8 : memref<32xi32, #tpu.memory_space<vmem>>) semaphore(%arg9 : memref<!tpu.dma_semaphore, #tpu.memory_space<semaphore_mem>>)
    %dma_wait3A = arith.constant 0 : i32
    %dma_wait3A_12 = tpu.memref_slice %arg5[%dma_wait3A] : memref<256xi32, #tpu.memory_space<vmem>> -> memref<32xi32, #tpu.memory_space<vmem>>
    %dma_wait3A_13 = arith.constant 0 : i32
    %dma_wait3A_14 = arith.constant 0 : i32
    %dma_wait3A_15 = tpu.memref_slice %arg2[%dma_wait3A_13, %dma_wait3A_14] : memref<10240x1024xi32, #tpu.memory_space<hbm>> -> memref<10240x1024xi32, #tpu.memory_space<hbm>>
    tpu.wait_indirect_dma semaphore(%arg8 : memref<!tpu.dma_semaphore, #tpu.memory_space<semaphore_mem>>) src(%dma_wait3A_15 : memref<10240x1024xi32, #tpu.memory_space<hbm>>) dst(%arg6 : memref<32x1024xi32, #tpu.memory_space<vmem>>)
    %add3A_16 = arith.constant 0 : i32
    %add3A_17 = arith.addi %mul3A_2, %add3A_16 : i32
    "tpu.region"() ({
      %run_scoped3A = tpu.sem_alloc : memref<!tpu.dma_semaphore, #tpu.memory_space<semaphore_mem>>
      %dma_start3A_97 = arith.constant 0 : i32
      %dma_start3A_98 = tpu.memref_slice %arg4[%add3A_17, %dma_start3A_97] : memref<8192x1024xi32, #tpu.memory_space<hbm>> -> memref<32x1024xi32, #tpu.memory_space<hbm>>
      %dma_start3A_99 = arith.constant 0 : i32
      %dma_start3A_100 = tpu.memref_slice %arg4[%add3A_17, %dma_start3A_99] : memref<8192x1024xi32, #tpu.memory_space<hbm>> -> memref<32x1024xi32, #tpu.memory_space<hbm>>
      tpu.enqueue_dma source(%arg6 : memref<32x1024xi32, #tpu.memory_space<vmem>>) target(%dma_start3A_100 : memref<32x1024xi32, #tpu.memory_space<hbm>>) target_semaphore(%run_scoped3A : memref<!tpu.dma_semaphore, #tpu.memory_space<semaphore_mem>>)
      %dma_wait3A_101 = arith.constant 0 : i32
      %dma_wait3A_102 = tpu.memref_slice %arg4[%add3A_17, %dma_wait3A_101] : memref<8192x1024xi32, #tpu.memory_space<hbm>> -> memref<32x1024xi32, #tpu.memory_space<hbm>>
      %dma_wait3A_103 = arith.constant 0 : i32
      %dma_wait3A_104 = tpu.memref_slice %arg4[%add3A_17, %dma_wait3A_103] : memref<8192x1024xi32, #tpu.memory_space<hbm>> -> memref<32x1024xi32, #tpu.memory_space<hbm>>
      tpu.wait_dma2 semaphore(%run_scoped3A : memref<!tpu.dma_semaphore, #tpu.memory_space<semaphore_mem>>) src(%arg6 : memref<32x1024xi32, #tpu.memory_space<vmem>>) dst(%dma_wait3A_104 : memref<32x1024xi32, #tpu.memory_space<hbm>>)
      tpu.yield
    }) : () -> ()
    %dma_start3A_18 = arith.constant 64 : i32
    %dma_start3A_19 = tpu.memref_slice %arg5[%dma_start3A_18] : memref<256xi32, #tpu.memory_space<vmem>> -> memref<32xi32, #tpu.memory_space<vmem>>
    %dma_start3A_20 = arith.constant 0 : i32
    %dma_start3A_21 = arith.constant 0 : i32
    %dma_start3A_22 = tpu.memref_slice %arg2[%dma_start3A_20, %dma_start3A_21] : memref<10240x1024xi32, #tpu.memory_space<hbm>> -> memref<10240x1024xi32, #tpu.memory_space<hbm>>
    tpu.enqueue_indirect_dma source(%dma_start3A_22 : memref<10240x1024xi32, #tpu.memory_space<hbm>>) target(%arg6 : memref<32x1024xi32, #tpu.memory_space<vmem>>) offsets(%dma_start3A_19 : memref<32xi32, #tpu.memory_space<vmem>>) semaphore(%arg8 : memref<!tpu.dma_semaphore, #tpu.memory_space<semaphore_mem>>)
    %dma_wait3A_23 = arith.constant 32 : i32
    %dma_wait3A_24 = tpu.memref_slice %arg5[%dma_wait3A_23] : memref<256xi32, #tpu.memory_space<vmem>> -> memref<32xi32, #tpu.memory_space<vmem>>
    %dma_wait3A_25 = arith.constant 0 : i32
    %dma_wait3A_26 = arith.constant 0 : i32
    %dma_wait3A_27 = tpu.memref_slice %arg2[%dma_wait3A_25, %dma_wait3A_26] : memref<10240x1024xi32, #tpu.memory_space<hbm>> -> memref<10240x1024xi32, #tpu.memory_space<hbm>>
    tpu.wait_indirect_dma semaphore(%arg9 : memref<!tpu.dma_semaphore, #tpu.memory_space<semaphore_mem>>) src(%dma_wait3A_27 : memref<10240x1024xi32, #tpu.memory_space<hbm>>) dst(%arg7 : memref<32x1024xi32, #tpu.memory_space<vmem>>)
    %add3A_28 = arith.constant 32 : i32
    %add3A_29 = arith.addi %mul3A_2, %add3A_28 : i32
    "tpu.region"() ({
      %run_scoped3A = tpu.sem_alloc : memref<!tpu.dma_semaphore, #tpu.memory_space<semaphore_mem>>
      %dma_start3A_97 = arith.constant 0 : i32
      %dma_start3A_98 = tpu.memref_slice %arg4[%add3A_29, %dma_start3A_97] : memref<8192x1024xi32, #tpu.memory_space<hbm>> -> memref<32x1024xi32, #tpu.memory_space<hbm>>
      %dma_start3A_99 = arith.constant 0 : i32
      %dma_start3A_100 = tpu.memref_slice %arg4[%add3A_29, %dma_start3A_99] : memref<8192x1024xi32, #tpu.memory_space<hbm>> -> memref<32x1024xi32, #tpu.memory_space<hbm>>
      tpu.enqueue_dma source(%arg7 : memref<32x1024xi32, #tpu.memory_space<vmem>>) target(%dma_start3A_100 : memref<32x1024xi32, #tpu.memory_space<hbm>>) target_semaphore(%run_scoped3A : memref<!tpu.dma_semaphore, #tpu.memory_space<semaphore_mem>>)
      %dma_wait3A_101 = arith.constant 0 : i32
      %dma_wait3A_102 = tpu.memref_slice %arg4[%add3A_29, %dma_wait3A_101] : memref<8192x1024xi32, #tpu.memory_space<hbm>> -> memref<32x1024xi32, #tpu.memory_space<hbm>>
      %dma_wait3A_103 = arith.constant 0 : i32
      %dma_wait3A_104 = tpu.memref_slice %arg4[%add3A_29, %dma_wait3A_103] : memref<8192x1024xi32, #tpu.memory_space<hbm>> -> memref<32x1024xi32, #tpu.memory_space<hbm>>
      tpu.wait_dma2 semaphore(%run_scoped3A : memref<!tpu.dma_semaphore, #tpu.memory_space<semaphore_mem>>) src(%arg7 : memref<32x1024xi32, #tpu.memory_space<vmem>>) dst(%dma_wait3A_104 : memref<32x1024xi32, #tpu.memory_space<hbm>>)
      tpu.yield
    }) : () -> ()
    %dma_start3A_30 = arith.constant 96 : i32
    %dma_start3A_31 = tpu.memref_slice %arg5[%dma_start3A_30] : memref<256xi32, #tpu.memory_space<vmem>> -> memref<32xi32, #tpu.memory_space<vmem>>
    %dma_start3A_32 = arith.constant 0 : i32
    %dma_start3A_33 = arith.constant 0 : i32
    %dma_start3A_34 = tpu.memref_slice %arg2[%dma_start3A_32, %dma_start3A_33] : memref<10240x1024xi32, #tpu.memory_space<hbm>> -> memref<10240x1024xi32, #tpu.memory_space<hbm>>
    tpu.enqueue_indirect_dma source(%dma_start3A_34 : memref<10240x1024xi32, #tpu.memory_space<hbm>>) target(%arg7 : memref<32x1024xi32, #tpu.memory_space<vmem>>) offsets(%dma_start3A_31 : memref<32xi32, #tpu.memory_space<vmem>>) semaphore(%arg9 : memref<!tpu.dma_semaphore, #tpu.memory_space<semaphore_mem>>)
    %dma_wait3A_35 = arith.constant 64 : i32
    %dma_wait3A_36 = tpu.memref_slice %arg5[%dma_wait3A_35] : memref<256xi32, #tpu.memory_space<vmem>> -> memref<32xi32, #tpu.memory_space<vmem>>
    %dma_wait3A_37 = arith.constant 0 : i32
    %dma_wait3A_38 = arith.constant 0 : i32
    %dma_wait3A_39 = tpu.memref_slice %arg2[%dma_wait3A_37, %dma_wait3A_38] : memref<10240x1024xi32, #tpu.memory_space<hbm>> -> memref<10240x1024xi32, #tpu.memory_space<hbm>>
    tpu.wait_indirect_dma semaphore(%arg8 : memref<!tpu.dma_semaphore, #tpu.memory_space<semaphore_mem>>) src(%dma_wait3A_39 : memref<10240x1024xi32, #tpu.memory_space<hbm>>) dst(%arg6 : memref<32x1024xi32, #tpu.memory_space<vmem>>)
    %add3A_40 = arith.constant 64 : i32
    %add3A_41 = arith.addi %mul3A_2, %add3A_40 : i32
    "tpu.region"() ({
      %run_scoped3A = tpu.sem_alloc : memref<!tpu.dma_semaphore, #tpu.memory_space<semaphore_mem>>
      %dma_start3A_97 = arith.constant 0 : i32
      %dma_start3A_98 = tpu.memref_slice %arg4[%add3A_41, %dma_start3A_97] : memref<8192x1024xi32, #tpu.memory_space<hbm>> -> memref<32x1024xi32, #tpu.memory_space<hbm>>
      %dma_start3A_99 = arith.constant 0 : i32
      %dma_start3A_100 = tpu.memref_slice %arg4[%add3A_41, %dma_start3A_99] : memref<8192x1024xi32, #tpu.memory_space<hbm>> -> memref<32x1024xi32, #tpu.memory_space<hbm>>
      tpu.enqueue_dma source(%arg6 : memref<32x1024xi32, #tpu.memory_space<vmem>>) target(%dma_start3A_100 : memref<32x1024xi32, #tpu.memory_space<hbm>>) target_semaphore(%run_scoped3A : memref<!tpu.dma_semaphore, #tpu.memory_space<semaphore_mem>>)
      %dma_wait3A_101 = arith.constant 0 : i32
      %dma_wait3A_102 = tpu.memref_slice %arg4[%add3A_41, %dma_wait3A_101] : memref<8192x1024xi32, #tpu.memory_space<hbm>> -> memref<32x1024xi32, #tpu.memory_space<hbm>>
      %dma_wait3A_103 = arith.constant 0 : i32
      %dma_wait3A_104 = tpu.memref_slice %arg4[%add3A_41, %dma_wait3A_103] : memref<8192x1024xi32, #tpu.memory_space<hbm>> -> memref<32x1024xi32, #tpu.memory_space<hbm>>
      tpu.wait_dma2 semaphore(%run_scoped3A : memref<!tpu.dma_semaphore, #tpu.memory_space<semaphore_mem>>) src(%arg6 : memref<32x1024xi32, #tpu.memory_space<vmem>>) dst(%dma_wait3A_104 : memref<32x1024xi32, #tpu.memory_space<hbm>>)
      tpu.yield
    }) : () -> ()
    %dma_start3A_42 = arith.constant 128 : i32
    %dma_start3A_43 = tpu.memref_slice %arg5[%dma_start3A_42] : memref<256xi32, #tpu.memory_space<vmem>> -> memref<32xi32, #tpu.memory_space<vmem>>
    %dma_start3A_44 = arith.constant 0 : i32
    %dma_start3A_45 = arith.constant 0 : i32
    %dma_start3A_46 = tpu.memref_slice %arg2[%dma_start3A_44, %dma_start3A_45] : memref<10240x1024xi32, #tpu.memory_space<hbm>> -> memref<10240x1024xi32, #tpu.memory_space<hbm>>
    tpu.enqueue_indirect_dma source(%dma_start3A_46 : memref<10240x1024xi32, #tpu.memory_space<hbm>>) target(%arg6 : memref<32x1024xi32, #tpu.memory_space<vmem>>) offsets(%dma_start3A_43 : memref<32xi32, #tpu.memory_space<vmem>>) semaphore(%arg8 : memref<!tpu.dma_semaphore, #tpu.memory_space<semaphore_mem>>)
    %dma_wait3A_47 = arith.constant 96 : i32
    %dma_wait3A_48 = tpu.memref_slice %arg5[%dma_wait3A_47] : memref<256xi32, #tpu.memory_space<vmem>> -> memref<32xi32, #tpu.memory_space<vmem>>
    %dma_wait3A_49 = arith.constant 0 : i32
    %dma_wait3A_50 = arith.constant 0 : i32
    %dma_wait3A_51 = tpu.memref_slice %arg2[%dma_wait3A_49, %dma_wait3A_50] : memref<10240x1024xi32, #tpu.memory_space<hbm>> -> memref<10240x1024xi32, #tpu.memory_space<hbm>>
    tpu.wait_indirect_dma semaphore(%arg9 : memref<!tpu.dma_semaphore, #tpu.memory_space<semaphore_mem>>) src(%dma_wait3A_51 : memref<10240x1024xi32, #tpu.memory_space<hbm>>) dst(%arg7 : memref<32x1024xi32, #tpu.memory_space<vmem>>)
    %add3A_52 = arith.constant 96 : i32
    %add3A_53 = arith.addi %mul3A_2, %add3A_52 : i32
    "tpu.region"() ({
      %run_scoped3A = tpu.sem_alloc : memref<!tpu.dma_semaphore, #tpu.memory_space<semaphore_mem>>
      %dma_start3A_97 = arith.constant 0 : i32
      %dma_start3A_98 = tpu.memref_slice %arg4[%add3A_53, %dma_start3A_97] : memref<8192x1024xi32, #tpu.memory_space<hbm>> -> memref<32x1024xi32, #tpu.memory_space<hbm>>
      %dma_start3A_99 = arith.constant 0 : i32
      %dma_start3A_100 = tpu.memref_slice %arg4[%add3A_53, %dma_start3A_99] : memref<8192x1024xi32, #tpu.memory_space<hbm>> -> memref<32x1024xi32, #tpu.memory_space<hbm>>
      tpu.enqueue_dma source(%arg7 : memref<32x1024xi32, #tpu.memory_space<vmem>>) target(%dma_start3A_100 : memref<32x1024xi32, #tpu.memory_space<hbm>>) target_semaphore(%run_scoped3A : memref<!tpu.dma_semaphore, #tpu.memory_space<semaphore_mem>>)
      %dma_wait3A_101 = arith.constant 0 : i32
      %dma_wait3A_102 = tpu.memref_slice %arg4[%add3A_53, %dma_wait3A_101] : memref<8192x1024xi32, #tpu.memory_space<hbm>> -> memref<32x1024xi32, #tpu.memory_space<hbm>>
      %dma_wait3A_103 = arith.constant 0 : i32
      %dma_wait3A_104 = tpu.memref_slice %arg4[%add3A_53, %dma_wait3A_103] : memref<8192x1024xi32, #tpu.memory_space<hbm>> -> memref<32x1024xi32, #tpu.memory_space<hbm>>
      tpu.wait_dma2 semaphore(%run_scoped3A : memref<!tpu.dma_semaphore, #tpu.memory_space<semaphore_mem>>) src(%arg7 : memref<32x1024xi32, #tpu.memory_space<vmem>>) dst(%dma_wait3A_104 : memref<32x1024xi32, #tpu.memory_space<hbm>>)
      tpu.yield
    }) : () -> ()
    %dma_start3A_54 = arith.constant 160 : i32
    %dma_start3A_55 = tpu.memref_slice %arg5[%dma_start3A_54] : memref<256xi32, #tpu.memory_space<vmem>> -> memref<32xi32, #tpu.memory_space<vmem>>
    %dma_start3A_56 = arith.constant 0 : i32
    %dma_start3A_57 = arith.constant 0 : i32
    %dma_start3A_58 = tpu.memref_slice %arg2[%dma_start3A_56, %dma_start3A_57] : memref<10240x1024xi32, #tpu.memory_space<hbm>> -> memref<10240x1024xi32, #tpu.memory_space<hbm>>
    tpu.enqueue_indirect_dma source(%dma_start3A_58 : memref<10240x1024xi32, #tpu.memory_space<hbm>>) target(%arg7 : memref<32x1024xi32, #tpu.memory_space<vmem>>) offsets(%dma_start3A_55 : memref<32xi32, #tpu.memory_space<vmem>>) semaphore(%arg9 : memref<!tpu.dma_semaphore, #tpu.memory_space<semaphore_mem>>)
    %dma_wait3A_59 = arith.constant 128 : i32
    %dma_wait3A_60 = tpu.memref_slice %arg5[%dma_wait3A_59] : memref<256xi32, #tpu.memory_space<vmem>> -> memref<32xi32, #tpu.memory_space<vmem>>
    %dma_wait3A_61 = arith.constant 0 : i32
    %dma_wait3A_62 = arith.constant 0 : i32
    %dma_wait3A_63 = tpu.memref_slice %arg2[%dma_wait3A_61, %dma_wait3A_62] : memref<10240x1024xi32, #tpu.memory_space<hbm>> -> memref<10240x1024xi32, #tpu.memory_space<hbm>>
    tpu.wait_indirect_dma semaphore(%arg8 : memref<!tpu.dma_semaphore, #tpu.memory_space<semaphore_mem>>) src(%dma_wait3A_63 : memref<10240x1024xi32, #tpu.memory_space<hbm>>) dst(%arg6 : memref<32x1024xi32, #tpu.memory_space<vmem>>)
    %add3A_64 = arith.constant 128 : i32
    %add3A_65 = arith.addi %mul3A_2, %add3A_64 : i32
    "tpu.region"() ({
      %run_scoped3A = tpu.sem_alloc : memref<!tpu.dma_semaphore, #tpu.memory_space<semaphore_mem>>
      %dma_start3A_97 = arith.constant 0 : i32
      %dma_start3A_98 = tpu.memref_slice %arg4[%add3A_65, %dma_start3A_97] : memref<8192x1024xi32, #tpu.memory_space<hbm>> -> memref<32x1024xi32, #tpu.memory_space<hbm>>
      %dma_start3A_99 = arith.constant 0 : i32
      %dma_start3A_100 = tpu.memref_slice %arg4[%add3A_65, %dma_start3A_99] : memref<8192x1024xi32, #tpu.memory_space<hbm>> -> memref<32x1024xi32, #tpu.memory_space<hbm>>
      tpu.enqueue_dma source(%arg6 : memref<32x1024xi32, #tpu.memory_space<vmem>>) target(%dma_start3A_100 : memref<32x1024xi32, #tpu.memory_space<hbm>>) target_semaphore(%run_scoped3A : memref<!tpu.dma_semaphore, #tpu.memory_space<semaphore_mem>>)
      %dma_wait3A_101 = arith.constant 0 : i32
      %dma_wait3A_102 = tpu.memref_slice %arg4[%add3A_65, %dma_wait3A_101] : memref<8192x1024xi32, #tpu.memory_space<hbm>> -> memref<32x1024xi32, #tpu.memory_space<hbm>>
      %dma_wait3A_103 = arith.constant 0 : i32
      %dma_wait3A_104 = tpu.memref_slice %arg4[%add3A_65, %dma_wait3A_103] : memref<8192x1024xi32, #tpu.memory_space<hbm>> -> memref<32x1024xi32, #tpu.memory_space<hbm>>
      tpu.wait_dma2 semaphore(%run_scoped3A : memref<!tpu.dma_semaphore, #tpu.memory_space<semaphore_mem>>) src(%arg6 : memref<32x1024xi32, #tpu.memory_space<vmem>>) dst(%dma_wait3A_104 : memref<32x1024xi32, #tpu.memory_space<hbm>>)
      tpu.yield
    }) : () -> ()
    %dma_start3A_66 = arith.constant 192 : i32
    %dma_start3A_67 = tpu.memref_slice %arg5[%dma_start3A_66] : memref<256xi32, #tpu.memory_space<vmem>> -> memref<32xi32, #tpu.memory_space<vmem>>
    %dma_start3A_68 = arith.constant 0 : i32
    %dma_start3A_69 = arith.constant 0 : i32
    %dma_start3A_70 = tpu.memref_slice %arg2[%dma_start3A_68, %dma_start3A_69] : memref<10240x1024xi32, #tpu.memory_space<hbm>> -> memref<10240x1024xi32, #tpu.memory_space<hbm>>
    tpu.enqueue_indirect_dma source(%dma_start3A_70 : memref<10240x1024xi32, #tpu.memory_space<hbm>>) target(%arg6 : memref<32x1024xi32, #tpu.memory_space<vmem>>) offsets(%dma_start3A_67 : memref<32xi32, #tpu.memory_space<vmem>>) semaphore(%arg8 : memref<!tpu.dma_semaphore, #tpu.memory_space<semaphore_mem>>)
    %dma_wait3A_71 = arith.constant 160 : i32
    %dma_wait3A_72 = tpu.memref_slice %arg5[%dma_wait3A_71] : memref<256xi32, #tpu.memory_space<vmem>> -> memref<32xi32, #tpu.memory_space<vmem>>
    %dma_wait3A_73 = arith.constant 0 : i32
    %dma_wait3A_74 = arith.constant 0 : i32
    %dma_wait3A_75 = tpu.memref_slice %arg2[%dma_wait3A_73, %dma_wait3A_74] : memref<10240x1024xi32, #tpu.memory_space<hbm>> -> memref<10240x1024xi32, #tpu.memory_space<hbm>>
    tpu.wait_indirect_dma semaphore(%arg9 : memref<!tpu.dma_semaphore, #tpu.memory_space<semaphore_mem>>) src(%dma_wait3A_75 : memref<10240x1024xi32, #tpu.memory_space<hbm>>) dst(%arg7 : memref<32x1024xi32, #tpu.memory_space<vmem>>)
    %add3A_76 = arith.constant 160 : i32
    %add3A_77 = arith.addi %mul3A_2, %add3A_76 : i32
    "tpu.region"() ({
      %run_scoped3A = tpu.sem_alloc : memref<!tpu.dma_semaphore, #tpu.memory_space<semaphore_mem>>
      %dma_start3A_97 = arith.constant 0 : i32
      %dma_start3A_98 = tpu.memref_slice %arg4[%add3A_77, %dma_start3A_97] : memref<8192x1024xi32, #tpu.memory_space<hbm>> -> memref<32x1024xi32, #tpu.memory_space<hbm>>
      %dma_start3A_99 = arith.constant 0 : i32
      %dma_start3A_100 = tpu.memref_slice %arg4[%add3A_77, %dma_start3A_99] : memref<8192x1024xi32, #tpu.memory_space<hbm>> -> memref<32x1024xi32, #tpu.memory_space<hbm>>
      tpu.enqueue_dma source(%arg7 : memref<32x1024xi32, #tpu.memory_space<vmem>>) target(%dma_start3A_100 : memref<32x1024xi32, #tpu.memory_space<hbm>>) target_semaphore(%run_scoped3A : memref<!tpu.dma_semaphore, #tpu.memory_space<semaphore_mem>>)
      %dma_wait3A_101 = arith.constant 0 : i32
      %dma_wait3A_102 = tpu.memref_slice %arg4[%add3A_77, %dma_wait3A_101] : memref<8192x1024xi32, #tpu.memory_space<hbm>> -> memref<32x1024xi32, #tpu.memory_space<hbm>>
      %dma_wait3A_103 = arith.constant 0 : i32
      %dma_wait3A_104 = tpu.memref_slice %arg4[%add3A_77, %dma_wait3A_103] : memref<8192x1024xi32, #tpu.memory_space<hbm>> -> memref<32x1024xi32, #tpu.memory_space<hbm>>
      tpu.wait_dma2 semaphore(%run_scoped3A : memref<!tpu.dma_semaphore, #tpu.memory_space<semaphore_mem>>) src(%arg7 : memref<32x1024xi32, #tpu.memory_space<vmem>>) dst(%dma_wait3A_104 : memref<32x1024xi32, #tpu.memory_space<hbm>>)
      tpu.yield
    }) : () -> ()
    %dma_start3A_78 = arith.constant 224 : i32
    %dma_start3A_79 = tpu.memref_slice %arg5[%dma_start3A_78] : memref<256xi32, #tpu.memory_space<vmem>> -> memref<32xi32, #tpu.memory_space<vmem>>
    %dma_start3A_80 = arith.constant 0 : i32
    %dma_start3A_81 = arith.constant 0 : i32
    %dma_start3A_82 = tpu.memref_slice %arg2[%dma_start3A_80, %dma_start3A_81] : memref<10240x1024xi32, #tpu.memory_space<hbm>> -> memref<10240x1024xi32, #tpu.memory_space<hbm>>
    tpu.enqueue_indirect_dma source(%dma_start3A_82 : memref<10240x1024xi32, #tpu.memory_space<hbm>>) target(%arg7 : memref<32x1024xi32, #tpu.memory_space<vmem>>) offsets(%dma_start3A_79 : memref<32xi32, #tpu.memory_space<vmem>>) semaphore(%arg9 : memref<!tpu.dma_semaphore, #tpu.memory_space<semaphore_mem>>)
    %dma_wait3A_83 = arith.constant 192 : i32
    %dma_wait3A_84 = tpu.memref_slice %arg5[%dma_wait3A_83] : memref<256xi32, #tpu.memory_space<vmem>> -> memref<32xi32, #tpu.memory_space<vmem>>
    %dma_wait3A_85 = arith.constant 0 : i32
    %dma_wait3A_86 = arith.constant 0 : i32
    %dma_wait3A_87 = tpu.memref_slice %arg2[%dma_wait3A_85, %dma_wait3A_86] : memref<10240x1024xi32, #tpu.memory_space<hbm>> -> memref<10240x1024xi32, #tpu.memory_space<hbm>>
    tpu.wait_indirect_dma semaphore(%arg8 : memref<!tpu.dma_semaphore, #tpu.memory_space<semaphore_mem>>) src(%dma_wait3A_87 : memref<10240x1024xi32, #tpu.memory_space<hbm>>) dst(%arg6 : memref<32x1024xi32, #tpu.memory_space<vmem>>)
    %add3A_88 = arith.constant 192 : i32
    %add3A_89 = arith.addi %mul3A_2, %add3A_88 : i32
    "tpu.region"() ({
      %run_scoped3A = tpu.sem_alloc : memref<!tpu.dma_semaphore, #tpu.memory_space<semaphore_mem>>
      %dma_start3A_97 = arith.constant 0 : i32
      %dma_start3A_98 = tpu.memref_slice %arg4[%add3A_89, %dma_start3A_97] : memref<8192x1024xi32, #tpu.memory_space<hbm>> -> memref<32x1024xi32, #tpu.memory_space<hbm>>
      %dma_start3A_99 = arith.constant 0 : i32
      %dma_start3A_100 = tpu.memref_slice %arg4[%add3A_89, %dma_start3A_99] : memref<8192x1024xi32, #tpu.memory_space<hbm>> -> memref<32x1024xi32, #tpu.memory_space<hbm>>
      tpu.enqueue_dma source(%arg6 : memref<32x1024xi32, #tpu.memory_space<vmem>>) target(%dma_start3A_100 : memref<32x1024xi32, #tpu.memory_space<hbm>>) target_semaphore(%run_scoped3A : memref<!tpu.dma_semaphore, #tpu.memory_space<semaphore_mem>>)
      %dma_wait3A_101 = arith.constant 0 : i32
      %dma_wait3A_102 = tpu.memref_slice %arg4[%add3A_89, %dma_wait3A_101] : memref<8192x1024xi32, #tpu.memory_space<hbm>> -> memref<32x1024xi32, #tpu.memory_space<hbm>>
      %dma_wait3A_103 = arith.constant 0 : i32
      %dma_wait3A_104 = tpu.memref_slice %arg4[%add3A_89, %dma_wait3A_103] : memref<8192x1024xi32, #tpu.memory_space<hbm>> -> memref<32x1024xi32, #tpu.memory_space<hbm>>
      tpu.wait_dma2 semaphore(%run_scoped3A : memref<!tpu.dma_semaphore, #tpu.memory_space<semaphore_mem>>) src(%arg6 : memref<32x1024xi32, #tpu.memory_space<vmem>>) dst(%dma_wait3A_104 : memref<32x1024xi32, #tpu.memory_space<hbm>>)
      tpu.yield
    }) : () -> ()
    %dma_wait3A_90 = arith.constant 224 : i32
    %dma_wait3A_91 = tpu.memref_slice %arg5[%dma_wait3A_90] : memref<256xi32, #tpu.memory_space<vmem>> -> memref<32xi32, #tpu.memory_space<vmem>>
    %dma_wait3A_92 = arith.constant 0 : i32
    %dma_wait3A_93 = arith.constant 0 : i32
    %dma_wait3A_94 = tpu.memref_slice %arg2[%dma_wait3A_92, %dma_wait3A_93] : memref<10240x1024xi32, #tpu.memory_space<hbm>> -> memref<10240x1024xi32, #tpu.memory_space<hbm>>
    tpu.wait_indirect_dma semaphore(%arg9 : memref<!tpu.dma_semaphore, #tpu.memory_space<semaphore_mem>>) src(%dma_wait3A_94 : memref<10240x1024xi32, #tpu.memory_space<hbm>>) dst(%arg7 : memref<32x1024xi32, #tpu.memory_space<vmem>>)
    %add3A_95 = arith.constant 224 : i32
    %add3A_96 = arith.addi %mul3A_2, %add3A_95 : i32
    "tpu.region"() ({
      %run_scoped3A = tpu.sem_alloc : memref<!tpu.dma_semaphore, #tpu.memory_space<semaphore_mem>>
      %dma_start3A_97 = arith.constant 0 : i32
      %dma_start3A_98 = tpu.memref_slice %arg4[%add3A_96, %dma_start3A_97] : memref<8192x1024xi32, #tpu.memory_space<hbm>> -> memref<32x1024xi32, #tpu.memory_space<hbm>>
      %dma_start3A_99 = arith.constant 0 : i32
      %dma_start3A_100 = tpu.memref_slice %arg4[%add3A_96, %dma_start3A_99] : memref<8192x1024xi32, #tpu.memory_space<hbm>> -> memref<32x1024xi32, #tpu.memory_space<hbm>>
      tpu.enqueue_dma source(%arg7 : memref<32x1024xi32, #tpu.memory_space<vmem>>) target(%dma_start3A_100 : memref<32x1024xi32, #tpu.memory_space<hbm>>) target_semaphore(%run_scoped3A : memref<!tpu.dma_semaphore, #tpu.memory_space<semaphore_mem>>)
      %dma_wait3A_101 = arith.constant 0 : i32
      %dma_wait3A_102 = tpu.memref_slice %arg4[%add3A_96, %dma_wait3A_101] : memref<8192x1024xi32, #tpu.memory_space<hbm>> -> memref<32x1024xi32, #tpu.memory_space<hbm>>
      %dma_wait3A_103 = arith.constant 0 : i32
      %dma_wait3A_104 = tpu.memref_slice %arg4[%add3A_96, %dma_wait3A_103] : memref<8192x1024xi32, #tpu.memory_space<hbm>> -> memref<32x1024xi32, #tpu.memory_space<hbm>>
      tpu.wait_dma2 semaphore(%run_scoped3A : memref<!tpu.dma_semaphore, #tpu.memory_space<semaphore_mem>>) src(%arg7 : memref<32x1024xi32, #tpu.memory_space<vmem>>) dst(%dma_wait3A_104 : memref<32x1024xi32, #tpu.memory_space<hbm>>)
      tpu.yield
    }) : () -> ()
    return
  }
}

#map = affine_map<(d0, d1) -> (0, 0)>
#map1 = affine_map<(d0, d1) -> (0)>
module attributes {stable_mosaic.version = 14 : i64} {
  func.func @gather(%arg0: i32, %arg1: i32, %arg2: memref<4096x1024xi32, #tpu.memory_space<hbm>>, %arg3: memref<10240xi32, #tpu.memory_space<hbm>>, %arg4: memref<10240x1024xi32, #tpu.memory_space<hbm>>, %arg5: memref<320xi32, #tpu.memory_space<vmem>>, %arg6: memref<32x1024xi32, #tpu.memory_space<vmem>>, %arg7: memref<32x1024xi32, #tpu.memory_space<vmem>>, %arg8: memref<!tpu.dma_semaphore, #tpu.memory_space<semaphore_mem>>, %arg9: memref<!tpu.dma_semaphore, #tpu.memory_space<semaphore_mem>>) attributes {dimension_semantics = [#tpu.dimension_semantics<core_parallel>, #tpu.dimension_semantics<subcore_parallel>], iteration_bounds = array<i64: 2, 16>, scalar_prefetch = 0 : i64, scratch_operands = 5 : i64, tpu.core_type = #tpu.core_type<sc_vector_subcore>, window_params = [{transform_indices = #map}, {transform_indices = #map1}, {transform_indices = #map}]} {
    %mul3A = arith.constant 2 : i32
    %mul3A_0 = arith.muli %arg1, %mul3A : i32
    %add3A = arith.addi %mul3A_0, %arg0 : i32
    %mul3A_1 = arith.constant 320 : i32
    %mul3A_2 = arith.muli %add3A, %mul3A_1 : i32
    "tpu.region"() ({
      %run_scoped3A = tpu.sem_alloc : memref<!tpu.dma_semaphore, #tpu.memory_space<semaphore_mem>>
      %dma_start3A_121 = tpu.memref_slice %arg3[%mul3A_2] : memref<10240xi32, #tpu.memory_space<hbm>> -> memref<320xi32, #tpu.memory_space<hbm>>
      %dma_start3A_122 = tpu.memref_slice %arg3[%mul3A_2] : memref<10240xi32, #tpu.memory_space<hbm>> -> memref<320xi32, #tpu.memory_space<hbm>>
      tpu.enqueue_dma source(%dma_start3A_122 : memref<320xi32, #tpu.memory_space<hbm>>) target(%arg5 : memref<320xi32, #tpu.memory_space<vmem>>) target_semaphore(%run_scoped3A : memref<!tpu.dma_semaphore, #tpu.memory_space<semaphore_mem>>)
      %dma_wait3A_123 = tpu.memref_slice %arg3[%mul3A_2] : memref<10240xi32, #tpu.memory_space<hbm>> -> memref<320xi32, #tpu.memory_space<hbm>>
      %dma_wait3A_124 = tpu.memref_slice %arg3[%mul3A_2] : memref<10240xi32, #tpu.memory_space<hbm>> -> memref<320xi32, #tpu.memory_space<hbm>>
      tpu.wait_dma2 semaphore(%run_scoped3A : memref<!tpu.dma_semaphore, #tpu.memory_space<semaphore_mem>>) src(%dma_wait3A_124 : memref<320xi32, #tpu.memory_space<hbm>>) dst(%arg5 : memref<320xi32, #tpu.memory_space<vmem>>)
      tpu.yield
    }) : () -> ()
    %dma_start3A = arith.constant 0 : i32
    %dma_start3A_3 = tpu.memref_slice %arg5[%dma_start3A] : memref<320xi32, #tpu.memory_space<vmem>> -> memref<32xi32, #tpu.memory_space<vmem>>
    %dma_start3A_4 = arith.constant 0 : i32
    %dma_start3A_5 = arith.constant 0 : i32
    %dma_start3A_6 = tpu.memref_slice %arg2[%dma_start3A_4, %dma_start3A_5] : memref<4096x1024xi32, #tpu.memory_space<hbm>> -> memref<4096x1024xi32, #tpu.memory_space<hbm>>
    tpu.enqueue_indirect_dma source(%dma_start3A_6 : memref<4096x1024xi32, #tpu.memory_space<hbm>>) target(%arg6 : memref<32x1024xi32, #tpu.memory_space<vmem>>) offsets(%dma_start3A_3 : memref<32xi32, #tpu.memory_space<vmem>>) semaphore(%arg8 : memref<!tpu.dma_semaphore, #tpu.memory_space<semaphore_mem>>)
    %dma_start3A_7 = arith.constant 32 : i32
    %dma_start3A_8 = tpu.memref_slice %arg5[%dma_start3A_7] : memref<320xi32, #tpu.memory_space<vmem>> -> memref<32xi32, #tpu.memory_space<vmem>>
    %dma_start3A_9 = arith.constant 0 : i32
    %dma_start3A_10 = arith.constant 0 : i32
    %dma_start3A_11 = tpu.memref_slice %arg2[%dma_start3A_9, %dma_start3A_10] : memref<4096x1024xi32, #tpu.memory_space<hbm>> -> memref<4096x1024xi32, #tpu.memory_space<hbm>>
    tpu.enqueue_indirect_dma source(%dma_start3A_11 : memref<4096x1024xi32, #tpu.memory_space<hbm>>) target(%arg7 : memref<32x1024xi32, #tpu.memory_space<vmem>>) offsets(%dma_start3A_8 : memref<32xi32, #tpu.memory_space<vmem>>) semaphore(%arg9 : memref<!tpu.dma_semaphore, #tpu.memory_space<semaphore_mem>>)
    %dma_wait3A = arith.constant 0 : i32
    %dma_wait3A_12 = tpu.memref_slice %arg5[%dma_wait3A] : memref<320xi32, #tpu.memory_space<vmem>> -> memref<32xi32, #tpu.memory_space<vmem>>
    %dma_wait3A_13 = arith.constant 0 : i32
    %dma_wait3A_14 = arith.constant 0 : i32
    %dma_wait3A_15 = tpu.memref_slice %arg2[%dma_wait3A_13, %dma_wait3A_14] : memref<4096x1024xi32, #tpu.memory_space<hbm>> -> memref<4096x1024xi32, #tpu.memory_space<hbm>>
    tpu.wait_indirect_dma semaphore(%arg8 : memref<!tpu.dma_semaphore, #tpu.memory_space<semaphore_mem>>) src(%dma_wait3A_15 : memref<4096x1024xi32, #tpu.memory_space<hbm>>) dst(%arg6 : memref<32x1024xi32, #tpu.memory_space<vmem>>)
    %add3A_16 = arith.constant 0 : i32
    %add3A_17 = arith.addi %mul3A_2, %add3A_16 : i32
    "tpu.region"() ({
      %run_scoped3A = tpu.sem_alloc : memref<!tpu.dma_semaphore, #tpu.memory_space<semaphore_mem>>
      %dma_start3A_121 = arith.constant 0 : i32
      %dma_start3A_122 = tpu.memref_slice %arg4[%add3A_17, %dma_start3A_121] : memref<10240x1024xi32, #tpu.memory_space<hbm>> -> memref<32x1024xi32, #tpu.memory_space<hbm>>
      %dma_start3A_123 = arith.constant 0 : i32
      %dma_start3A_124 = tpu.memref_slice %arg4[%add3A_17, %dma_start3A_123] : memref<10240x1024xi32, #tpu.memory_space<hbm>> -> memref<32x1024xi32, #tpu.memory_space<hbm>>
      tpu.enqueue_dma source(%arg6 : memref<32x1024xi32, #tpu.memory_space<vmem>>) target(%dma_start3A_124 : memref<32x1024xi32, #tpu.memory_space<hbm>>) target_semaphore(%run_scoped3A : memref<!tpu.dma_semaphore, #tpu.memory_space<semaphore_mem>>)
      %dma_wait3A_125 = arith.constant 0 : i32
      %dma_wait3A_126 = tpu.memref_slice %arg4[%add3A_17, %dma_wait3A_125] : memref<10240x1024xi32, #tpu.memory_space<hbm>> -> memref<32x1024xi32, #tpu.memory_space<hbm>>
      %dma_wait3A_127 = arith.constant 0 : i32
      %dma_wait3A_128 = tpu.memref_slice %arg4[%add3A_17, %dma_wait3A_127] : memref<10240x1024xi32, #tpu.memory_space<hbm>> -> memref<32x1024xi32, #tpu.memory_space<hbm>>
      tpu.wait_dma2 semaphore(%run_scoped3A : memref<!tpu.dma_semaphore, #tpu.memory_space<semaphore_mem>>) src(%arg6 : memref<32x1024xi32, #tpu.memory_space<vmem>>) dst(%dma_wait3A_128 : memref<32x1024xi32, #tpu.memory_space<hbm>>)
      tpu.yield
    }) : () -> ()
    %dma_start3A_18 = arith.constant 64 : i32
    %dma_start3A_19 = tpu.memref_slice %arg5[%dma_start3A_18] : memref<320xi32, #tpu.memory_space<vmem>> -> memref<32xi32, #tpu.memory_space<vmem>>
    %dma_start3A_20 = arith.constant 0 : i32
    %dma_start3A_21 = arith.constant 0 : i32
    %dma_start3A_22 = tpu.memref_slice %arg2[%dma_start3A_20, %dma_start3A_21] : memref<4096x1024xi32, #tpu.memory_space<hbm>> -> memref<4096x1024xi32, #tpu.memory_space<hbm>>
    tpu.enqueue_indirect_dma source(%dma_start3A_22 : memref<4096x1024xi32, #tpu.memory_space<hbm>>) target(%arg6 : memref<32x1024xi32, #tpu.memory_space<vmem>>) offsets(%dma_start3A_19 : memref<32xi32, #tpu.memory_space<vmem>>) semaphore(%arg8 : memref<!tpu.dma_semaphore, #tpu.memory_space<semaphore_mem>>)
    %dma_wait3A_23 = arith.constant 32 : i32
    %dma_wait3A_24 = tpu.memref_slice %arg5[%dma_wait3A_23] : memref<320xi32, #tpu.memory_space<vmem>> -> memref<32xi32, #tpu.memory_space<vmem>>
    %dma_wait3A_25 = arith.constant 0 : i32
    %dma_wait3A_26 = arith.constant 0 : i32
    %dma_wait3A_27 = tpu.memref_slice %arg2[%dma_wait3A_25, %dma_wait3A_26] : memref<4096x1024xi32, #tpu.memory_space<hbm>> -> memref<4096x1024xi32, #tpu.memory_space<hbm>>
    tpu.wait_indirect_dma semaphore(%arg9 : memref<!tpu.dma_semaphore, #tpu.memory_space<semaphore_mem>>) src(%dma_wait3A_27 : memref<4096x1024xi32, #tpu.memory_space<hbm>>) dst(%arg7 : memref<32x1024xi32, #tpu.memory_space<vmem>>)
    %add3A_28 = arith.constant 32 : i32
    %add3A_29 = arith.addi %mul3A_2, %add3A_28 : i32
    "tpu.region"() ({
      %run_scoped3A = tpu.sem_alloc : memref<!tpu.dma_semaphore, #tpu.memory_space<semaphore_mem>>
      %dma_start3A_121 = arith.constant 0 : i32
      %dma_start3A_122 = tpu.memref_slice %arg4[%add3A_29, %dma_start3A_121] : memref<10240x1024xi32, #tpu.memory_space<hbm>> -> memref<32x1024xi32, #tpu.memory_space<hbm>>
      %dma_start3A_123 = arith.constant 0 : i32
      %dma_start3A_124 = tpu.memref_slice %arg4[%add3A_29, %dma_start3A_123] : memref<10240x1024xi32, #tpu.memory_space<hbm>> -> memref<32x1024xi32, #tpu.memory_space<hbm>>
      tpu.enqueue_dma source(%arg7 : memref<32x1024xi32, #tpu.memory_space<vmem>>) target(%dma_start3A_124 : memref<32x1024xi32, #tpu.memory_space<hbm>>) target_semaphore(%run_scoped3A : memref<!tpu.dma_semaphore, #tpu.memory_space<semaphore_mem>>)
      %dma_wait3A_125 = arith.constant 0 : i32
      %dma_wait3A_126 = tpu.memref_slice %arg4[%add3A_29, %dma_wait3A_125] : memref<10240x1024xi32, #tpu.memory_space<hbm>> -> memref<32x1024xi32, #tpu.memory_space<hbm>>
      %dma_wait3A_127 = arith.constant 0 : i32
      %dma_wait3A_128 = tpu.memref_slice %arg4[%add3A_29, %dma_wait3A_127] : memref<10240x1024xi32, #tpu.memory_space<hbm>> -> memref<32x1024xi32, #tpu.memory_space<hbm>>
      tpu.wait_dma2 semaphore(%run_scoped3A : memref<!tpu.dma_semaphore, #tpu.memory_space<semaphore_mem>>) src(%arg7 : memref<32x1024xi32, #tpu.memory_space<vmem>>) dst(%dma_wait3A_128 : memref<32x1024xi32, #tpu.memory_space<hbm>>)
      tpu.yield
    }) : () -> ()
    %dma_start3A_30 = arith.constant 96 : i32
    %dma_start3A_31 = tpu.memref_slice %arg5[%dma_start3A_30] : memref<320xi32, #tpu.memory_space<vmem>> -> memref<32xi32, #tpu.memory_space<vmem>>
    %dma_start3A_32 = arith.constant 0 : i32
    %dma_start3A_33 = arith.constant 0 : i32
    %dma_start3A_34 = tpu.memref_slice %arg2[%dma_start3A_32, %dma_start3A_33] : memref<4096x1024xi32, #tpu.memory_space<hbm>> -> memref<4096x1024xi32, #tpu.memory_space<hbm>>
    tpu.enqueue_indirect_dma source(%dma_start3A_34 : memref<4096x1024xi32, #tpu.memory_space<hbm>>) target(%arg7 : memref<32x1024xi32, #tpu.memory_space<vmem>>) offsets(%dma_start3A_31 : memref<32xi32, #tpu.memory_space<vmem>>) semaphore(%arg9 : memref<!tpu.dma_semaphore, #tpu.memory_space<semaphore_mem>>)
    %dma_wait3A_35 = arith.constant 64 : i32
    %dma_wait3A_36 = tpu.memref_slice %arg5[%dma_wait3A_35] : memref<320xi32, #tpu.memory_space<vmem>> -> memref<32xi32, #tpu.memory_space<vmem>>
    %dma_wait3A_37 = arith.constant 0 : i32
    %dma_wait3A_38 = arith.constant 0 : i32
    %dma_wait3A_39 = tpu.memref_slice %arg2[%dma_wait3A_37, %dma_wait3A_38] : memref<4096x1024xi32, #tpu.memory_space<hbm>> -> memref<4096x1024xi32, #tpu.memory_space<hbm>>
    tpu.wait_indirect_dma semaphore(%arg8 : memref<!tpu.dma_semaphore, #tpu.memory_space<semaphore_mem>>) src(%dma_wait3A_39 : memref<4096x1024xi32, #tpu.memory_space<hbm>>) dst(%arg6 : memref<32x1024xi32, #tpu.memory_space<vmem>>)
    %add3A_40 = arith.constant 64 : i32
    %add3A_41 = arith.addi %mul3A_2, %add3A_40 : i32
    "tpu.region"() ({
      %run_scoped3A = tpu.sem_alloc : memref<!tpu.dma_semaphore, #tpu.memory_space<semaphore_mem>>
      %dma_start3A_121 = arith.constant 0 : i32
      %dma_start3A_122 = tpu.memref_slice %arg4[%add3A_41, %dma_start3A_121] : memref<10240x1024xi32, #tpu.memory_space<hbm>> -> memref<32x1024xi32, #tpu.memory_space<hbm>>
      %dma_start3A_123 = arith.constant 0 : i32
      %dma_start3A_124 = tpu.memref_slice %arg4[%add3A_41, %dma_start3A_123] : memref<10240x1024xi32, #tpu.memory_space<hbm>> -> memref<32x1024xi32, #tpu.memory_space<hbm>>
      tpu.enqueue_dma source(%arg6 : memref<32x1024xi32, #tpu.memory_space<vmem>>) target(%dma_start3A_124 : memref<32x1024xi32, #tpu.memory_space<hbm>>) target_semaphore(%run_scoped3A : memref<!tpu.dma_semaphore, #tpu.memory_space<semaphore_mem>>)
      %dma_wait3A_125 = arith.constant 0 : i32
      %dma_wait3A_126 = tpu.memref_slice %arg4[%add3A_41, %dma_wait3A_125] : memref<10240x1024xi32, #tpu.memory_space<hbm>> -> memref<32x1024xi32, #tpu.memory_space<hbm>>
      %dma_wait3A_127 = arith.constant 0 : i32
      %dma_wait3A_128 = tpu.memref_slice %arg4[%add3A_41, %dma_wait3A_127] : memref<10240x1024xi32, #tpu.memory_space<hbm>> -> memref<32x1024xi32, #tpu.memory_space<hbm>>
      tpu.wait_dma2 semaphore(%run_scoped3A : memref<!tpu.dma_semaphore, #tpu.memory_space<semaphore_mem>>) src(%arg6 : memref<32x1024xi32, #tpu.memory_space<vmem>>) dst(%dma_wait3A_128 : memref<32x1024xi32, #tpu.memory_space<hbm>>)
      tpu.yield
    }) : () -> ()
    %dma_start3A_42 = arith.constant 128 : i32
    %dma_start3A_43 = tpu.memref_slice %arg5[%dma_start3A_42] : memref<320xi32, #tpu.memory_space<vmem>> -> memref<32xi32, #tpu.memory_space<vmem>>
    %dma_start3A_44 = arith.constant 0 : i32
    %dma_start3A_45 = arith.constant 0 : i32
    %dma_start3A_46 = tpu.memref_slice %arg2[%dma_start3A_44, %dma_start3A_45] : memref<4096x1024xi32, #tpu.memory_space<hbm>> -> memref<4096x1024xi32, #tpu.memory_space<hbm>>
    tpu.enqueue_indirect_dma source(%dma_start3A_46 : memref<4096x1024xi32, #tpu.memory_space<hbm>>) target(%arg6 : memref<32x1024xi32, #tpu.memory_space<vmem>>) offsets(%dma_start3A_43 : memref<32xi32, #tpu.memory_space<vmem>>) semaphore(%arg8 : memref<!tpu.dma_semaphore, #tpu.memory_space<semaphore_mem>>)
    %dma_wait3A_47 = arith.constant 96 : i32
    %dma_wait3A_48 = tpu.memref_slice %arg5[%dma_wait3A_47] : memref<320xi32, #tpu.memory_space<vmem>> -> memref<32xi32, #tpu.memory_space<vmem>>
    %dma_wait3A_49 = arith.constant 0 : i32
    %dma_wait3A_50 = arith.constant 0 : i32
    %dma_wait3A_51 = tpu.memref_slice %arg2[%dma_wait3A_49, %dma_wait3A_50] : memref<4096x1024xi32, #tpu.memory_space<hbm>> -> memref<4096x1024xi32, #tpu.memory_space<hbm>>
    tpu.wait_indirect_dma semaphore(%arg9 : memref<!tpu.dma_semaphore, #tpu.memory_space<semaphore_mem>>) src(%dma_wait3A_51 : memref<4096x1024xi32, #tpu.memory_space<hbm>>) dst(%arg7 : memref<32x1024xi32, #tpu.memory_space<vmem>>)
    %add3A_52 = arith.constant 96 : i32
    %add3A_53 = arith.addi %mul3A_2, %add3A_52 : i32
    "tpu.region"() ({
      %run_scoped3A = tpu.sem_alloc : memref<!tpu.dma_semaphore, #tpu.memory_space<semaphore_mem>>
      %dma_start3A_121 = arith.constant 0 : i32
      %dma_start3A_122 = tpu.memref_slice %arg4[%add3A_53, %dma_start3A_121] : memref<10240x1024xi32, #tpu.memory_space<hbm>> -> memref<32x1024xi32, #tpu.memory_space<hbm>>
      %dma_start3A_123 = arith.constant 0 : i32
      %dma_start3A_124 = tpu.memref_slice %arg4[%add3A_53, %dma_start3A_123] : memref<10240x1024xi32, #tpu.memory_space<hbm>> -> memref<32x1024xi32, #tpu.memory_space<hbm>>
      tpu.enqueue_dma source(%arg7 : memref<32x1024xi32, #tpu.memory_space<vmem>>) target(%dma_start3A_124 : memref<32x1024xi32, #tpu.memory_space<hbm>>) target_semaphore(%run_scoped3A : memref<!tpu.dma_semaphore, #tpu.memory_space<semaphore_mem>>)
      %dma_wait3A_125 = arith.constant 0 : i32
      %dma_wait3A_126 = tpu.memref_slice %arg4[%add3A_53, %dma_wait3A_125] : memref<10240x1024xi32, #tpu.memory_space<hbm>> -> memref<32x1024xi32, #tpu.memory_space<hbm>>
      %dma_wait3A_127 = arith.constant 0 : i32
      %dma_wait3A_128 = tpu.memref_slice %arg4[%add3A_53, %dma_wait3A_127] : memref<10240x1024xi32, #tpu.memory_space<hbm>> -> memref<32x1024xi32, #tpu.memory_space<hbm>>
      tpu.wait_dma2 semaphore(%run_scoped3A : memref<!tpu.dma_semaphore, #tpu.memory_space<semaphore_mem>>) src(%arg7 : memref<32x1024xi32, #tpu.memory_space<vmem>>) dst(%dma_wait3A_128 : memref<32x1024xi32, #tpu.memory_space<hbm>>)
      tpu.yield
    }) : () -> ()
    %dma_start3A_54 = arith.constant 160 : i32
    %dma_start3A_55 = tpu.memref_slice %arg5[%dma_start3A_54] : memref<320xi32, #tpu.memory_space<vmem>> -> memref<32xi32, #tpu.memory_space<vmem>>
    %dma_start3A_56 = arith.constant 0 : i32
    %dma_start3A_57 = arith.constant 0 : i32
    %dma_start3A_58 = tpu.memref_slice %arg2[%dma_start3A_56, %dma_start3A_57] : memref<4096x1024xi32, #tpu.memory_space<hbm>> -> memref<4096x1024xi32, #tpu.memory_space<hbm>>
    tpu.enqueue_indirect_dma source(%dma_start3A_58 : memref<4096x1024xi32, #tpu.memory_space<hbm>>) target(%arg7 : memref<32x1024xi32, #tpu.memory_space<vmem>>) offsets(%dma_start3A_55 : memref<32xi32, #tpu.memory_space<vmem>>) semaphore(%arg9 : memref<!tpu.dma_semaphore, #tpu.memory_space<semaphore_mem>>)
    %dma_wait3A_59 = arith.constant 128 : i32
    %dma_wait3A_60 = tpu.memref_slice %arg5[%dma_wait3A_59] : memref<320xi32, #tpu.memory_space<vmem>> -> memref<32xi32, #tpu.memory_space<vmem>>
    %dma_wait3A_61 = arith.constant 0 : i32
    %dma_wait3A_62 = arith.constant 0 : i32
    %dma_wait3A_63 = tpu.memref_slice %arg2[%dma_wait3A_61, %dma_wait3A_62] : memref<4096x1024xi32, #tpu.memory_space<hbm>> -> memref<4096x1024xi32, #tpu.memory_space<hbm>>
    tpu.wait_indirect_dma semaphore(%arg8 : memref<!tpu.dma_semaphore, #tpu.memory_space<semaphore_mem>>) src(%dma_wait3A_63 : memref<4096x1024xi32, #tpu.memory_space<hbm>>) dst(%arg6 : memref<32x1024xi32, #tpu.memory_space<vmem>>)
    %add3A_64 = arith.constant 128 : i32
    %add3A_65 = arith.addi %mul3A_2, %add3A_64 : i32
    "tpu.region"() ({
      %run_scoped3A = tpu.sem_alloc : memref<!tpu.dma_semaphore, #tpu.memory_space<semaphore_mem>>
      %dma_start3A_121 = arith.constant 0 : i32
      %dma_start3A_122 = tpu.memref_slice %arg4[%add3A_65, %dma_start3A_121] : memref<10240x1024xi32, #tpu.memory_space<hbm>> -> memref<32x1024xi32, #tpu.memory_space<hbm>>
      %dma_start3A_123 = arith.constant 0 : i32
      %dma_start3A_124 = tpu.memref_slice %arg4[%add3A_65, %dma_start3A_123] : memref<10240x1024xi32, #tpu.memory_space<hbm>> -> memref<32x1024xi32, #tpu.memory_space<hbm>>
      tpu.enqueue_dma source(%arg6 : memref<32x1024xi32, #tpu.memory_space<vmem>>) target(%dma_start3A_124 : memref<32x1024xi32, #tpu.memory_space<hbm>>) target_semaphore(%run_scoped3A : memref<!tpu.dma_semaphore, #tpu.memory_space<semaphore_mem>>)
      %dma_wait3A_125 = arith.constant 0 : i32
      %dma_wait3A_126 = tpu.memref_slice %arg4[%add3A_65, %dma_wait3A_125] : memref<10240x1024xi32, #tpu.memory_space<hbm>> -> memref<32x1024xi32, #tpu.memory_space<hbm>>
      %dma_wait3A_127 = arith.constant 0 : i32
      %dma_wait3A_128 = tpu.memref_slice %arg4[%add3A_65, %dma_wait3A_127] : memref<10240x1024xi32, #tpu.memory_space<hbm>> -> memref<32x1024xi32, #tpu.memory_space<hbm>>
      tpu.wait_dma2 semaphore(%run_scoped3A : memref<!tpu.dma_semaphore, #tpu.memory_space<semaphore_mem>>) src(%arg6 : memref<32x1024xi32, #tpu.memory_space<vmem>>) dst(%dma_wait3A_128 : memref<32x1024xi32, #tpu.memory_space<hbm>>)
      tpu.yield
    }) : () -> ()
    %dma_start3A_66 = arith.constant 192 : i32
    %dma_start3A_67 = tpu.memref_slice %arg5[%dma_start3A_66] : memref<320xi32, #tpu.memory_space<vmem>> -> memref<32xi32, #tpu.memory_space<vmem>>
    %dma_start3A_68 = arith.constant 0 : i32
    %dma_start3A_69 = arith.constant 0 : i32
    %dma_start3A_70 = tpu.memref_slice %arg2[%dma_start3A_68, %dma_start3A_69] : memref<4096x1024xi32, #tpu.memory_space<hbm>> -> memref<4096x1024xi32, #tpu.memory_space<hbm>>
    tpu.enqueue_indirect_dma source(%dma_start3A_70 : memref<4096x1024xi32, #tpu.memory_space<hbm>>) target(%arg6 : memref<32x1024xi32, #tpu.memory_space<vmem>>) offsets(%dma_start3A_67 : memref<32xi32, #tpu.memory_space<vmem>>) semaphore(%arg8 : memref<!tpu.dma_semaphore, #tpu.memory_space<semaphore_mem>>)
    %dma_wait3A_71 = arith.constant 160 : i32
    %dma_wait3A_72 = tpu.memref_slice %arg5[%dma_wait3A_71] : memref<320xi32, #tpu.memory_space<vmem>> -> memref<32xi32, #tpu.memory_space<vmem>>
    %dma_wait3A_73 = arith.constant 0 : i32
    %dma_wait3A_74 = arith.constant 0 : i32
    %dma_wait3A_75 = tpu.memref_slice %arg2[%dma_wait3A_73, %dma_wait3A_74] : memref<4096x1024xi32, #tpu.memory_space<hbm>> -> memref<4096x1024xi32, #tpu.memory_space<hbm>>
    tpu.wait_indirect_dma semaphore(%arg9 : memref<!tpu.dma_semaphore, #tpu.memory_space<semaphore_mem>>) src(%dma_wait3A_75 : memref<4096x1024xi32, #tpu.memory_space<hbm>>) dst(%arg7 : memref<32x1024xi32, #tpu.memory_space<vmem>>)
    %add3A_76 = arith.constant 160 : i32
    %add3A_77 = arith.addi %mul3A_2, %add3A_76 : i32
    "tpu.region"() ({
      %run_scoped3A = tpu.sem_alloc : memref<!tpu.dma_semaphore, #tpu.memory_space<semaphore_mem>>
      %dma_start3A_121 = arith.constant 0 : i32
      %dma_start3A_122 = tpu.memref_slice %arg4[%add3A_77, %dma_start3A_121] : memref<10240x1024xi32, #tpu.memory_space<hbm>> -> memref<32x1024xi32, #tpu.memory_space<hbm>>
      %dma_start3A_123 = arith.constant 0 : i32
      %dma_start3A_124 = tpu.memref_slice %arg4[%add3A_77, %dma_start3A_123] : memref<10240x1024xi32, #tpu.memory_space<hbm>> -> memref<32x1024xi32, #tpu.memory_space<hbm>>
      tpu.enqueue_dma source(%arg7 : memref<32x1024xi32, #tpu.memory_space<vmem>>) target(%dma_start3A_124 : memref<32x1024xi32, #tpu.memory_space<hbm>>) target_semaphore(%run_scoped3A : memref<!tpu.dma_semaphore, #tpu.memory_space<semaphore_mem>>)
      %dma_wait3A_125 = arith.constant 0 : i32
      %dma_wait3A_126 = tpu.memref_slice %arg4[%add3A_77, %dma_wait3A_125] : memref<10240x1024xi32, #tpu.memory_space<hbm>> -> memref<32x1024xi32, #tpu.memory_space<hbm>>
      %dma_wait3A_127 = arith.constant 0 : i32
      %dma_wait3A_128 = tpu.memref_slice %arg4[%add3A_77, %dma_wait3A_127] : memref<10240x1024xi32, #tpu.memory_space<hbm>> -> memref<32x1024xi32, #tpu.memory_space<hbm>>
      tpu.wait_dma2 semaphore(%run_scoped3A : memref<!tpu.dma_semaphore, #tpu.memory_space<semaphore_mem>>) src(%arg7 : memref<32x1024xi32, #tpu.memory_space<vmem>>) dst(%dma_wait3A_128 : memref<32x1024xi32, #tpu.memory_space<hbm>>)
      tpu.yield
    }) : () -> ()
    %dma_start3A_78 = arith.constant 224 : i32
    %dma_start3A_79 = tpu.memref_slice %arg5[%dma_start3A_78] : memref<320xi32, #tpu.memory_space<vmem>> -> memref<32xi32, #tpu.memory_space<vmem>>
    %dma_start3A_80 = arith.constant 0 : i32
    %dma_start3A_81 = arith.constant 0 : i32
    %dma_start3A_82 = tpu.memref_slice %arg2[%dma_start3A_80, %dma_start3A_81] : memref<4096x1024xi32, #tpu.memory_space<hbm>> -> memref<4096x1024xi32, #tpu.memory_space<hbm>>
    tpu.enqueue_indirect_dma source(%dma_start3A_82 : memref<4096x1024xi32, #tpu.memory_space<hbm>>) target(%arg7 : memref<32x1024xi32, #tpu.memory_space<vmem>>) offsets(%dma_start3A_79 : memref<32xi32, #tpu.memory_space<vmem>>) semaphore(%arg9 : memref<!tpu.dma_semaphore, #tpu.memory_space<semaphore_mem>>)
    %dma_wait3A_83 = arith.constant 192 : i32
    %dma_wait3A_84 = tpu.memref_slice %arg5[%dma_wait3A_83] : memref<320xi32, #tpu.memory_space<vmem>> -> memref<32xi32, #tpu.memory_space<vmem>>
    %dma_wait3A_85 = arith.constant 0 : i32
    %dma_wait3A_86 = arith.constant 0 : i32
    %dma_wait3A_87 = tpu.memref_slice %arg2[%dma_wait3A_85, %dma_wait3A_86] : memref<4096x1024xi32, #tpu.memory_space<hbm>> -> memref<4096x1024xi32, #tpu.memory_space<hbm>>
    tpu.wait_indirect_dma semaphore(%arg8 : memref<!tpu.dma_semaphore, #tpu.memory_space<semaphore_mem>>) src(%dma_wait3A_87 : memref<4096x1024xi32, #tpu.memory_space<hbm>>) dst(%arg6 : memref<32x1024xi32, #tpu.memory_space<vmem>>)
    %add3A_88 = arith.constant 192 : i32
    %add3A_89 = arith.addi %mul3A_2, %add3A_88 : i32
    "tpu.region"() ({
      %run_scoped3A = tpu.sem_alloc : memref<!tpu.dma_semaphore, #tpu.memory_space<semaphore_mem>>
      %dma_start3A_121 = arith.constant 0 : i32
      %dma_start3A_122 = tpu.memref_slice %arg4[%add3A_89, %dma_start3A_121] : memref<10240x1024xi32, #tpu.memory_space<hbm>> -> memref<32x1024xi32, #tpu.memory_space<hbm>>
      %dma_start3A_123 = arith.constant 0 : i32
      %dma_start3A_124 = tpu.memref_slice %arg4[%add3A_89, %dma_start3A_123] : memref<10240x1024xi32, #tpu.memory_space<hbm>> -> memref<32x1024xi32, #tpu.memory_space<hbm>>
      tpu.enqueue_dma source(%arg6 : memref<32x1024xi32, #tpu.memory_space<vmem>>) target(%dma_start3A_124 : memref<32x1024xi32, #tpu.memory_space<hbm>>) target_semaphore(%run_scoped3A : memref<!tpu.dma_semaphore, #tpu.memory_space<semaphore_mem>>)
      %dma_wait3A_125 = arith.constant 0 : i32
      %dma_wait3A_126 = tpu.memref_slice %arg4[%add3A_89, %dma_wait3A_125] : memref<10240x1024xi32, #tpu.memory_space<hbm>> -> memref<32x1024xi32, #tpu.memory_space<hbm>>
      %dma_wait3A_127 = arith.constant 0 : i32
      %dma_wait3A_128 = tpu.memref_slice %arg4[%add3A_89, %dma_wait3A_127] : memref<10240x1024xi32, #tpu.memory_space<hbm>> -> memref<32x1024xi32, #tpu.memory_space<hbm>>
      tpu.wait_dma2 semaphore(%run_scoped3A : memref<!tpu.dma_semaphore, #tpu.memory_space<semaphore_mem>>) src(%arg6 : memref<32x1024xi32, #tpu.memory_space<vmem>>) dst(%dma_wait3A_128 : memref<32x1024xi32, #tpu.memory_space<hbm>>)
      tpu.yield
    }) : () -> ()
    %dma_start3A_90 = arith.constant 256 : i32
    %dma_start3A_91 = tpu.memref_slice %arg5[%dma_start3A_90] : memref<320xi32, #tpu.memory_space<vmem>> -> memref<32xi32, #tpu.memory_space<vmem>>
    %dma_start3A_92 = arith.constant 0 : i32
    %dma_start3A_93 = arith.constant 0 : i32
    %dma_start3A_94 = tpu.memref_slice %arg2[%dma_start3A_92, %dma_start3A_93] : memref<4096x1024xi32, #tpu.memory_space<hbm>> -> memref<4096x1024xi32, #tpu.memory_space<hbm>>
    tpu.enqueue_indirect_dma source(%dma_start3A_94 : memref<4096x1024xi32, #tpu.memory_space<hbm>>) target(%arg6 : memref<32x1024xi32, #tpu.memory_space<vmem>>) offsets(%dma_start3A_91 : memref<32xi32, #tpu.memory_space<vmem>>) semaphore(%arg8 : memref<!tpu.dma_semaphore, #tpu.memory_space<semaphore_mem>>)
    %dma_wait3A_95 = arith.constant 224 : i32
    %dma_wait3A_96 = tpu.memref_slice %arg5[%dma_wait3A_95] : memref<320xi32, #tpu.memory_space<vmem>> -> memref<32xi32, #tpu.memory_space<vmem>>
    %dma_wait3A_97 = arith.constant 0 : i32
    %dma_wait3A_98 = arith.constant 0 : i32
    %dma_wait3A_99 = tpu.memref_slice %arg2[%dma_wait3A_97, %dma_wait3A_98] : memref<4096x1024xi32, #tpu.memory_space<hbm>> -> memref<4096x1024xi32, #tpu.memory_space<hbm>>
    tpu.wait_indirect_dma semaphore(%arg9 : memref<!tpu.dma_semaphore, #tpu.memory_space<semaphore_mem>>) src(%dma_wait3A_99 : memref<4096x1024xi32, #tpu.memory_space<hbm>>) dst(%arg7 : memref<32x1024xi32, #tpu.memory_space<vmem>>)
    %add3A_100 = arith.constant 224 : i32
    %add3A_101 = arith.addi %mul3A_2, %add3A_100 : i32
    "tpu.region"() ({
      %run_scoped3A = tpu.sem_alloc : memref<!tpu.dma_semaphore, #tpu.memory_space<semaphore_mem>>
      %dma_start3A_121 = arith.constant 0 : i32
      %dma_start3A_122 = tpu.memref_slice %arg4[%add3A_101, %dma_start3A_121] : memref<10240x1024xi32, #tpu.memory_space<hbm>> -> memref<32x1024xi32, #tpu.memory_space<hbm>>
      %dma_start3A_123 = arith.constant 0 : i32
      %dma_start3A_124 = tpu.memref_slice %arg4[%add3A_101, %dma_start3A_123] : memref<10240x1024xi32, #tpu.memory_space<hbm>> -> memref<32x1024xi32, #tpu.memory_space<hbm>>
      tpu.enqueue_dma source(%arg7 : memref<32x1024xi32, #tpu.memory_space<vmem>>) target(%dma_start3A_124 : memref<32x1024xi32, #tpu.memory_space<hbm>>) target_semaphore(%run_scoped3A : memref<!tpu.dma_semaphore, #tpu.memory_space<semaphore_mem>>)
      %dma_wait3A_125 = arith.constant 0 : i32
      %dma_wait3A_126 = tpu.memref_slice %arg4[%add3A_101, %dma_wait3A_125] : memref<10240x1024xi32, #tpu.memory_space<hbm>> -> memref<32x1024xi32, #tpu.memory_space<hbm>>
      %dma_wait3A_127 = arith.constant 0 : i32
      %dma_wait3A_128 = tpu.memref_slice %arg4[%add3A_101, %dma_wait3A_127] : memref<10240x1024xi32, #tpu.memory_space<hbm>> -> memref<32x1024xi32, #tpu.memory_space<hbm>>
      tpu.wait_dma2 semaphore(%run_scoped3A : memref<!tpu.dma_semaphore, #tpu.memory_space<semaphore_mem>>) src(%arg7 : memref<32x1024xi32, #tpu.memory_space<vmem>>) dst(%dma_wait3A_128 : memref<32x1024xi32, #tpu.memory_space<hbm>>)
      tpu.yield
    }) : () -> ()
    %dma_start3A_102 = arith.constant 288 : i32
    %dma_start3A_103 = tpu.memref_slice %arg5[%dma_start3A_102] : memref<320xi32, #tpu.memory_space<vmem>> -> memref<32xi32, #tpu.memory_space<vmem>>
    %dma_start3A_104 = arith.constant 0 : i32
    %dma_start3A_105 = arith.constant 0 : i32
    %dma_start3A_106 = tpu.memref_slice %arg2[%dma_start3A_104, %dma_start3A_105] : memref<4096x1024xi32, #tpu.memory_space<hbm>> -> memref<4096x1024xi32, #tpu.memory_space<hbm>>
    tpu.enqueue_indirect_dma source(%dma_start3A_106 : memref<4096x1024xi32, #tpu.memory_space<hbm>>) target(%arg7 : memref<32x1024xi32, #tpu.memory_space<vmem>>) offsets(%dma_start3A_103 : memref<32xi32, #tpu.memory_space<vmem>>) semaphore(%arg9 : memref<!tpu.dma_semaphore, #tpu.memory_space<semaphore_mem>>)
    %dma_wait3A_107 = arith.constant 256 : i32
    %dma_wait3A_108 = tpu.memref_slice %arg5[%dma_wait3A_107] : memref<320xi32, #tpu.memory_space<vmem>> -> memref<32xi32, #tpu.memory_space<vmem>>
    %dma_wait3A_109 = arith.constant 0 : i32
    %dma_wait3A_110 = arith.constant 0 : i32
    %dma_wait3A_111 = tpu.memref_slice %arg2[%dma_wait3A_109, %dma_wait3A_110] : memref<4096x1024xi32, #tpu.memory_space<hbm>> -> memref<4096x1024xi32, #tpu.memory_space<hbm>>
    tpu.wait_indirect_dma semaphore(%arg8 : memref<!tpu.dma_semaphore, #tpu.memory_space<semaphore_mem>>) src(%dma_wait3A_111 : memref<4096x1024xi32, #tpu.memory_space<hbm>>) dst(%arg6 : memref<32x1024xi32, #tpu.memory_space<vmem>>)
    %add3A_112 = arith.constant 256 : i32
    %add3A_113 = arith.addi %mul3A_2, %add3A_112 : i32
    "tpu.region"() ({
      %run_scoped3A = tpu.sem_alloc : memref<!tpu.dma_semaphore, #tpu.memory_space<semaphore_mem>>
      %dma_start3A_121 = arith.constant 0 : i32
      %dma_start3A_122 = tpu.memref_slice %arg4[%add3A_113, %dma_start3A_121] : memref<10240x1024xi32, #tpu.memory_space<hbm>> -> memref<32x1024xi32, #tpu.memory_space<hbm>>
      %dma_start3A_123 = arith.constant 0 : i32
      %dma_start3A_124 = tpu.memref_slice %arg4[%add3A_113, %dma_start3A_123] : memref<10240x1024xi32, #tpu.memory_space<hbm>> -> memref<32x1024xi32, #tpu.memory_space<hbm>>
      tpu.enqueue_dma source(%arg6 : memref<32x1024xi32, #tpu.memory_space<vmem>>) target(%dma_start3A_124 : memref<32x1024xi32, #tpu.memory_space<hbm>>) target_semaphore(%run_scoped3A : memref<!tpu.dma_semaphore, #tpu.memory_space<semaphore_mem>>)
      %dma_wait3A_125 = arith.constant 0 : i32
      %dma_wait3A_126 = tpu.memref_slice %arg4[%add3A_113, %dma_wait3A_125] : memref<10240x1024xi32, #tpu.memory_space<hbm>> -> memref<32x1024xi32, #tpu.memory_space<hbm>>
      %dma_wait3A_127 = arith.constant 0 : i32
      %dma_wait3A_128 = tpu.memref_slice %arg4[%add3A_113, %dma_wait3A_127] : memref<10240x1024xi32, #tpu.memory_space<hbm>> -> memref<32x1024xi32, #tpu.memory_space<hbm>>
      tpu.wait_dma2 semaphore(%run_scoped3A : memref<!tpu.dma_semaphore, #tpu.memory_space<semaphore_mem>>) src(%arg6 : memref<32x1024xi32, #tpu.memory_space<vmem>>) dst(%dma_wait3A_128 : memref<32x1024xi32, #tpu.memory_space<hbm>>)
      tpu.yield
    }) : () -> ()
    %dma_wait3A_114 = arith.constant 288 : i32
    %dma_wait3A_115 = tpu.memref_slice %arg5[%dma_wait3A_114] : memref<320xi32, #tpu.memory_space<vmem>> -> memref<32xi32, #tpu.memory_space<vmem>>
    %dma_wait3A_116 = arith.constant 0 : i32
    %dma_wait3A_117 = arith.constant 0 : i32
    %dma_wait3A_118 = tpu.memref_slice %arg2[%dma_wait3A_116, %dma_wait3A_117] : memref<4096x1024xi32, #tpu.memory_space<hbm>> -> memref<4096x1024xi32, #tpu.memory_space<hbm>>
    tpu.wait_indirect_dma semaphore(%arg9 : memref<!tpu.dma_semaphore, #tpu.memory_space<semaphore_mem>>) src(%dma_wait3A_118 : memref<4096x1024xi32, #tpu.memory_space<hbm>>) dst(%arg7 : memref<32x1024xi32, #tpu.memory_space<vmem>>)
    %add3A_119 = arith.constant 288 : i32
    %add3A_120 = arith.addi %mul3A_2, %add3A_119 : i32
    "tpu.region"() ({
      %run_scoped3A = tpu.sem_alloc : memref<!tpu.dma_semaphore, #tpu.memory_space<semaphore_mem>>
      %dma_start3A_121 = arith.constant 0 : i32
      %dma_start3A_122 = tpu.memref_slice %arg4[%add3A_120, %dma_start3A_121] : memref<10240x1024xi32, #tpu.memory_space<hbm>> -> memref<32x1024xi32, #tpu.memory_space<hbm>>
      %dma_start3A_123 = arith.constant 0 : i32
      %dma_start3A_124 = tpu.memref_slice %arg4[%add3A_120, %dma_start3A_123] : memref<10240x1024xi32, #tpu.memory_space<hbm>> -> memref<32x1024xi32, #tpu.memory_space<hbm>>
      tpu.enqueue_dma source(%arg7 : memref<32x1024xi32, #tpu.memory_space<vmem>>) target(%dma_start3A_124 : memref<32x1024xi32, #tpu.memory_space<hbm>>) target_semaphore(%run_scoped3A : memref<!tpu.dma_semaphore, #tpu.memory_space<semaphore_mem>>)
      %dma_wait3A_125 = arith.constant 0 : i32
      %dma_wait3A_126 = tpu.memref_slice %arg4[%add3A_120, %dma_wait3A_125] : memref<10240x1024xi32, #tpu.memory_space<hbm>> -> memref<32x1024xi32, #tpu.memory_space<hbm>>
      %dma_wait3A_127 = arith.constant 0 : i32
      %dma_wait3A_128 = tpu.memref_slice %arg4[%add3A_120, %dma_wait3A_127] : memref<10240x1024xi32, #tpu.memory_space<hbm>> -> memref<32x1024xi32, #tpu.memory_space<hbm>>
      tpu.wait_dma2 semaphore(%run_scoped3A : memref<!tpu.dma_semaphore, #tpu.memory_space<semaphore_mem>>) src(%arg7 : memref<32x1024xi32, #tpu.memory_space<vmem>>) dst(%dma_wait3A_128 : memref<32x1024xi32, #tpu.memory_space<hbm>>)
      tpu.yield
    }) : () -> ()
    return
  }
}

module attributes {stable_mosaic.version = 14 : i64} {
  func.func @_router_body(%arg0: i32, %arg1: memref<512x2048xf32, #tpu.memory_space<vmem>>, %arg2: memref<2048x8xf32, #tpu.memory_space<vmem>>, %arg3: memref<512x8xf32, #tpu.memory_space<vmem>>, %arg4: memref<512x1024xi32, #tpu.memory_space<vmem>>) attributes {dimension_semantics = [#tpu.dimension_semantics<arbitrary>], iteration_bounds = array<i64: 8>, scalar_prefetch = 0 : i64, scratch_operands = 0 : i64, tpu.core_type = #tpu.core_type<tc>, window_params = [{transform_indices = @transform_0, window_bounds = array<i64: 512, 2048>}, {pipeline_mode = #tpu.pipeline_mode<synchronous>, transform_indices = @transform_1, window_bounds = array<i64: 2048, 8>}, {transform_indices = @transform_2, window_bounds = array<i64: 512, 8>}, {transform_indices = @transform_3, window_bounds = array<i64: 512, 1024>}]} {
    %get3A = arith.constant 0 : index
    %get3A_0 = arith.constant 0 : index
    %get3A_1 = vector.load %arg1[%get3A, %get3A_0] : memref<512x2048xf32, #tpu.memory_space<vmem>>, vector<512x2048xf32>
    %slice3A = vector.extract_strided_slice %get3A_1 {offsets = [0, 0], sizes = [512, 1024], strides = [1, 1]} : vector<512x2048xf32> to vector<512x1024xf32>
    %slice3A_2 = vector.extract_strided_slice %get3A_1 {offsets = [0, 1024], sizes = [512, 1024], strides = [1, 1]} : vector<512x2048xf32> to vector<512x1024xf32>
    %bitcast_convert_type3A = tpu.bitcast %slice3A : vector<512x1024xf32> -> vector<512x1024xi32>
    %add3A = arith.constant 32767 : i32
    %add3A_3 = vector.broadcast %add3A : i32 to vector<512x1024xi32>
    %add3A_4 = arith.addi %bitcast_convert_type3A, %add3A_3 : vector<512x1024xi32>
    %shift_right_logical3A = arith.constant 16 : i32
    %shift_right_logical3A_5 = vector.broadcast %shift_right_logical3A : i32 to vector<512x1024xi32>
    %shift_right_logical3A_6 = arith.shrui %bitcast_convert_type3A, %shift_right_logical3A_5 : vector<512x1024xi32>
    %and3A = arith.constant 1 : i32
    %and3A_7 = vector.broadcast %and3A : i32 to vector<512x1024xi32>
    %and3A_8 = arith.andi %shift_right_logical3A_6, %and3A_7 : vector<512x1024xi32>
    %add3A_9 = arith.addi %add3A_4, %and3A_8 : vector<512x1024xi32>
    %shift_right_logical3A_10 = arith.constant 16 : i32
    %shift_right_logical3A_11 = vector.broadcast %shift_right_logical3A_10 : i32 to vector<512x1024xi32>
    %shift_right_logical3A_12 = arith.shrui %add3A_9, %shift_right_logical3A_11 : vector<512x1024xi32>
    %bitcast_convert_type3A_13 = tpu.bitcast %slice3A_2 : vector<512x1024xf32> -> vector<512x1024xi32>
    %add3A_14 = arith.constant 32767 : i32
    %add3A_15 = vector.broadcast %add3A_14 : i32 to vector<512x1024xi32>
    %add3A_16 = arith.addi %bitcast_convert_type3A_13, %add3A_15 : vector<512x1024xi32>
    %shift_right_logical3A_17 = arith.constant 16 : i32
    %shift_right_logical3A_18 = vector.broadcast %shift_right_logical3A_17 : i32 to vector<512x1024xi32>
    %shift_right_logical3A_19 = arith.shrui %bitcast_convert_type3A_13, %shift_right_logical3A_18 : vector<512x1024xi32>
    %and3A_20 = arith.constant 1 : i32
    %and3A_21 = vector.broadcast %and3A_20 : i32 to vector<512x1024xi32>
    %and3A_22 = arith.andi %shift_right_logical3A_19, %and3A_21 : vector<512x1024xi32>
    %add3A_23 = arith.addi %add3A_16, %and3A_22 : vector<512x1024xi32>
    %shift_right_logical3A_24 = arith.constant 16 : i32
    %shift_right_logical3A_25 = vector.broadcast %shift_right_logical3A_24 : i32 to vector<512x1024xi32>
    %shift_right_logical3A_26 = arith.shrui %add3A_23, %shift_right_logical3A_25 : vector<512x1024xi32>
    %shift_left3A = arith.constant 16 : i32
    %shift_left3A_27 = vector.broadcast %shift_left3A : i32 to vector<512x1024xi32>
    %shift_left3A_28 = arith.shli %shift_right_logical3A_26, %shift_left3A_27 : vector<512x1024xi32>
    %or3A = arith.ori %shift_right_logical3A_12, %shift_left3A_28 : vector<512x1024xi32>
    %bitcast_convert_type3A_29 = tpu.bitcast %or3A : vector<512x1024xi32> -> vector<512x1024xi32>
    %swap3A = arith.constant 0 : index
    %swap3A_30 = arith.constant 0 : index
    %swap3A_31 = vector.load %arg4[%swap3A, %swap3A_30] : memref<512x1024xi32, #tpu.memory_space<vmem>>, vector<512x1024xi32>
    tpu.vector_store %arg4[%swap3A, %swap3A_30], %bitcast_convert_type3A_29 {strides = array<i32>} : memref<512x1024xi32, #tpu.memory_space<vmem>>, vector<512x1024xi32>,
    %get3A_32 = arith.constant 0 : index
    %get3A_33 = arith.constant 0 : index
    %get3A_34 = vector.load %arg2[%get3A_32, %get3A_33] : memref<2048x8xf32, #tpu.memory_space<vmem>>, vector<2048x8xf32>
    %dot_general3A = arith.constant dense<0.000000e+00> : vector<512x8xf32>
    %dot_general3A_35 = tpu.matmul %get3A_1, %get3A_34, %dot_general3A {dimension_numbers = #tpu.dot_dimension_numbers<[1], [0], [0], [1], [0, 0, 1, 1], [], []>, transpose_lhs_hint = false} : vector<512x2048xf32>, vector<2048x8xf32>, vector<512x8xf32> -> vector<512x8xf32>
    %iota3A = tpu.iota {dimensions = array<i32: 1>} : vector<512x8xi32>
    %reduce_max3A = arith.constant dense<0xFF800000> : vector<512xf32>
    %reduce_max3A_36 = vector.multi_reduction <maximumf>, %dot_general3A_35, %reduce_max3A [1] : vector<512x8xf32> to vector<512xf32>
    %broadcast_in_dim3A = vector.shape_cast %reduce_max3A_36 : vector<512xf32> to vector<512x1xf32>
    %eq3A = vector.broadcast %broadcast_in_dim3A : vector<512x1xf32> to vector<512x8xf32>
    %eq3A_37 = arith.cmpf oeq, %dot_general3A_35, %eq3A : vector<512x8xf32>
    %jit3A = arith.constant 1073741824 : i32
    %broadcast_in_dim3A_38 = vector.broadcast %jit3A : i32 to vector<512x8xi32>
    %select_n3A = arith.select %eq3A_37, %iota3A, %broadcast_in_dim3A_38 : vector<512x8xi1>, vector<512x8xi32>
    %reduce_min3A = arith.constant dense<2147483647> : vector<512xi32>
    %reduce_min3A_39 = vector.multi_reduction <minsi>, %select_n3A, %reduce_min3A [1] : vector<512x8xi32> to vector<512xi32>
    %broadcast_in_dim3A_40 = vector.shape_cast %reduce_min3A_39 : vector<512xi32> to vector<512x1xi32>
    %eq3A_41 = vector.broadcast %broadcast_in_dim3A_40 : vector<512x1xi32> to vector<512x8xi32>
    %eq3A_42 = arith.cmpi eq, %iota3A, %eq3A_41 : vector<512x8xi32>
    %jit3A_43 = arith.constant 0xFF800000 : f32
    %broadcast_in_dim3A_44 = vector.broadcast %jit3A_43 : f32 to vector<512x8xf32>
    %select_n3A_45 = arith.select %eq3A_42, %broadcast_in_dim3A_44, %dot_general3A_35 : vector<512x8xi1>, vector<512x8xf32>
    %reduce_max3A_46 = arith.constant dense<0xFF800000> : vector<512xf32>
    %reduce_max3A_47 = vector.multi_reduction <maximumf>, %select_n3A_45, %reduce_max3A_46 [1] : vector<512x8xf32> to vector<512xf32>
    %broadcast_in_dim3A_48 = vector.shape_cast %reduce_max3A_47 : vector<512xf32> to vector<512x1xf32>
    %eq3A_49 = vector.broadcast %broadcast_in_dim3A_48 : vector<512x1xf32> to vector<512x8xf32>
    %eq3A_50 = arith.cmpf oeq, %select_n3A_45, %eq3A_49 : vector<512x8xf32>
    %jit3A_51 = arith.constant 1073741824 : i32
    %broadcast_in_dim3A_52 = vector.broadcast %jit3A_51 : i32 to vector<512x8xi32>
    %select_n3A_53 = arith.select %eq3A_50, %iota3A, %broadcast_in_dim3A_52 : vector<512x8xi1>, vector<512x8xi32>
    %reduce_min3A_54 = arith.constant dense<2147483647> : vector<512xi32>
    %reduce_min3A_55 = vector.multi_reduction <minsi>, %select_n3A_53, %reduce_min3A_54 [1] : vector<512x8xi32> to vector<512xi32>
    %broadcast_in_dim3A_56 = vector.shape_cast %reduce_min3A_55 : vector<512xi32> to vector<512x1xi32>
    %eq3A_57 = vector.broadcast %broadcast_in_dim3A_40 : vector<512x1xi32> to vector<512x8xi32>
    %eq3A_58 = arith.cmpi eq, %iota3A, %eq3A_57 : vector<512x8xi32>
    %neg3A = arith.constant 0.000000e+00 : f32
    %neg3A_59 = vector.broadcast %neg3A : f32 to vector<512x1xf32>
    %neg3A_60 = arith.subf %neg3A_59, %broadcast_in_dim3A : vector<512x1xf32>
    %exp3A = math.exp %neg3A_60 : vector<512x1xf32>
    %add3A_61 = arith.constant 1.000000e+00 : f32
    %add3A_62 = vector.broadcast %add3A_61 : f32 to vector<512x1xf32>
    %add3A_63 = arith.addf %add3A_62, %exp3A : vector<512x1xf32>
    %div3A = arith.constant 1.000000e+00 : f32
    %div3A_64 = vector.broadcast %div3A : f32 to vector<512x1xf32>
    %div3A_65 = arith.divf %div3A_64, %add3A_63 : vector<512x1xf32>
    %jit3A_66 = arith.constant 0.000000e+00 : f32
    %broadcast_in_dim3A_67 = vector.shape_cast %div3A_65 : vector<512x1xf32> to vector<512x1xf32>
    %broadcast_in_dim3A_68 = vector.broadcast %broadcast_in_dim3A_67 : vector<512x1xf32> to vector<512x8xf32>
    %broadcast_in_dim3A_69 = vector.broadcast %jit3A_66 : f32 to vector<512x8xf32>
    %select_n3A_70 = arith.select %eq3A_58, %broadcast_in_dim3A_68, %broadcast_in_dim3A_69 : vector<512x8xi1>, vector<512x8xf32>
    %eq3A_71 = vector.broadcast %broadcast_in_dim3A_56 : vector<512x1xi32> to vector<512x8xi32>
    %eq3A_72 = arith.cmpi eq, %iota3A, %eq3A_71 : vector<512x8xi32>
    %neg3A_73 = arith.constant 0.000000e+00 : f32
    %neg3A_74 = vector.broadcast %neg3A_73 : f32 to vector<512x1xf32>
    %neg3A_75 = arith.subf %neg3A_74, %broadcast_in_dim3A_48 : vector<512x1xf32>
    %exp3A_76 = math.exp %neg3A_75 : vector<512x1xf32>
    %add3A_77 = arith.constant 1.000000e+00 : f32
    %add3A_78 = vector.broadcast %add3A_77 : f32 to vector<512x1xf32>
    %add3A_79 = arith.addf %add3A_78, %exp3A_76 : vector<512x1xf32>
    %div3A_80 = arith.constant 1.000000e+00 : f32
    %div3A_81 = vector.broadcast %div3A_80 : f32 to vector<512x1xf32>
    %div3A_82 = arith.divf %div3A_81, %add3A_79 : vector<512x1xf32>
    %jit3A_83 = arith.constant 0.000000e+00 : f32
    %broadcast_in_dim3A_84 = vector.shape_cast %div3A_82 : vector<512x1xf32> to vector<512x1xf32>
    %broadcast_in_dim3A_85 = vector.broadcast %broadcast_in_dim3A_84 : vector<512x1xf32> to vector<512x8xf32>
    %broadcast_in_dim3A_86 = vector.broadcast %jit3A_83 : f32 to vector<512x8xf32>
    %select_n3A_87 = arith.select %eq3A_72, %broadcast_in_dim3A_85, %broadcast_in_dim3A_86 : vector<512x8xi1>, vector<512x8xf32>
    %add3A_88 = arith.addf %select_n3A_70, %select_n3A_87 : vector<512x8xf32>
    %swap3A_89 = arith.constant 0 : index
    %swap3A_90 = arith.constant 0 : index
    %swap3A_91 = vector.load %arg3[%swap3A_89, %swap3A_90] : memref<512x8xf32, #tpu.memory_space<vmem>>, vector<512x8xf32>
    tpu.vector_store %arg3[%swap3A_89, %swap3A_90], %add3A_88 {strides = array<i32>} : memref<512x8xf32, #tpu.memory_space<vmem>>, vector<512x8xf32>,
    return
  }
  func.func @transform_0(%arg0: i32) -> (i32, i32) {
    %c0_i32 = arith.constant 0 : i32
    %c0_i32_0 = arith.constant 0 : i32
    return %arg0, %c0_i32 : i32, i32
  }
  func.func @transform_1(%arg0: i32) -> (i32, i32) {
    %c0_i32 = arith.constant 0 : i32
    %c0_i32_0 = arith.constant 0 : i32
    %c0_i32_1 = arith.constant 0 : i32
    return %c0_i32, %c0_i32_0 : i32, i32
  }
  func.func @transform_2(%arg0: i32) -> (i32, i32) {
    %c0_i32 = arith.constant 0 : i32
    %c0_i32_0 = arith.constant 0 : i32
    return %arg0, %c0_i32 : i32, i32
  }
  func.func @transform_3(%arg0: i32) -> (i32, i32) {
    %c0_i32 = arith.constant 0 : i32
    %c0_i32_0 = arith.constant 0 : i32
    return %arg0, %c0_i32 : i32, i32
  }
}

module attributes {stable_mosaic.version = 14 : i64} {
  func.func @_expert_body(%arg0: i32, %arg1: memref<41xi32, #tpu.memory_space<smem>>, %arg2: memref<256x1024xi32, #tpu.memory_space<vmem>>, %arg3: memref<1x2048x2048xbf16, #tpu.memory_space<vmem>>, %arg4: memref<1x1024x2048xbf16, #tpu.memory_space<vmem>>, %arg5: memref<256x1024xi32, #tpu.memory_space<vmem>>) attributes {dimension_semantics = [#tpu.dimension_semantics<arbitrary>], iteration_bounds = array<i64: 40>, scalar_prefetch = 1 : i64, scratch_operands = 0 : i64, tpu.core_type = #tpu.core_type<tc>, window_params = [{transform_indices = @transform_0, window_bounds = array<i64: 256, 1024>}, {transform_indices = @transform_1, window_bounds = array<i64: 1, 2048, 2048>}, {transform_indices = @transform_2, window_bounds = array<i64: 1, 1024, 2048>}, {transform_indices = @transform_3, window_bounds = array<i64: 256, 1024>}]} {
    %mul3A = arith.constant 256 : i32
    %mul3A_0 = arith.muli %arg0, %mul3A : i32
    %get3A = arith.constant 40 : index
    %get3A_1 = memref.load %arg1[%get3A] : memref<41xi32, #tpu.memory_space<smem>>
    %lt3A = arith.cmpi slt, %mul3A_0, %get3A_1 : i32
    %convert_element_type3A = arith.extui %lt3A : i1 to i32
    %cond3A = arith.constant 0 : i32
    %cond3A_2 = arith.cmpi ne, %convert_element_type3A, %cond3A : i32
    scf.if %cond3A_2 {
      %get3A_3 = arith.constant 0 : index
      %get3A_4 = arith.constant 0 : index
      %get3A_5 = vector.load %arg2[%get3A_3, %get3A_4] : memref<256x1024xi32, #tpu.memory_space<vmem>>, vector<256x1024xi32>
      %bitcast_convert_type3A = tpu.bitcast %get3A_5 : vector<256x1024xi32> -> vector<256x1024xi32>
      %shift_left3A = arith.constant 16 : i32
      %shift_left3A_6 = vector.broadcast %shift_left3A : i32 to vector<256x1024xi32>
      %shift_left3A_7 = arith.shli %bitcast_convert_type3A, %shift_left3A_6 : vector<256x1024xi32>
      %bitcast_convert_type3A_8 = tpu.bitcast %shift_left3A_7 : vector<256x1024xi32> -> vector<256x1024xf32>
      %and3A = arith.constant -65536 : i32
      %and3A_9 = vector.broadcast %and3A : i32 to vector<256x1024xi32>
      %and3A_10 = arith.andi %bitcast_convert_type3A, %and3A_9 : vector<256x1024xi32>
      %bitcast_convert_type3A_11 = tpu.bitcast %and3A_10 : vector<256x1024xi32> -> vector<256x1024xf32>
      %convert_element_type3A_12 = arith.truncf %bitcast_convert_type3A_8 : vector<256x1024xf32> to vector<256x1024xbf16>
      %get3A_13 = arith.constant 0 : index
      %get3A_14 = arith.constant 0 : index
      %get3A_15 = arith.constant 0 : index
      %get3A_16 = vector.load %arg3[%get3A_13, %get3A_14, %get3A_15] : memref<1x2048x2048xbf16, #tpu.memory_space<vmem>>, vector<1x1024x2048xbf16>
      %get3A_17 = vector.shape_cast %get3A_16 : vector<1x1024x2048xbf16> to vector<1024x2048xbf16>
      %dot_general3A = arith.constant dense<0.000000e+00> : vector<256x2048xf32>
      %dot_general3A_18 = tpu.matmul %convert_element_type3A_12, %get3A_17, %dot_general3A {dimension_numbers = #tpu.dot_dimension_numbers<[1], [0], [0], [1], [0, 0, 1, 1], [], []>, transpose_lhs_hint = false} : vector<256x1024xbf16>, vector<1024x2048xbf16>, vector<256x2048xf32> -> vector<256x2048xf32>
      %convert_element_type3A_19 = arith.truncf %bitcast_convert_type3A_11 : vector<256x1024xf32> to vector<256x1024xbf16>
      %get3A_20 = arith.constant 0 : index
      %get3A_21 = arith.constant 1024 : index
      %get3A_22 = arith.constant 0 : index
      %get3A_23 = vector.load %arg3[%get3A_20, %get3A_21, %get3A_22] : memref<1x2048x2048xbf16, #tpu.memory_space<vmem>>, vector<1x1024x2048xbf16>
      %get3A_24 = vector.shape_cast %get3A_23 : vector<1x1024x2048xbf16> to vector<1024x2048xbf16>
      %dot_general3A_25 = arith.constant dense<0.000000e+00> : vector<256x2048xf32>
      %dot_general3A_26 = tpu.matmul %convert_element_type3A_19, %get3A_24, %dot_general3A_25 {dimension_numbers = #tpu.dot_dimension_numbers<[1], [0], [0], [1], [0, 0, 1, 1], [], []>, transpose_lhs_hint = false} : vector<256x1024xbf16>, vector<1024x2048xbf16>, vector<256x2048xf32> -> vector<256x2048xf32>
      %add3A = arith.addf %dot_general3A_18, %dot_general3A_26 : vector<256x2048xf32>
      %slice3A = vector.extract_strided_slice %add3A {offsets = [0, 0], sizes = [256, 1024], strides = [1, 1]} : vector<256x2048xf32> to vector<256x1024xf32>
      %neg3A = arith.constant 0.000000e+00 : f32
      %neg3A_27 = vector.broadcast %neg3A : f32 to vector<256x1024xf32>
      %neg3A_28 = arith.subf %neg3A_27, %slice3A : vector<256x1024xf32>
      %exp3A = math.exp %neg3A_28 : vector<256x1024xf32>
      %add3A_29 = arith.constant 1.000000e+00 : f32
      %add3A_30 = vector.broadcast %add3A_29 : f32 to vector<256x1024xf32>
      %add3A_31 = arith.addf %add3A_30, %exp3A : vector<256x1024xf32>
      %div3A = arith.constant 1.000000e+00 : f32
      %div3A_32 = vector.broadcast %div3A : f32 to vector<256x1024xf32>
      %div3A_33 = arith.divf %div3A_32, %add3A_31 : vector<256x1024xf32>
      %slice3A_34 = vector.extract_strided_slice %add3A {offsets = [0, 0], sizes = [256, 1024], strides = [1, 1]} : vector<256x2048xf32> to vector<256x1024xf32>
      %mul3A_35 = arith.mulf %div3A_33, %slice3A_34 : vector<256x1024xf32>
      %slice3A_36 = vector.extract_strided_slice %add3A {offsets = [0, 1024], sizes = [256, 1024], strides = [1, 1]} : vector<256x2048xf32> to vector<256x1024xf32>
      %mul3A_37 = arith.mulf %mul3A_35, %slice3A_36 : vector<256x1024xf32>
      %convert_element_type3A_38 = arith.truncf %mul3A_37 : vector<256x1024xf32> to vector<256x1024xbf16>
      %get3A_39 = arith.constant 0 : index
      %get3A_40 = arith.constant 0 : index
      %get3A_41 = arith.constant 0 : index
      %get3A_42 = vector.load %arg4[%get3A_39, %get3A_40, %get3A_41] : memref<1x1024x2048xbf16, #tpu.memory_space<vmem>>, vector<1x1024x2048xbf16>
      %get3A_43 = vector.shape_cast %get3A_42 : vector<1x1024x2048xbf16> to vector<1024x2048xbf16>
      %dot_general3A_44 = arith.constant dense<0.000000e+00> : vector<256x2048xf32>
      %dot_general3A_45 = tpu.matmul %convert_element_type3A_38, %get3A_43, %dot_general3A_44 {dimension_numbers = #tpu.dot_dimension_numbers<[1], [0], [0], [1], [0, 0, 1, 1], [], []>, transpose_lhs_hint = false} : vector<256x1024xbf16>, vector<1024x2048xbf16>, vector<256x2048xf32> -> vector<256x2048xf32>
      %slice3A_46 = vector.extract_strided_slice %dot_general3A_45 {offsets = [0, 0], sizes = [256, 1024], strides = [1, 1]} : vector<256x2048xf32> to vector<256x1024xf32>
      %slice3A_47 = vector.extract_strided_slice %dot_general3A_45 {offsets = [0, 1024], sizes = [256, 1024], strides = [1, 1]} : vector<256x2048xf32> to vector<256x1024xf32>
      %bitcast_convert_type3A_48 = tpu.bitcast %slice3A_46 : vector<256x1024xf32> -> vector<256x1024xi32>
      %add3A_49 = arith.constant 32767 : i32
      %add3A_50 = vector.broadcast %add3A_49 : i32 to vector<256x1024xi32>
      %add3A_51 = arith.addi %bitcast_convert_type3A_48, %add3A_50 : vector<256x1024xi32>
      %shift_right_logical3A = arith.constant 16 : i32
      %shift_right_logical3A_52 = vector.broadcast %shift_right_logical3A : i32 to vector<256x1024xi32>
      %shift_right_logical3A_53 = arith.shrui %bitcast_convert_type3A_48, %shift_right_logical3A_52 : vector<256x1024xi32>
      %and3A_54 = arith.constant 1 : i32
      %and3A_55 = vector.broadcast %and3A_54 : i32 to vector<256x1024xi32>
      %and3A_56 = arith.andi %shift_right_logical3A_53, %and3A_55 : vector<256x1024xi32>
      %add3A_57 = arith.addi %add3A_51, %and3A_56 : vector<256x1024xi32>
      %shift_right_logical3A_58 = arith.constant 16 : i32
      %shift_right_logical3A_59 = vector.broadcast %shift_right_logical3A_58 : i32 to vector<256x1024xi32>
      %shift_right_logical3A_60 = arith.shrui %add3A_57, %shift_right_logical3A_59 : vector<256x1024xi32>
      %bitcast_convert_type3A_61 = tpu.bitcast %slice3A_47 : vector<256x1024xf32> -> vector<256x1024xi32>
      %add3A_62 = arith.constant 32767 : i32
      %add3A_63 = vector.broadcast %add3A_62 : i32 to vector<256x1024xi32>
      %add3A_64 = arith.addi %bitcast_convert_type3A_61, %add3A_63 : vector<256x1024xi32>
      %shift_right_logical3A_65 = arith.constant 16 : i32
      %shift_right_logical3A_66 = vector.broadcast %shift_right_logical3A_65 : i32 to vector<256x1024xi32>
      %shift_right_logical3A_67 = arith.shrui %bitcast_convert_type3A_61, %shift_right_logical3A_66 : vector<256x1024xi32>
      %and3A_68 = arith.constant 1 : i32
      %and3A_69 = vector.broadcast %and3A_68 : i32 to vector<256x1024xi32>
      %and3A_70 = arith.andi %shift_right_logical3A_67, %and3A_69 : vector<256x1024xi32>
      %add3A_71 = arith.addi %add3A_64, %and3A_70 : vector<256x1024xi32>
      %shift_right_logical3A_72 = arith.constant 16 : i32
      %shift_right_logical3A_73 = vector.broadcast %shift_right_logical3A_72 : i32 to vector<256x1024xi32>
      %shift_right_logical3A_74 = arith.shrui %add3A_71, %shift_right_logical3A_73 : vector<256x1024xi32>
      %shift_left3A_75 = arith.constant 16 : i32
      %shift_left3A_76 = vector.broadcast %shift_left3A_75 : i32 to vector<256x1024xi32>
      %shift_left3A_77 = arith.shli %shift_right_logical3A_74, %shift_left3A_76 : vector<256x1024xi32>
      %or3A = arith.ori %shift_right_logical3A_60, %shift_left3A_77 : vector<256x1024xi32>
      %bitcast_convert_type3A_78 = tpu.bitcast %or3A : vector<256x1024xi32> -> vector<256x1024xi32>
      %swap3A = arith.constant 0 : index
      %swap3A_79 = arith.constant 0 : index
      %swap3A_80 = vector.load %arg5[%swap3A, %swap3A_79] : memref<256x1024xi32, #tpu.memory_space<vmem>>, vector<256x1024xi32>
      tpu.vector_store %arg5[%swap3A, %swap3A_79], %bitcast_convert_type3A_78 {strides = array<i32>} : memref<256x1024xi32, #tpu.memory_space<vmem>>, vector<256x1024xi32>,
    } else {
    }
    return
  }
  func.func @transform_0(%arg0: i32, %arg1: memref<41xi32, #tpu.memory_space<smem>>) -> (i32, i32) {
    %c0_i32 = arith.constant 0 : i32
    %c0_i32_0 = arith.constant 0 : i32
    return %arg0, %c0_i32 : i32, i32
  }
  func.func @transform_1(%arg0: i32, %arg1: memref<41xi32, #tpu.memory_space<smem>>) -> (i32, i32, i32) {
    %get3A = arith.index_cast %arg0 : i32 to index
    %get3A_0 = memref.load %arg1[%get3A] : memref<41xi32, #tpu.memory_space<smem>>
    %c0_i32 = arith.constant 0 : i32
    %c0_i32_1 = arith.constant 0 : i32
    %c0_i32_2 = arith.constant 0 : i32
    return %get3A_0, %c0_i32, %c0_i32_1 : i32, i32, i32
  }
  func.func @transform_2(%arg0: i32, %arg1: memref<41xi32, #tpu.memory_space<smem>>) -> (i32, i32, i32) {
    %get3A = arith.index_cast %arg0 : i32 to index
    %get3A_0 = memref.load %arg1[%get3A] : memref<41xi32, #tpu.memory_space<smem>>
    %c0_i32 = arith.constant 0 : i32
    %c0_i32_1 = arith.constant 0 : i32
    %c0_i32_2 = arith.constant 0 : i32
    return %get3A_0, %c0_i32, %c0_i32_1 : i32, i32, i32
  }
  func.func @transform_3(%arg0: i32, %arg1: memref<41xi32, #tpu.memory_space<smem>>) -> (i32, i32) {
    %c0_i32 = arith.constant 0 : i32
    %c0_i32_0 = arith.constant 0 : i32
    return %arg0, %c0_i32 : i32, i32
  }
}

module attributes {stable_mosaic.version = 14 : i64} {
  func.func @_combine_body(%arg0: i32, %arg1: memref<256x2048xf32, #tpu.memory_space<vmem>>, %arg2: memref<2048x4096xbf16, #tpu.memory_space<vmem>>, %arg3: memref<2048x2048xbf16, #tpu.memory_space<vmem>>, %arg4: memref<256x1024xi32, #tpu.memory_space<vmem>>, %arg5: memref<256x1024xi32, #tpu.memory_space<vmem>>, %arg6: memref<256x1xf32, #tpu.memory_space<vmem>>, %arg7: memref<256x1xf32, #tpu.memory_space<vmem>>, %arg8: memref<256x2048xf32, #tpu.memory_space<vmem>>) attributes {dimension_semantics = [#tpu.dimension_semantics<arbitrary>], iteration_bounds = array<i64: 16>, scalar_prefetch = 0 : i64, scratch_operands = 0 : i64, tpu.core_type = #tpu.core_type<tc>, window_params = [{transform_indices = @transform_0, window_bounds = array<i64: 256, 2048>}, {pipeline_mode = #tpu.pipeline_mode<synchronous>, transform_indices = @transform_1, window_bounds = array<i64: 2048, 4096>}, {pipeline_mode = #tpu.pipeline_mode<synchronous>, transform_indices = @transform_2, window_bounds = array<i64: 2048, 2048>}, {transform_indices = @transform_3, window_bounds = array<i64: 256, 1024>}, {transform_indices = @transform_4, window_bounds = array<i64: 256, 1024>}, {transform_indices = @transform_5, window_bounds = array<i64: 256, 1>}, {transform_indices = @transform_6, window_bounds = array<i64: 256, 1>}, {transform_indices = @transform_7, window_bounds = array<i64: 256, 2048>}]} {
    %get3A = arith.constant 0 : index
    %get3A_0 = arith.constant 0 : index
    %get3A_1 = vector.load %arg1[%get3A, %get3A_0] : memref<256x2048xf32, #tpu.memory_space<vmem>>, vector<256x2048xf32>
    %convert_element_type3A = arith.truncf %get3A_1 : vector<256x2048xf32> to vector<256x2048xbf16>
    %get3A_2 = arith.constant 0 : index
    %get3A_3 = arith.constant 0 : index
    %get3A_4 = vector.load %arg2[%get3A_2, %get3A_3] : memref<2048x4096xbf16, #tpu.memory_space<vmem>>, vector<2048x4096xbf16>
    %dot_general3A = arith.constant dense<0.000000e+00> : vector<256x4096xf32>
    %dot_general3A_5 = tpu.matmul %convert_element_type3A, %get3A_4, %dot_general3A {dimension_numbers = #tpu.dot_dimension_numbers<[1], [0], [0], [1], [0, 0, 1, 1], [], []>, transpose_lhs_hint = false} : vector<256x2048xbf16>, vector<2048x4096xbf16>, vector<256x4096xf32> -> vector<256x4096xf32>
    %slice3A = vector.extract_strided_slice %dot_general3A_5 {offsets = [0, 0], sizes = [256, 2048], strides = [1, 1]} : vector<256x4096xf32> to vector<256x2048xf32>
    %neg3A = arith.constant 0.000000e+00 : f32
    %neg3A_6 = vector.broadcast %neg3A : f32 to vector<256x2048xf32>
    %neg3A_7 = arith.subf %neg3A_6, %slice3A : vector<256x2048xf32>
    %exp3A = math.exp %neg3A_7 : vector<256x2048xf32>
    %add3A = arith.constant 1.000000e+00 : f32
    %add3A_8 = vector.broadcast %add3A : f32 to vector<256x2048xf32>
    %add3A_9 = arith.addf %add3A_8, %exp3A : vector<256x2048xf32>
    %div3A = arith.constant 1.000000e+00 : f32
    %div3A_10 = vector.broadcast %div3A : f32 to vector<256x2048xf32>
    %div3A_11 = arith.divf %div3A_10, %add3A_9 : vector<256x2048xf32>
    %slice3A_12 = vector.extract_strided_slice %dot_general3A_5 {offsets = [0, 0], sizes = [256, 2048], strides = [1, 1]} : vector<256x4096xf32> to vector<256x2048xf32>
    %mul3A = arith.mulf %div3A_11, %slice3A_12 : vector<256x2048xf32>
    %slice3A_13 = vector.extract_strided_slice %dot_general3A_5 {offsets = [0, 2048], sizes = [256, 2048], strides = [1, 1]} : vector<256x4096xf32> to vector<256x2048xf32>
    %mul3A_14 = arith.mulf %mul3A, %slice3A_13 : vector<256x2048xf32>
    %convert_element_type3A_15 = arith.truncf %mul3A_14 : vector<256x2048xf32> to vector<256x2048xbf16>
    %get3A_16 = arith.constant 0 : index
    %get3A_17 = arith.constant 0 : index
    %get3A_18 = vector.load %arg3[%get3A_16, %get3A_17] : memref<2048x2048xbf16, #tpu.memory_space<vmem>>, vector<2048x2048xbf16>
    %dot_general3A_19 = arith.constant dense<0.000000e+00> : vector<256x2048xf32>
    %dot_general3A_20 = tpu.matmul %convert_element_type3A_15, %get3A_18, %dot_general3A_19 {dimension_numbers = #tpu.dot_dimension_numbers<[1], [0], [0], [1], [0, 0, 1, 1], [], []>, transpose_lhs_hint = false} : vector<256x2048xbf16>, vector<2048x2048xbf16>, vector<256x2048xf32> -> vector<256x2048xf32>
    %get3A_21 = arith.constant 0 : index
    %get3A_22 = arith.constant 0 : index
    %get3A_23 = vector.load %arg4[%get3A_21, %get3A_22] : memref<256x1024xi32, #tpu.memory_space<vmem>>, vector<256x1024xi32>
    %bitcast_convert_type3A = tpu.bitcast %get3A_23 : vector<256x1024xi32> -> vector<256x1024xi32>
    %shift_left3A = arith.constant 16 : i32
    %shift_left3A_24 = vector.broadcast %shift_left3A : i32 to vector<256x1024xi32>
    %shift_left3A_25 = arith.shli %bitcast_convert_type3A, %shift_left3A_24 : vector<256x1024xi32>
    %bitcast_convert_type3A_26 = tpu.bitcast %shift_left3A_25 : vector<256x1024xi32> -> vector<256x1024xf32>
    %and3A = arith.constant -65536 : i32
    %and3A_27 = vector.broadcast %and3A : i32 to vector<256x1024xi32>
    %and3A_28 = arith.andi %bitcast_convert_type3A, %and3A_27 : vector<256x1024xi32>
    %bitcast_convert_type3A_29 = tpu.bitcast %and3A_28 : vector<256x1024xi32> -> vector<256x1024xf32>
    %get3A_30 = arith.constant 0 : index
    %get3A_31 = arith.constant 0 : index
    %get3A_32 = vector.load %arg5[%get3A_30, %get3A_31] : memref<256x1024xi32, #tpu.memory_space<vmem>>, vector<256x1024xi32>
    %bitcast_convert_type3A_33 = tpu.bitcast %get3A_32 : vector<256x1024xi32> -> vector<256x1024xi32>
    %shift_left3A_34 = arith.constant 16 : i32
    %shift_left3A_35 = vector.broadcast %shift_left3A_34 : i32 to vector<256x1024xi32>
    %shift_left3A_36 = arith.shli %bitcast_convert_type3A_33, %shift_left3A_35 : vector<256x1024xi32>
    %bitcast_convert_type3A_37 = tpu.bitcast %shift_left3A_36 : vector<256x1024xi32> -> vector<256x1024xf32>
    %and3A_38 = arith.constant -65536 : i32
    %and3A_39 = vector.broadcast %and3A_38 : i32 to vector<256x1024xi32>
    %and3A_40 = arith.andi %bitcast_convert_type3A_33, %and3A_39 : vector<256x1024xi32>
    %bitcast_convert_type3A_41 = tpu.bitcast %and3A_40 : vector<256x1024xi32> -> vector<256x1024xf32>
    %get3A_42 = arith.constant 0 : index
    %get3A_43 = arith.constant 0 : index
    %get3A_44 = vector.load %arg6[%get3A_42, %get3A_43] : memref<256x1xf32, #tpu.memory_space<vmem>>, vector<256x1xf32>
    %get3A_45 = arith.constant 0 : index
    %get3A_46 = arith.constant 0 : index
    %get3A_47 = vector.load %arg7[%get3A_45, %get3A_46] : memref<256x1xf32, #tpu.memory_space<vmem>>, vector<256x1xf32>
    %slice3A_48 = vector.extract_strided_slice %dot_general3A_20 {offsets = [0, 0], sizes = [256, 1024], strides = [1, 1]} : vector<256x2048xf32> to vector<256x1024xf32>
    %mul3A_49 = vector.broadcast %get3A_44 : vector<256x1xf32> to vector<256x1024xf32>
    %mul3A_50 = arith.mulf %mul3A_49, %bitcast_convert_type3A_26 : vector<256x1024xf32>
    %add3A_51 = arith.addf %slice3A_48, %mul3A_50 : vector<256x1024xf32>
    %mul3A_52 = vector.broadcast %get3A_47 : vector<256x1xf32> to vector<256x1024xf32>
    %mul3A_53 = arith.mulf %mul3A_52, %bitcast_convert_type3A_37 : vector<256x1024xf32>
    %add3A_54 = arith.addf %add3A_51, %mul3A_53 : vector<256x1024xf32>
    %swap3A = arith.constant 0 : index
    %swap3A_55 = arith.constant 0 : index
    %swap3A_56 = vector.load %arg8[%swap3A, %swap3A_55] : memref<256x2048xf32, #tpu.memory_space<vmem>>, vector<256x1024xf32>
    tpu.vector_store %arg8[%swap3A, %swap3A_55], %add3A_54 {strides = array<i32>} : memref<256x2048xf32, #tpu.memory_space<vmem>>, vector<256x1024xf32>,
    %slice3A_57 = vector.extract_strided_slice %dot_general3A_20 {offsets = [0, 1024], sizes = [256, 1024], strides = [1, 1]} : vector<256x2048xf32> to vector<256x1024xf32>
    %mul3A_58 = vector.broadcast %get3A_44 : vector<256x1xf32> to vector<256x1024xf32>
    %mul3A_59 = arith.mulf %mul3A_58, %bitcast_convert_type3A_29 : vector<256x1024xf32>
    %add3A_60 = arith.addf %slice3A_57, %mul3A_59 : vector<256x1024xf32>
    %mul3A_61 = vector.broadcast %get3A_47 : vector<256x1xf32> to vector<256x1024xf32>
    %mul3A_62 = arith.mulf %mul3A_61, %bitcast_convert_type3A_41 : vector<256x1024xf32>
    %add3A_63 = arith.addf %add3A_60, %mul3A_62 : vector<256x1024xf32>
    %swap3A_64 = arith.constant 0 : index
    %swap3A_65 = arith.constant 1024 : index
    %swap3A_66 = vector.load %arg8[%swap3A_64, %swap3A_65] : memref<256x2048xf32, #tpu.memory_space<vmem>>, vector<256x1024xf32>
    tpu.vector_store %arg8[%swap3A_64, %swap3A_65], %add3A_63 {strides = array<i32>} : memref<256x2048xf32, #tpu.memory_space<vmem>>, vector<256x1024xf32>,
    return
  }
  func.func @transform_0(%arg0: i32) -> (i32, i32) {
    %c0_i32 = arith.constant 0 : i32
    %c0_i32_0 = arith.constant 0 : i32
    return %arg0, %c0_i32 : i32, i32
  }
  func.func @transform_1(%arg0: i32) -> (i32, i32) {
    %c0_i32 = arith.constant 0 : i32
    %c0_i32_0 = arith.constant 0 : i32
    %c0_i32_1 = arith.constant 0 : i32
    return %c0_i32, %c0_i32_0 : i32, i32
  }
  func.func @transform_2(%arg0: i32) -> (i32, i32) {
    %c0_i32 = arith.constant 0 : i32
    %c0_i32_0 = arith.constant 0 : i32
    %c0_i32_1 = arith.constant 0 : i32
    return %c0_i32, %c0_i32_0 : i32, i32
  }
  func.func @transform_3(%arg0: i32) -> (i32, i32) {
    %c0_i32 = arith.constant 0 : i32
    %c0_i32_0 = arith.constant 0 : i32
    return %arg0, %c0_i32 : i32, i32
  }
  func.func @transform_4(%arg0: i32) -> (i32, i32) {
    %add3A = arith.constant 16 : i32
    %add3A_0 = arith.addi %arg0, %add3A : i32
    %c0_i32 = arith.constant 0 : i32
    %c0_i32_1 = arith.constant 0 : i32
    return %add3A_0, %c0_i32 : i32, i32
  }
  func.func @transform_5(%arg0: i32) -> (i32, i32) {
    %c0_i32 = arith.constant 0 : i32
    %c0_i32_0 = arith.constant 0 : i32
    return %arg0, %c0_i32 : i32, i32
  }
  func.func @transform_6(%arg0: i32) -> (i32, i32) {
    %c0_i32 = arith.constant 0 : i32
    %c0_i32_0 = arith.constant 0 : i32
    return %arg0, %c0_i32 : i32, i32
  }
  func.func @transform_7(%arg0: i32) -> (i32, i32) {
    %c0_i32 = arith.constant 0 : i32
    %c0_i32_0 = arith.constant 0 : i32
    return %arg0, %c0_i32 : i32, i32
  }
}

</mosaic_0001>

<sc_bundles>
// kernel: kernel.10.cloned.1.call-start
scs
__scs_entry_jumppad:
0x0: {  	(pc) =	sbr.rel $0x88, $3  }
0x1: {  	(tag) =	ssettag $0x0;
	lr =	simm.s32 $0x1  }
0x2: {  	[smem:$0x3F9A] =	sst lr;
	_ =	strace $0xD0000000  }
0x3: {  	_ = 	snop  }
0x4: {  	_ = 	snop  }
0x5: {  	_ = 	snop  }
0x6: {  	_ = 	snop  }
0x7: {  	_ = 	snop  }
__scs_overlays_trampoline_lowered:
0x8: {  	[smem:$0x3FA9] =	sst s0  }
0x9: {  	[smem:$0x3FAA] =	sst s1  }
0xa: {  	[smem:$0x3FAB] =	sst s2  }
0xb: {  	[smem:$0x3FAC] =	sst s3  }
0xc: {  	[smem:$0x3FAD] =	sst s4  }
0xd: {  	[smem:$0x3FAE] =	sst s5  }
0xe: {  	[smem:$0x3FAF] =	sst s6  }
0xf: {  	[smem:$0x3FB0] =	sst s7  }
0x10: {  	[smem:$0x3FB1] =	sst s8  }
0x11: {  	[smem:$0x3FB2] =	sst s9;
	s0 =	simm.s32 @!p0 $0x0  }
0x12: {  	s1 =	sld [smem:$0x3F98];
	s0 =	simm.s32 @p0 $0x1  }
0x13: {  	[smem:$0x3FB3] =	sst s0;
	s0 =	simm.s32 @!p1 $0x0  }
0x14: {  	s2 =	sld [smem:$0x3F97];
	s0 =	simm.s32 @p1 $0x1  }
0x15: {  	[smem:$0x3FB4] =	sst s0;
	s0 =	simm.s32 @!p2 $0x0  }
0x16: {  	s3 =	sld [smem:$0x3FDB];
	s0 =	simm.s32 @p2 $0x1  }
0x17: {  	s4 =	simm.s32 $0x1BF5;
	[smem:$0x3FB6] =	sst s0  }
0x18: {  	s0 =	sld [smem:$0x3F99];
	_ =	swait.ge [sflag:s4], $0x0  }
0x19: {  	s7 =	sld [smem:$0x3F9A]  }
0x1a: {  	s8 =	sadd.s32 $0xFFFFE003, lr  }
0x1b: {  	s9 =	sadd.s32 $0xFFFFFEF7, lr;
	s5 =	simm.s32 $0xFFFFFFFF;
	p2 =	slt.u32 s8, $0xFFFFF086  }
0x1c: {  	p1 =	slt.u32 s9, $0xF7A;
	s5 =	simm.s32 @!p2 $0x0  }
0x1d: {  	s5 =	simm.s32 @p1 $0x1;
	p0 =	seq.s32 s7, s2  }
0x1e: {  	s7 =	smul.u32 @!p0 $0xF7A, s2;
	p2 =	seq.s32 @!p0 s5, $0x0  }
0x1f: {  	s9 =	smul.u32 $0xF7A, s1;
	s8 =	simm.s32 @!p0 $0x1BF5;
	p2 =	por !p2, p0  }
0x20: {  	[sflag:s8] =	ssyncset.s32 @!p0 $0xFFFFF086;
	s6 =	sadd.s32 @!p0 s3, s7;
	s7 =	simm.s32 @!p0 $0x108  }
0x21: {  	s3 =	sadd.s32 s3, s9;
	s6 =	sadd.s32 @!p0 $0x88, s6;
	s7 =	simm.s32 @p2 $0x1082  }
0x22: {  	[simem:s7], [sflag:s8] =	dma.local @!p0 [hbm:s6], $0xF7A  }
0x23: {  	s9 =	sor.u32 $0xD0000000, s2;
	s6 =	simm.s32 $0x108;
	_ =	swait.ge @!p0 [sflag:s8], $0x0  }
0x24: {  	s3 =	sadd.s32 $0x88, s3;
	s6 =	simm.s32 @!p1 $0x1082;
	[sflag:s4] =	ssyncset.s32 $0xFFFFF086  }
0x25: {  	[simem:s6], [sflag:s4] =	dma.local [hbm:s3], $0xF7A  }
0x26: {  	[smem:$0x3F9A] =	sst s1;
	(tag) =	ssettag s2;
	_ =	strace s9  }
0x27: {  	s1 =	sld [smem:$0x3FAA]  }
0x28: {  	s2 =	sld [smem:$0x3FAB]  }
0x29: {  	s4 =	sld [smem:$0x3FAD]  }
0x2a: {  	p0 =	seq.s32 s5, $0x0;
	s5 =	sld [smem:$0x3FAE]  }
0x2b: {  	s6 =	sld [smem:$0x3FAF]  }
0x2c: {  	s7 =	sld [smem:$0x3FB0]  }
0x2d: {  	s3 =	simm.s32 $0x108;
	s8 =	sld [smem:$0x3FB1]  }
0x2e: {  	s3 =	simm.s32 @!p0 $0x1082;
	s9 =	sld [smem:$0x3FB2]  }
0x2f: {  	lr =	sadd.s32 s0, s3;
	s0 =	sld [smem:$0x3FA9]  }
0x30: {  	s3 =	sld [smem:$0x3FAC]  }
0x31: {  	[smem:$0x3FB5] =	sst s10  }
0x32: {  	s10 =	sld [smem:$0x3FB3];
	_ =	sdelay $0x3  }
0x33: {  	p0 =	seq.s32 s10, $0x1;
	s10 =	sld [smem:$0x3FB5];
	_ =	sdelay $0x3  }
0x34: {  	[smem:$0x3FB5] =	sst s10  }
0x35: {  	s10 =	sld [smem:$0x3FB4];
	_ =	sdelay $0x3  }
0x36: {  	p1 =	seq.s32 s10, $0x1;
	s10 =	sld [smem:$0x3FB5];
	_ =	sdelay $0x3  }
0x37: {  	[smem:$0x3FB5] =	sst s10  }
0x38: {  	s10 =	sld [smem:$0x3FB6]  }
0x39: {  	_ = 	snop;
	(pc) =	sbr.ind lr, $3  }
0x3a: {  	_ = 	snop  }
0x3b: {  	_ = 	snop  }
0x3c: {  	p2 =	seq.s32 s10, $0x1;
	s10 =	sld [smem:$0x3FB5]  }
0x3d: {  	_ =	shalt  }
0x3e: {  	_ =	shalt  }
0x3f: {  	_ =	shalt  }
0x40: {  	_ =	shalt  }
0x41: {  	_ =	shalt  }
0x42: {  	_ =	shalt  }
0x43: {  	_ =	shalt  }
0x44: {  	_ =	shalt  }
0x45: {  	_ =	shalt  }
0x46: {  	_ =	shalt  }
0x47: {  	_ =	shalt  }
0x48: {  	_ =	shalt  }
0x49: {  	_ =	shalt  }
0x4a: {  	_ =	shalt  }
0x4b: {  	_ =	shalt  }
0x4c: {  	_ =	shalt  }
0x4d: {  	_ =	shalt  }
0x4e: {  	_ =	shalt  }
0x4f: {  	_ =	shalt  }
0x50: {  	_ =	shalt  }
0x51: {  	_ =	shalt  }
0x52: {  	_ =	shalt  }
0x53: {  	_ =	shalt  }
0x54: {  	_ =	shalt  }
0x55: {  	_ =	shalt  }
0x56: {  	_ =	shalt  }
0x57: {  	_ =	shalt  }
0x58: {  	_ =	shalt  }
0x59: {  	_ =	shalt  }
0x5a: {  	_ =	shalt  }
0x5b: {  	_ =	shalt  }
0x5c: {  	_ =	shalt  }
0x5d: {  	_ =	shalt  }
0x5e: {  	_ =	shalt  }
0x5f: {  	_ =	shalt  }
0x60: {  	_ =	shalt  }
0x61: {  	_ =	shalt  }
0x62: {  	_ =	shalt  }
0x63: {  	_ =	shalt  }
0x64: {  	_ =	shalt  }
0x65: {  	_ =	shalt  }
0x66: {  	_ =	shalt  }
0x67: {  	_ =	shalt  }
0x68: {  	_ =	shalt  }
0x69: {  	_ =	shalt  }
0x6a: {  	_ =	shalt  }
0x6b: {  	_ =	shalt  }
0x6c: {  	_ =	shalt  }
0x6d: {  	_ =	shalt  }
0x6e: {  	_ =	shalt  }
0x6f: {  	_ =	shalt  }
0x70: {  	_ =	shalt  }
0x71: {  	_ =	shalt  }
0x72: {  	_ =	shalt  }
0x73: {  	_ =	shalt  }
0x74: {  	_ =	shalt  }
0x75: {  	_ =	shalt  }
0x76: {  	_ =	shalt  }
0x77: {  	_ =	shalt  }
0x78: {  	_ =	shalt  }
0x79: {  	_ =	shalt  }
0x7a: {  	_ =	shalt  }
0x7b: {  	_ =	shalt  }
0x7c: {  	_ =	shalt  }
0x7d: {  	_ =	shalt  }
0x7e: {  	_ =	shalt  }
0x7f: {  	_ =	shalt  }
0x80: {  	_ =	shalt  }
0x81: {  	_ =	shalt  }
0x82: {  	_ =	shalt  }
0x83: {  	_ =	shalt  }
0x84: {  	_ =	shalt  }
0x85: {  	_ =	shalt  }
0x86: {  	_ =	shalt  }
0x87: {  	_ =	shalt  }
.Lfunc_end0:
.L_simem_size_0:
called_computation.1_lowered:
.L_overlay_start_0:
0x88: {  	s2 =	sld [smem:$0x3FD9]  }
0x89: {  	s3 =	sld [smem:$0x3FFE];
	_ =	sdelay $0x1  }
0x8a: {  	s1 =	srdreg.scid  }
0x8b: {  	s0 =	sand.u32 $0x1, s1  }
0x8c: {  	s16 =	sshll.u32 s0, $0xA;
	s2 =	sadd.s32 s3, s2  }
0x8d: {  	s2 =	sadd.s32 s2, s16  }
0x8e: {  	[smem:$0x3FC1] =	sst s2  }
0x8f: {  	_ = 	snop  }
0x90: {  	(tm) =	ssettm $0x1  }
0x91: {  	s17 =	sld [smem:$0x3FFB];
	_ =	sdelay $0x3  }
0x92: {  	_ =	strace s17  }
0x93: {  	s2 =	sld [smem:$0x3FFC];
	_ =	sdelay $0x3  }
0x94: {  	_ =	strace s2  }
0x95: {  	s2 =	sld [smem:$0x3FFD];
	_ =	sdelay $0x3  }
0x96: {  	_ =	strace s2  }
0x97: {  	_ =	strace $0x8FFFFFFF  }
0x98: {  	s18 =	sld [smem:$0x3FDB];
	_ =	sdelay $0x1  }
0x99: {  	s19 =	simm.s32 $_scs_section_size  }
0x9a: {  	s4 =	simm.s32 $_size__tile_overlayer_lowered;
	s5 =	simm.s32 $_tile_overlayer_lowered  }
0x9b: {  	s22 =	simm.s32 $0x1BFF;
	s21 =	sshll.u32 s5, $0x1;
	s2 =	sadd.s32 s19, s18  }
0x9c: {  	s6 =	simm.s32 $0x0;
	s20 =	sshll.u32 s4, $0x1;
	s4 =	sadd.s32 s21, s2  }
0x9d: {  	[timem:s6], [sflag:s22] =	dma.local [hbm:s4], s20  }
0x9e: {  	_ =	swait.ge [sflag:s22], s20  }
0x9f: {  	s3 =	ssub.s32 $0x0, s20;
	[sflag:s22] =	ssyncset.done $0x0  }
0xa0: {  	[sflag:s22] =	ssyncadd.s32 s3;
	_ =	sdelay $0x1  }
0xa1: {  	s23 =	simm.s32 $0x1B8B  }
0xa2: {  	_ =	swait.ge [sflag:s23], $0x1  }
0xa3: {  	[sflag:s23] =	ssyncset.done $0x0  }
0xa4: {  	s25 =	simm.s32 $0x1B8E;
	s24 =	sld [smem:$0x3FFE];
	[sflag:s23] =	ssyncadd.s32 $0xFFFFFFFF  }
0xa5: {  	s26 =	simm.s32 $execute0_lowered;
	[smem:$0x3FD2] =	sst s25  }
0xa6: {  	s4 =	sshll.u32 s26, $0x1;
	_ =	strace $0x80000049;
	[dreg:$0x1] =	wrdreg $0xFFFFFFFF  }
0xa7: {  	s28 =	simm.s32 $_size_execute0_lowered;
	s2 =	sadd.s32 s2, s4;
	[dreg:$0x0] =	wrdreg $0x0  }
0xa8: {  	s4 =	sshll.u32 s28, $0x1;
	[dreg:$0x2] =	wrdreg s2  }
0xa9: {  	[dreg:$0x3] =	wrdreg s4  }
0xaa: {  	[dreg:$0x4] =	wrdreg $0xC0  }
0xab: {  	_ =	task [dreg:s6], $0x5FFFF  }
0xac: {  	[dreg:$0x1] =	wrdreg $0xFFFFFFFF  }
0xad: {  	[dreg:$0x0] =	wrdreg $0x60  }
0xae: {  	[dreg:$0x2] =	wrdreg s24  }
0xaf: {  	[dreg:$0x3] =	wrdreg $0x9  }
0xb0: {  	_ =	task.clear_ibuf [dreg:s6], $0x4FFFF;
	_ =	strace $0x90000049  }
0xb1: {  	s29 =	simm.s32 $0x9;
	_ =	strace $0x8000004B  }
0xb2: {  	_ =	swait.ge [sflag:s29], $0x1  }
0xb3: {  	[sflag:s29] =	ssyncadd.s32 $0xFFFFFFFF  }
0xb4: {  	_ =	strace $0x9000004B  }
0xb5: {  	_ =	sfence  }
0xb6: {  	s30 =	sld [smem:$0x0];
	_ =	sdelay $0x2  }
0xb7: {  	s31 =	sshll.u32 s1, $0xD;
	s1 =	sshrl.u32 s1, $0x2  }
0xb8: {  	s3 =	sand.u32 $0x4000, s31;
	s1 =	sadd.s32 s1, s30  }
0xb9: {  	s0 =	sor.u32 s3, s0;
	s1 =	sshll.u32 s1, $0x11  }
0xba: {  	s0 =	sor.u32 s1, s0  }
0xbb: {  	s0 =	sadd.s32 $0x8F2B, s0  }
0xbc: {  	[sflag:s0] =	ssyncadd.remote.s32 $0x1  }
0xbd: {  	_ =	sfence.sel $0xFFFF  }
0xbe: {  	[dreg:$0x0] =	wrdreg $0xFFFFFFFF;
	(pc) =	sbr.abs _section_cstart, $3  }
0xbf: {  	[dreg:$0x1] =	wrdreg $0xFFFFFFFF  }
0xc0: {  	_ =	task.clear_ibuf [dreg:s6], $0x2FFFF;
	_ =	strace $0x9FFFFFFF  }
0xc1: {  	(tm) =	ssettm $0x7FFFFFFF  }
tec
execute0_lowered:
.L_overlay_start_1:
0x0: {  	(tag) =	ssettag $0x1  }
0x1: {  	s0 =	srdreg.scid;
	s1 =	stileid.u32  }
0x2: {  	s6 =	rddreg [dreg:$0x0];
	s8 =	simm.s32 $0x3;
	s9 =	simm.s32 $0x100  }
0x3: {  	s18 =	simm.s32 $0x1;
	s19 =	simm.s32 $0x2;
	s28 =	simm.s32 $0x3100  }
0x4: {  	s29 =	simm.s32 $0x3900;
	s30 =	simm.s32 $0x4100;
	s0 =	sand.u32 $0x1, s0  }
0x5: {  	s31 =	simm.s32 $0x4900;
	s1 =	sshll.u32 s1, $0x9;
	s2 =	sshll.u32 s0, $0x8  }
0x6: {  	s16 =	simm.s32 $0x5100;
	s15 =	simm.s32 $0x5900;
	s1 =	sor.u32 s2, s1  }
0x7: {  	s11 =	simm.s32 $0x6900;
	s12 =	simm.s32 $0x7100;
	s3 =	sshrl.u32 s1, $0x3  }
0x8: {  	s2 =	simm.s32 $0x0;
	s1 =	sshll.u32 s1, $0x7;
	s3 =	sadd.s32 s3, s6  }
0x9: {  	[smem:$0x7FF] =	sst s2;
	s1 =	sadd.s32 s1, s6;
	s3 =	sadd.s32 $0x3C0C00, s3  }
0xa: {  	_ =	strace $0x8000004A;
	s21 =	sadd.s32 $0x80400, s1;
	[dreg:$0x2] =	wrdreg s3  }
0xb: {  	s13 =	simm.s32 $0x7900;
	s22 =	sadd.s32 $0x81400, s1;
	[dreg:$0x3] =	wrdreg s21  }
0xc: {  	s0 =	ssub.s32 $0x2, s0;
	s4 =	sadd.s32 $0x82400, s1;
	[dreg:$0x4] =	wrdreg s22  }
0xd: {  	s5 =	sshrl.u32 s0, $0x1;
	s23 =	sadd.s32 $0x83400, s1;
	[dreg:$0x5] =	wrdreg s4  }
0xe: {  	s0 =	ssub.s32 s0, s5;
	s24 =	sadd.s32 $0x84400, s1;
	[dreg:$0x6] =	wrdreg s23  }
0xf: {  	s5 =	sadd.s32 $0x3C1200, s6;
	s25 =	sadd.s32 $0x85400, s1;
	[dreg:$0x7] =	wrdreg s24  }
0x10: {  	s7 =	smax.u32 s0, $0x1;
	s26 =	sadd.s32 $0x86400, s1;
	[dreg:$0x8] =	wrdreg s25  }
0x11: {  	s1 =	sadd.s32 $0x87400, s1;
	s3 =	sadd.s32 $0x3C1000, s6;
	[dreg:$0x9] =	wrdreg s26  }
0x12: {  	v2 =	vlaneseq.u32;
	s4 =	sadd.s32 $0x3C1100, s6;
	s6 =	sadd.s32 $0x3C1300, s6;
	[dreg:$0xa] =	wrdreg s1  }
0x13: {  	vm0 =	vmmov $0xffff;
	v1 =	vshrl.u32 v2, $0x3;
	s25 =	simm.s32 $0x8100;
	s21 =	simm.s32 $0x900;
	s22 =	simm.s32 $0x1100  }
0x14: {  	v0 =	vand.u32 $0x7, v2;
	v2 =	vor.u32 $0x8, v2;
	v1 =	vmul.u32 $0x8, v1;
	s23 =	simm.s32 $0x1900;
	s24 =	simm.s32 $0x2100;
	s26 =	simm.s32 $0x2900  }
.LBB2_1:
0x15: {  	s20 =	rddreg [dreg:$0x2]  }
0x16: {  	[tilespmem:s2], [sflag:$0x3] =	stream.linear.gather [hbm4b:s20+s2], $0x100, $0x38;
	[tilespmem:$0x10100] =	vst v63  }
0x17: {  	_ =	swait.ge [sflag:s8], $0x100  }
0x18: {  	[sflag:s8] =	ssyncset.done $0x0  }
0x19: {  	[sflag:s8] =	ssyncadd.s32 $0xFFFFFF00  }
0x1a: {  	v3 =	vld [tilespmem:$0x0];
	_ =	sdelay $0x4  }
0x1b: {  	v4 =	vshll.u32 v3, $0x3  }
0x1c: {  	v3 =	vand.u32 $0x7, v3;
	v4 =	vand.u32 $0xFFFFFFC0, v4  }
0x1d: {  	v3 =	vor.u32 v3, v4  }
0x1e: {  	v4 =	vperm.xlane v3, v0;
	_ =	sdelay $0x1  }
0x1f: {  	v4 =	vadd.s32 v1, v4;
	_ =	sdelay $0x4  }
0x20: {  	[tilespmem:s9], [sflag:$0x1] =	stream.indirect_vreg.gather [hbm4b:s3+s2], $0x80, v4, vm0, $0xb8;
	[tilespmem:$0x10100] =	vst v63  }
0x21: {  	v3 =	vperm.xlane v3, v2  }
0x22: {  	[tilespmem:s21], [sflag:$0x1] =	stream.indirect_vreg.gather [hbm4b:s4+s2], $0x80, v4, vm0, $0xb8;
	[tilespmem:$0x10100] =	vst v63  }
0x23: {  	v3 =	vadd.s32 v1, v3  }
0x24: {  	[tilespmem:s22], [sflag:$0x1] =	stream.indirect_vreg.gather [hbm4b:s5+s2], $0x80, v4, vm0, $0xb8;
	[tilespmem:$0x10100] =	vst v63  }
0x25: {  	_ = 	snop  }
0x26: {  	[tilespmem:s23], [sflag:$0x1] =	stream.indirect_vreg.gather [hbm4b:s6+s2], $0x80, v4, vm0, $0xb8;
	[tilespmem:$0x10100] =	vst v63  }
0x27: {  	_ = 	snop  }
0x28: {  	[tilespmem:s24], [sflag:$0x1] =	stream.indirect_vreg.gather [hbm4b:s3+s2], $0x80, v3, vm0, $0xb8;
	[tilespmem:$0x10100] =	vst v63  }
0x29: {  	_ = 	snop  }
0x2a: {  	[tilespmem:s26], [sflag:$0x1] =	stream.indirect_vreg.gather [hbm4b:s4+s2], $0x80, v3, vm0, $0xb8;
	[tilespmem:$0x10100] =	vst v63  }
0x2b: {  	_ = 	snop  }
0x2c: {  	[tilespmem:s28], [sflag:$0x1] =	stream.indirect_vreg.gather [hbm4b:s5+s2], $0x80, v3, vm0, $0xb8;
	[tilespmem:$0x10100] =	vst v63  }
0x2d: {  	_ = 	snop  }
0x2e: {  	[tilespmem:s29], [sflag:$0x1] =	stream.indirect_vreg.gather [hbm4b:s6+s2], $0x80, v3, vm0, $0xb8;
	[tilespmem:$0x10100] =	vst v63  }
0x2f: {  	v3 =	vld [tilespmem:$0x10];
	_ =	sdelay $0x4  }
0x30: {  	v49 =	vshll.u32 v3, $0x3  }
0x31: {  	v3 =	vand.u32 $0x7, v3;
	v4 =	vand.u32 $0xFFFFFFC0, v49  }
0x32: {  	v3 =	vor.u32 v3, v4  }
0x33: {  	v4 =	vperm.xlane v3, v0;
	_ =	sdelay $0x1  }
0x34: {  	v4 =	vadd.s32 v1, v4;
	_ =	sdelay $0x4  }
0x35: {  	[tilespmem:s30], [sflag:$0x1] =	stream.indirect_vreg.gather [hbm4b:s3+s2], $0x80, v4, vm0, $0xb8;
	[tilespmem:$0x10100] =	vst v63  }
0x36: {  	v3 =	vperm.xlane v3, v2  }
0x37: {  	[tilespmem:s31], [sflag:$0x1] =	stream.indirect_vreg.gather [hbm4b:s4+s2], $0x80, v4, vm0, $0xb8;
	[tilespmem:$0x10100] =	vst v63  }
0x38: {  	v3 =	vadd.s32 v1, v3  }
0x39: {  	[tilespmem:s16], [sflag:$0x1] =	stream.indirect_vreg.gather [hbm4b:s5+s2], $0x80, v4, vm0, $0xb8;
	[tilespmem:$0x10100] =	vst v63  }
0x3a: {  	_ = 	snop  }
0x3b: {  	[tilespmem:s15], [sflag:$0x1] =	stream.indirect_vreg.gather [hbm4b:s6+s2], $0x80, v4, vm0, $0xb8;
	[tilespmem:$0x10100] =	vst v63  }
0x3c: {  	s10 =	simm.s32 $0x6100  }
0x3d: {  	[tilespmem:s10], [sflag:$0x1] =	stream.indirect_vreg.gather [hbm4b:s3+s2], $0x80, v3, vm0, $0xb8;
	[tilespmem:$0x10100] =	vst v63  }
0x3e: {  	_ = 	snop  }
0x3f: {  	[tilespmem:s11], [sflag:$0x1] =	stream.indirect_vreg.gather [hbm4b:s4+s2], $0x80, v3, vm0, $0xb8;
	[tilespmem:$0x10100] =	vst v63  }
0x40: {  	_ = 	snop  }
0x41: {  	[tilespmem:s12], [sflag:$0x1] =	stream.indirect_vreg.gather [hbm4b:s5+s2], $0x80, v3, vm0, $0xb8;
	[tilespmem:$0x10100] =	vst v63  }
0x42: {  	_ = 	snop  }
0x43: {  	[tilespmem:s13], [sflag:$0x1] =	stream.indirect_vreg.gather [hbm4b:s6+s2], $0x80, v3, vm0, $0xb8;
	[tilespmem:$0x10100] =	vst v63  }
0x44: {  	v3 =	vld [tilespmem:$0x20];
	_ =	sdelay $0x4  }
0x45: {  	v50 =	vshll.u32 v3, $0x3  }
0x46: {  	v3 =	vand.u32 $0x7, v3;
	v4 =	vand.u32 $0xFFFFFFC0, v50  }
0x47: {  	v3 =	vor.u32 v3, v4  }
0x48: {  	v4 =	vperm.xlane v3, v0;
	_ =	sdelay $0x1  }
0x49: {  	v4 =	vadd.s32 v1, v4;
	_ =	sdelay $0x4  }
0x4a: {  	[tilespmem:s25], [sflag:$0x2] =	stream.indirect_vreg.gather [hbm4b:s3+s2], $0x80, v4, vm0, $0xb8;
	[tilespmem:$0x10100] =	vst v63  }
0x4b: {  	s14 =	simm.s32 $0x8900;
	v3 =	vperm.xlane v3, v2  }
0x4c: {  	[tilespmem:s14], [sflag:$0x2] =	stream.indirect_vreg.gather [hbm4b:s4+s2], $0x80, v4, vm0, $0xb8;
	[tilespmem:$0x10100] =	vst v63  }
0x4d: {  	s17 =	simm.s32 $0x9100;
	v3 =	vadd.s32 v1, v3  }
0x4e: {  	[tilespmem:s17], [sflag:$0x2] =	stream.indirect_vreg.gather [hbm4b:s5+s2], $0x80, v4, vm0, $0xb8;
	[tilespmem:$0x10100] =	vst v63  }
0x4f: {  	s20 =	simm.s32 $0x9900  }
0x50: {  	[tilespmem:s20], [sflag:$0x2] =	stream.indirect_vreg.gather [hbm4b:s6+s2], $0x80, v4, vm0, $0xb8;
	[tilespmem:$0x10100] =	vst v63  }
0x51: {  	s1 =	simm.s32 $0xA100  }
0x52: {  	[tilespmem:s1], [sflag:$0x2] =	stream.indirect_vreg.gather [hbm4b:s3+s2], $0x80, v3, vm0, $0xb8;
	[tilespmem:$0x10100] =	vst v63  }
0x53: {  	s17 =	simm.s32 $0xA900  }
0x54: {  	[tilespmem:s17], [sflag:$0x2] =	stream.indirect_vreg.gather [hbm4b:s4+s2], $0x80, v3, vm0, $0xb8;
	[tilespmem:$0x10100] =	vst v63  }
0x55: {  	s1 =	simm.s32 $0xB100  }
0x56: {  	[tilespmem:s1], [sflag:$0x2] =	stream.indirect_vreg.gather [hbm4b:s5+s2], $0x80, v3, vm0, $0xb8;
	[tilespmem:$0x10100] =	vst v63  }
0x57: {  	s14 =	simm.s32 $0xB900  }
0x58: {  	[tilespmem:s14], [sflag:$0x2] =	stream.indirect_vreg.gather [hbm4b:s6+s2], $0x80, v3, vm0, $0xb8;
	[tilespmem:$0x10100] =	vst v63  }
0x59: {  	v3 =	vld [tilespmem:$0x30];
	_ =	sdelay $0x4  }
0x5a: {  	v51 =	vshll.u32 v3, $0x3  }
0x5b: {  	v3 =	vand.u32 $0x7, v3;
	v4 =	vand.u32 $0xFFFFFFC0, v51  }
0x5c: {  	v3 =	vor.u32 v3, v4  }
0x5d: {  	v4 =	vperm.xlane v3, v0;
	_ =	sdelay $0x1  }
0x5e: {  	v4 =	vadd.s32 v1, v4;
	_ =	sdelay $0x3  }
0x5f: {  	s17 =	simm.s32 $0xC100  }
0x60: {  	[tilespmem:s17], [sflag:$0x2] =	stream.indirect_vreg.gather [hbm4b:s3+s2], $0x80, v4, vm0, $0xb8;
	[tilespmem:$0x10100] =	vst v63  }
0x61: {  	s1 =	simm.s32 $0xC900;
	v3 =	vperm.xlane v3, v2  }
0x62: {  	[tilespmem:s1], [sflag:$0x2] =	stream.indirect_vreg.gather [hbm4b:s4+s2], $0x80, v4, vm0, $0xb8;
	[tilespmem:$0x10100] =	vst v63  }
0x63: {  	v3 =	vadd.s32 v1, v3;
	s1 =	simm.s32 $0xD100  }
0x64: {  	[tilespmem:s1], [sflag:$0x2] =	stream.indirect_vreg.gather [hbm4b:s5+s2], $0x80, v4, vm0, $0xb8;
	[tilespmem:$0x10100] =	vst v63  }
0x65: {  	s1 =	simm.s32 $0xD900  }
0x66: {  	[tilespmem:s1], [sflag:$0x2] =	stream.indirect_vreg.gather [hbm4b:s6+s2], $0x80, v4, vm0, $0xb8;
	[tilespmem:$0x10100] =	vst v63  }
0x67: {  	s1 =	simm.s32 $0xE100  }
0x68: {  	[tilespmem:s1], [sflag:$0x2] =	stream.indirect_vreg.gather [hbm4b:s3+s2], $0x80, v3, vm0, $0xb8;
	[tilespmem:$0x10100] =	vst v63  }
0x69: {  	s1 =	simm.s32 $0xE900  }
0x6a: {  	[tilespmem:s1], [sflag:$0x2] =	stream.indirect_vreg.gather [hbm4b:s4+s2], $0x80, v3, vm0, $0xb8;
	[tilespmem:$0x10100] =	vst v63  }
0x6b: {  	s1 =	simm.s32 $0xF100  }
0x6c: {  	[tilespmem:s1], [sflag:$0x2] =	stream.indirect_vreg.gather [hbm4b:s5+s2], $0x80, v3, vm0, $0xb8;
	[tilespmem:$0x10100] =	vst v63  }
0x6d: {  	s1 =	simm.s32 $0xF900  }
0x6e: {  	[tilespmem:s1], [sflag:$0x2] =	stream.indirect_vreg.gather [hbm4b:s6+s2], $0x80, v3, vm0, $0xb8;
	[tilespmem:$0x10100] =	vst v63  }
0x6f: {  	_ =	swait.ge [sflag:s18], $0x8000  }
0x70: {  	[sflag:s18] =	ssyncset.done $0x0  }
0x71: {  	s1 =	rddreg [dreg:$0x3];
	[sflag:s18] =	ssyncadd.s32 $0xFFFF8000  }
0x72: {  	[hbm4b:s1+s2] =	stream.linear.scatter [tilespmem:s9], [sflag:$0x3], $0x8000, $0x38;
	[tilespmem:$0x10100] =	vst v63  }
0x73: {  	_ =	swait.ge [sflag:s8], $0x8000  }
0x74: {  	[sflag:s8] =	ssyncset.done $0x0  }
0x75: {  	[sflag:s8] =	ssyncadd.s32 $0xFFFF8000  }
0x76: {  	v3 =	vld [tilespmem:$0x40];
	_ =	sdelay $0x4  }
0x77: {  	v52 =	vshll.u32 v3, $0x3  }
0x78: {  	v3 =	vand.u32 $0x7, v3;
	v4 =	vand.u32 $0xFFFFFFC0, v52  }
0x79: {  	v3 =	vor.u32 v3, v4  }
0x7a: {  	v4 =	vperm.xlane v3, v0;
	_ =	sdelay $0x1  }
0x7b: {  	v4 =	vadd.s32 v1, v4;
	_ =	sdelay $0x4  }
0x7c: {  	[tilespmem:s9], [sflag:$0x1] =	stream.indirect_vreg.gather [hbm4b:s3+s2], $0x80, v4, vm0, $0xb8;
	[tilespmem:$0x10100] =	vst v63  }
0x7d: {  	v3 =	vperm.xlane v3, v2  }
0x7e: {  	[tilespmem:s21], [sflag:$0x1] =	stream.indirect_vreg.gather [hbm4b:s4+s2], $0x80, v4, vm0, $0xb8;
	[tilespmem:$0x10100] =	vst v63  }
0x7f: {  	v3 =	vadd.s32 v1, v3  }
0x80: {  	[tilespmem:s22], [sflag:$0x1] =	stream.indirect_vreg.gather [hbm4b:s5+s2], $0x80, v4, vm0, $0xb8;
	[tilespmem:$0x10100] =	vst v63  }
0x81: {  	_ = 	snop  }
0x82: {  	[tilespmem:s23], [sflag:$0x1] =	stream.indirect_vreg.gather [hbm4b:s6+s2], $0x80, v4, vm0, $0xb8;
	[tilespmem:$0x10100] =	vst v63  }
0x83: {  	_ = 	snop  }
0x84: {  	[tilespmem:s24], [sflag:$0x1] =	stream.indirect_vreg.gather [hbm4b:s3+s2], $0x80, v3, vm0, $0xb8;
	[tilespmem:$0x10100] =	vst v63  }
0x85: {  	_ = 	snop  }
0x86: {  	[tilespmem:s26], [sflag:$0x1] =	stream.indirect_vreg.gather [hbm4b:s4+s2], $0x80, v3, vm0, $0xb8;
	[tilespmem:$0x10100] =	vst v63  }
0x87: {  	_ = 	snop  }
0x88: {  	[tilespmem:s28], [sflag:$0x1] =	stream.indirect_vreg.gather [hbm4b:s5+s2], $0x80, v3, vm0, $0xb8;
	[tilespmem:$0x10100] =	vst v63  }
0x89: {  	_ = 	snop  }
0x8a: {  	[tilespmem:s29], [sflag:$0x1] =	stream.indirect_vreg.gather [hbm4b:s6+s2], $0x80, v3, vm0, $0xb8;
	[tilespmem:$0x10100] =	vst v63  }
0x8b: {  	v3 =	vld [tilespmem:$0x50];
	_ =	sdelay $0x4  }
0x8c: {  	v53 =	vshll.u32 v3, $0x3  }
0x8d: {  	v3 =	vand.u32 $0x7, v3;
	v4 =	vand.u32 $0xFFFFFFC0, v53  }
0x8e: {  	v3 =	vor.u32 v3, v4  }
0x8f: {  	v4 =	vperm.xlane v3, v0;
	_ =	sdelay $0x1  }
0x90: {  	v4 =	vadd.s32 v1, v4;
	_ =	sdelay $0x4  }
0x91: {  	[tilespmem:s30], [sflag:$0x1] =	stream.indirect_vreg.gather [hbm4b:s3+s2], $0x80, v4, vm0, $0xb8;
	[tilespmem:$0x10100] =	vst v63  }
0x92: {  	v3 =	vperm.xlane v3, v2  }
0x93: {  	[tilespmem:s31], [sflag:$0x1] =	stream.indirect_vreg.gather [hbm4b:s4+s2], $0x80, v4, vm0, $0xb8;
	[tilespmem:$0x10100] =	vst v63  }
0x94: {  	v3 =	vadd.s32 v1, v3  }
0x95: {  	[tilespmem:s16], [sflag:$0x1] =	stream.indirect_vreg.gather [hbm4b:s5+s2], $0x80, v4, vm0, $0xb8;
	[tilespmem:$0x10100] =	vst v63  }
0x96: {  	_ = 	snop  }
0x97: {  	[tilespmem:s15], [sflag:$0x1] =	stream.indirect_vreg.gather [hbm4b:s6+s2], $0x80, v4, vm0, $0xb8;
	[tilespmem:$0x10100] =	vst v63  }
0x98: {  	_ = 	snop  }
0x99: {  	[tilespmem:s10], [sflag:$0x1] =	stream.indirect_vreg.gather [hbm4b:s3+s2], $0x80, v3, vm0, $0xb8;
	[tilespmem:$0x10100] =	vst v63  }
0x9a: {  	_ = 	snop  }
0x9b: {  	[tilespmem:s11], [sflag:$0x1] =	stream.indirect_vreg.gather [hbm4b:s4+s2], $0x80, v3, vm0, $0xb8;
	[tilespmem:$0x10100] =	vst v63  }
0x9c: {  	_ = 	snop  }
0x9d: {  	[tilespmem:s12], [sflag:$0x1] =	stream.indirect_vreg.gather [hbm4b:s5+s2], $0x80, v3, vm0, $0xb8;
	[tilespmem:$0x10100] =	vst v63  }
0x9e: {  	_ = 	snop  }
0x9f: {  	[tilespmem:s13], [sflag:$0x1] =	stream.indirect_vreg.gather [hbm4b:s6+s2], $0x80, v3, vm0, $0xb8;
	[tilespmem:$0x10100] =	vst v63  }
0xa0: {  	_ =	swait.ge [sflag:s19], $0x8000  }
0xa1: {  	[sflag:s19] =	ssyncset.done $0x0  }
0xa2: {  	s1 =	rddreg [dreg:$0x4];
	[sflag:s19] =	ssyncadd.s32 $0xFFFF8000  }
0xa3: {  	[hbm4b:s1+s2] =	stream.linear.scatter [tilespmem:s25], [sflag:$0x3], $0x8000, $0x38;
	[tilespmem:$0x10100] =	vst v63  }
0xa4: {  	_ =	swait.ge [sflag:s8], $0x8000  }
0xa5: {  	[sflag:s8] =	ssyncset.done $0x0  }
0xa6: {  	[sflag:s8] =	ssyncadd.s32 $0xFFFF8000  }
0xa7: {  	v3 =	vld [tilespmem:$0x60];
	_ =	sdelay $0x4  }
0xa8: {  	v54 =	vshll.u32 v3, $0x3  }
0xa9: {  	v3 =	vand.u32 $0x7, v3;
	v4 =	vand.u32 $0xFFFFFFC0, v54  }
0xaa: {  	v3 =	vor.u32 v3, v4  }
0xab: {  	v4 =	vperm.xlane v3, v0;
	_ =	sdelay $0x1  }
0xac: {  	v4 =	vadd.s32 v1, v4;
	_ =	sdelay $0x4  }
0xad: {  	[tilespmem:s25], [sflag:$0x2] =	stream.indirect_vreg.gather [hbm4b:s3+s2], $0x80, v4, vm0, $0xb8;
	[tilespmem:$0x10100] =	vst v63  }
0xae: {  	s0 =	simm.s32 $0x8900;
	v3 =	vperm.xlane v3, v2  }
0xaf: {  	[tilespmem:s0], [sflag:$0x2] =	stream.indirect_vreg.gather [hbm4b:s4+s2], $0x80, v4, vm0, $0xb8;
	[tilespmem:$0x10100] =	vst v63  }
0xb0: {  	v3 =	vadd.s32 v1, v3;
	s0 =	simm.s32 $0x9100  }
0xb1: {  	[tilespmem:s0], [sflag:$0x2] =	stream.indirect_vreg.gather [hbm4b:s5+s2], $0x80, v4, vm0, $0xb8;
	[tilespmem:$0x10100] =	vst v63  }
0xb2: {  	s1 =	simm.s32 $0x9900  }
0xb3: {  	[tilespmem:s1], [sflag:$0x2] =	stream.indirect_vreg.gather [hbm4b:s6+s2], $0x80, v4, vm0, $0xb8;
	[tilespmem:$0x10100] =	vst v63  }
0xb4: {  	s20 =	simm.s32 $0xA100  }
0xb5: {  	[tilespmem:s20], [sflag:$0x2] =	stream.indirect_vreg.gather [hbm4b:s3+s2], $0x80, v3, vm0, $0xb8;
	[tilespmem:$0x10100] =	vst v63  }
0xb6: {  	s20 =	simm.s32 $0xA900  }
0xb7: {  	[tilespmem:s20], [sflag:$0x2] =	stream.indirect_vreg.gather [hbm4b:s4+s2], $0x80, v3, vm0, $0xb8;
	[tilespmem:$0x10100] =	vst v63  }
0xb8: {  	s20 =	simm.s32 $0xB100  }
0xb9: {  	[tilespmem:s20], [sflag:$0x2] =	stream.indirect_vreg.gather [hbm4b:s5+s2], $0x80, v3, vm0, $0xb8;
	[tilespmem:$0x10100] =	vst v63  }
0xba: {  	s14 =	simm.s32 $0xB900  }
0xbb: {  	[tilespmem:s14], [sflag:$0x2] =	stream.indirect_vreg.gather [hbm4b:s6+s2], $0x80, v3, vm0, $0xb8;
	[tilespmem:$0x10100] =	vst v63  }
0xbc: {  	v3 =	vld [tilespmem:$0x70];
	_ =	sdelay $0x4  }
0xbd: {  	v55 =	vshll.u32 v3, $0x3  }
0xbe: {  	v3 =	vand.u32 $0x7, v3;
	v4 =	vand.u32 $0xFFFFFFC0, v55  }
0xbf: {  	v3 =	vor.u32 v3, v4  }
0xc0: {  	v4 =	vperm.xlane v3, v0;
	_ =	sdelay $0x1  }
0xc1: {  	v4 =	vadd.s32 v1, v4;
	_ =	sdelay $0x3  }
0xc2: {  	s17 =	simm.s32 $0xC100  }
0xc3: {  	[tilespmem:s17], [sflag:$0x2] =	stream.indirect_vreg.gather [hbm4b:s3+s2], $0x80, v4, vm0, $0xb8;
	[tilespmem:$0x10100] =	vst v63  }
0xc4: {  	s20 =	simm.s32 $0xC900;
	v3 =	vperm.xlane v3, v2  }
0xc5: {  	[tilespmem:s20], [sflag:$0x2] =	stream.indirect_vreg.gather [hbm4b:s4+s2], $0x80, v4, vm0, $0xb8;
	[tilespmem:$0x10100] =	vst v63  }
0xc6: {  	v3 =	vadd.s32 v1, v3;
	s17 =	simm.s32 $0xD100  }
0xc7: {  	[tilespmem:s17], [sflag:$0x2] =	stream.indirect_vreg.gather [hbm4b:s5+s2], $0x80, v4, vm0, $0xb8;
	[tilespmem:$0x10100] =	vst v63  }
0xc8: {  	s20 =	simm.s32 $0xD900  }
0xc9: {  	[tilespmem:s20], [sflag:$0x2] =	stream.indirect_vreg.gather [hbm4b:s6+s2], $0x80, v4, vm0, $0xb8;
	[tilespmem:$0x10100] =	vst v63  }
0xca: {  	s17 =	simm.s32 $0xE100  }
0xcb: {  	[tilespmem:s17], [sflag:$0x2] =	stream.indirect_vreg.gather [hbm4b:s3+s2], $0x80, v3, vm0, $0xb8;
	[tilespmem:$0x10100] =	vst v63  }
0xcc: {  	s20 =	simm.s32 $0xE900  }
0xcd: {  	[tilespmem:s20], [sflag:$0x2] =	stream.indirect_vreg.gather [hbm4b:s4+s2], $0x80, v3, vm0, $0xb8;
	[tilespmem:$0x10100] =	vst v63  }
0xce: {  	s17 =	simm.s32 $0xF100  }
0xcf: {  	[tilespmem:s17], [sflag:$0x2] =	stream.indirect_vreg.gather [hbm4b:s5+s2], $0x80, v3, vm0, $0xb8;
	[tilespmem:$0x10100] =	vst v63  }
0xd0: {  	s20 =	simm.s32 $0xF900  }
0xd1: {  	[tilespmem:s20], [sflag:$0x2] =	stream.indirect_vreg.gather [hbm4b:s6+s2], $0x80, v3, vm0, $0xb8;
	[tilespmem:$0x10100] =	vst v63  }
0xd2: {  	_ =	swait.ge [sflag:s18], $0x8000  }
0xd3: {  	[sflag:s18] =	ssyncset.done $0x0  }
0xd4: {  	s17 =	rddreg [dreg:$0x5];
	[sflag:s18] =	ssyncadd.s32 $0xFFFF8000  }
0xd5: {  	[hbm4b:s17+s2] =	stream.linear.scatter [tilespmem:s9], [sflag:$0x3], $0x8000, $0x38;
	[tilespmem:$0x10100] =	vst v63  }
0xd6: {  	_ =	swait.ge [sflag:s8], $0x8000  }
0xd7: {  	[sflag:s8] =	ssyncset.done $0x0  }
0xd8: {  	[sflag:s8] =	ssyncadd.s32 $0xFFFF8000  }
0xd9: {  	v3 =	vld [tilespmem:$0x80];
	_ =	sdelay $0x4  }
0xda: {  	v56 =	vshll.u32 v3, $0x3  }
0xdb: {  	v3 =	vand.u32 $0x7, v3;
	v4 =	vand.u32 $0xFFFFFFC0, v56  }
0xdc: {  	v3 =	vor.u32 v3, v4  }
0xdd: {  	v4 =	vperm.xlane v3, v0;
	_ =	sdelay $0x1  }
0xde: {  	v4 =	vadd.s32 v1, v4;
	_ =	sdelay $0x4  }
0xdf: {  	[tilespmem:s9], [sflag:$0x1] =	stream.indirect_vreg.gather [hbm4b:s3+s2], $0x80, v4, vm0, $0xb8;
	[tilespmem:$0x10100] =	vst v63  }
0xe0: {  	v3 =	vperm.xlane v3, v2  }
0xe1: {  	[tilespmem:s21], [sflag:$0x1] =	stream.indirect_vreg.gather [hbm4b:s4+s2], $0x80, v4, vm0, $0xb8;
	[tilespmem:$0x10100] =	vst v63  }
0xe2: {  	v3 =	vadd.s32 v1, v3  }
0xe3: {  	[tilespmem:s22], [sflag:$0x1] =	stream.indirect_vreg.gather [hbm4b:s5+s2], $0x80, v4, vm0, $0xb8;
	[tilespmem:$0x10100] =	vst v63  }
0xe4: {  	_ = 	snop  }
0xe5: {  	[tilespmem:s23], [sflag:$0x1] =	stream.indirect_vreg.gather [hbm4b:s6+s2], $0x80, v4, vm0, $0xb8;
	[tilespmem:$0x10100] =	vst v63  }
0xe6: {  	_ = 	snop  }
0xe7: {  	[tilespmem:s24], [sflag:$0x1] =	stream.indirect_vreg.gather [hbm4b:s3+s2], $0x80, v3, vm0, $0xb8;
	[tilespmem:$0x10100] =	vst v63  }
0xe8: {  	_ = 	snop  }
0xe9: {  	[tilespmem:s26], [sflag:$0x1] =	stream.indirect_vreg.gather [hbm4b:s4+s2], $0x80, v3, vm0, $0xb8;
	[tilespmem:$0x10100] =	vst v63  }
0xea: {  	_ = 	snop  }
0xeb: {  	[tilespmem:s28], [sflag:$0x1] =	stream.indirect_vreg.gather [hbm4b:s5+s2], $0x80, v3, vm0, $0xb8;
	[tilespmem:$0x10100] =	vst v63  }
0xec: {  	_ = 	snop  }
0xed: {  	[tilespmem:s29], [sflag:$0x1] =	stream.indirect_vreg.gather [hbm4b:s6+s2], $0x80, v3, vm0, $0xb8;
	[tilespmem:$0x10100] =	vst v63  }
0xee: {  	v3 =	vld [tilespmem:$0x90];
	_ =	sdelay $0x4  }
0xef: {  	v57 =	vshll.u32 v3, $0x3  }
0xf0: {  	v3 =	vand.u32 $0x7, v3;
	v4 =	vand.u32 $0xFFFFFFC0, v57  }
0xf1: {  	v3 =	vor.u32 v3, v4  }
0xf2: {  	v4 =	vperm.xlane v3, v0;
	_ =	sdelay $0x1  }
0xf3: {  	v4 =	vadd.s32 v1, v4;
	_ =	sdelay $0x4  }
0xf4: {  	[tilespmem:s30], [sflag:$0x1] =	stream.indirect_vreg.gather [hbm4b:s3+s2], $0x80, v4, vm0, $0xb8;
	[tilespmem:$0x10100] =	vst v63  }
0xf5: {  	v3 =	vperm.xlane v3, v2  }
0xf6: {  	[tilespmem:s31], [sflag:$0x1] =	stream.indirect_vreg.gather [hbm4b:s4+s2], $0x80, v4, vm0, $0xb8;
	[tilespmem:$0x10100] =	vst v63  }
0xf7: {  	v3 =	vadd.s32 v1, v3  }
0xf8: {  	[tilespmem:s16], [sflag:$0x1] =	stream.indirect_vreg.gather [hbm4b:s5+s2], $0x80, v4, vm0, $0xb8;
	[tilespmem:$0x10100] =	vst v63  }
0xf9: {  	_ = 	snop  }
0xfa: {  	[tilespmem:s15], [sflag:$0x1] =	stream.indirect_vreg.gather [hbm4b:s6+s2], $0x80, v4, vm0, $0xb8;
	[tilespmem:$0x10100] =	vst v63  }
0xfb: {  	_ = 	snop  }
0xfc: {  	[tilespmem:s10], [sflag:$0x1] =	stream.indirect_vreg.gather [hbm4b:s3+s2], $0x80, v3, vm0, $0xb8;
	[tilespmem:$0x10100] =	vst v63  }
0xfd: {  	_ = 	snop  }
0xfe: {  	[tilespmem:s11], [sflag:$0x1] =	stream.indirect_vreg.gather [hbm4b:s4+s2], $0x80, v3, vm0, $0xb8;
	[tilespmem:$0x10100] =	vst v63  }
0xff: {  	_ = 	snop  }
0x100: {  	[tilespmem:s12], [sflag:$0x1] =	stream.indirect_vreg.gather [hbm4b:s5+s2], $0x80, v3, vm0, $0xb8;
	[tilespmem:$0x10100] =	vst v63  }
0x101: {  	_ = 	snop  }
0x102: {  	[tilespmem:s13], [sflag:$0x1] =	stream.indirect_vreg.gather [hbm4b:s6+s2], $0x80, v3, vm0, $0xb8;
	[tilespmem:$0x10100] =	vst v63  }
0x103: {  	_ =	swait.ge [sflag:s19], $0x8000  }
0x104: {  	[sflag:s19] =	ssyncset.done $0x0  }
0x105: {  	s14 =	rddreg [dreg:$0x6];
	[sflag:s19] =	ssyncadd.s32 $0xFFFF8000  }
0x106: {  	[hbm4b:s14+s2] =	stream.linear.scatter [tilespmem:s25], [sflag:$0x3], $0x8000, $0x38;
	[tilespmem:$0x10100] =	vst v63  }
0x107: {  	_ =	swait.ge [sflag:s8], $0x8000  }
0x108: {  	[sflag:s8] =	ssyncset.done $0x0  }
0x109: {  	[sflag:s8] =	ssyncadd.s32 $0xFFFF8000  }
0x10a: {  	v3 =	vld [tilespmem:$0xA0];
	_ =	sdelay $0x4  }
0x10b: {  	v58 =	vshll.u32 v3, $0x3  }
0x10c: {  	v3 =	vand.u32 $0x7, v3;
	v4 =	vand.u32 $0xFFFFFFC0, v58  }
0x10d: {  	v3 =	vor.u32 v3, v4  }
0x10e: {  	v4 =	vperm.xlane v3, v0;
	_ =	sdelay $0x1  }
0x10f: {  	v4 =	vadd.s32 v1, v4;
	_ =	sdelay $0x4  }
0x110: {  	[tilespmem:s25], [sflag:$0x2] =	stream.indirect_vreg.gather [hbm4b:s3+s2], $0x80, v4, vm0, $0xb8;
	[tilespmem:$0x10100] =	vst v63  }
0x111: {  	s17 =	simm.s32 $0x8900;
	v3 =	vperm.xlane v3, v2  }
0x112: {  	[tilespmem:s17], [sflag:$0x2] =	stream.indirect_vreg.gather [hbm4b:s4+s2], $0x80, v4, vm0, $0xb8;
	[tilespmem:$0x10100] =	vst v63  }
0x113: {  	v3 =	vadd.s32 v1, v3  }
0x114: {  	[tilespmem:s0], [sflag:$0x2] =	stream.indirect_vreg.gather [hbm4b:s5+s2], $0x80, v4, vm0, $0xb8;
	[tilespmem:$0x10100] =	vst v63  }
0x115: {  	_ = 	snop  }
0x116: {  	[tilespmem:s1], [sflag:$0x2] =	stream.indirect_vreg.gather [hbm4b:s6+s2], $0x80, v4, vm0, $0xb8;
	[tilespmem:$0x10100] =	vst v63  }
0x117: {  	s20 =	simm.s32 $0xA100  }
0x118: {  	[tilespmem:s20], [sflag:$0x2] =	stream.indirect_vreg.gather [hbm4b:s3+s2], $0x80, v3, vm0, $0xb8;
	[tilespmem:$0x10100] =	vst v63  }
0x119: {  	s17 =	simm.s32 $0xA900  }
0x11a: {  	[tilespmem:s17], [sflag:$0x2] =	stream.indirect_vreg.gather [hbm4b:s4+s2], $0x80, v3, vm0, $0xb8;
	[tilespmem:$0x10100] =	vst v63  }
0x11b: {  	s20 =	simm.s32 $0xB100  }
0x11c: {  	[tilespmem:s20], [sflag:$0x2] =	stream.indirect_vreg.gather [hbm4b:s5+s2], $0x80, v3, vm0, $0xb8;
	[tilespmem:$0x10100] =	vst v63  }
0x11d: {  	s20 =	simm.s32 $0xB900  }
0x11e: {  	[tilespmem:s20], [sflag:$0x2] =	stream.indirect_vreg.gather [hbm4b:s6+s2], $0x80, v3, vm0, $0xb8;
	[tilespmem:$0x10100] =	vst v63  }
0x11f: {  	v3 =	vld [tilespmem:$0xB0];
	_ =	sdelay $0x4  }
0x120: {  	v59 =	vshll.u32 v3, $0x3  }
0x121: {  	v3 =	vand.u32 $0x7, v3;
	v4 =	vand.u32 $0xFFFFFFC0, v59  }
0x122: {  	v3 =	vor.u32 v3, v4  }
0x123: {  	v4 =	vperm.xlane v3, v0;
	_ =	sdelay $0x1  }
0x124: {  	v4 =	vadd.s32 v1, v4;
	_ =	sdelay $0x3  }
0x125: {  	s20 =	simm.s32 $0xC100  }
0x126: {  	[tilespmem:s20], [sflag:$0x2] =	stream.indirect_vreg.gather [hbm4b:s3+s2], $0x80, v4, vm0, $0xb8;
	[tilespmem:$0x10100] =	vst v63  }
0x127: {  	v3 =	vperm.xlane v3, v2;
	s20 =	simm.s32 $0xC900  }
0x128: {  	[tilespmem:s20], [sflag:$0x2] =	stream.indirect_vreg.gather [hbm4b:s4+s2], $0x80, v4, vm0, $0xb8;
	[tilespmem:$0x10100] =	vst v63  }
0x129: {  	v3 =	vadd.s32 v1, v3;
	s20 =	simm.s32 $0xD100  }
0x12a: {  	[tilespmem:s20], [sflag:$0x2] =	stream.indirect_vreg.gather [hbm4b:s5+s2], $0x80, v4, vm0, $0xb8;
	[tilespmem:$0x10100] =	vst v63  }
0x12b: {  	s20 =	simm.s32 $0xD900  }
0x12c: {  	[tilespmem:s20], [sflag:$0x2] =	stream.indirect_vreg.gather [hbm4b:s6+s2], $0x80, v4, vm0, $0xb8;
	[tilespmem:$0x10100] =	vst v63  }
0x12d: {  	s20 =	simm.s32 $0xE100  }
0x12e: {  	[tilespmem:s20], [sflag:$0x2] =	stream.indirect_vreg.gather [hbm4b:s3+s2], $0x80, v3, vm0, $0xb8;
	[tilespmem:$0x10100] =	vst v63  }
0x12f: {  	s20 =	simm.s32 $0xE900  }
0x130: {  	[tilespmem:s20], [sflag:$0x2] =	stream.indirect_vreg.gather [hbm4b:s4+s2], $0x80, v3, vm0, $0xb8;
	[tilespmem:$0x10100] =	vst v63  }
0x131: {  	s20 =	simm.s32 $0xF100  }
0x132: {  	[tilespmem:s20], [sflag:$0x2] =	stream.indirect_vreg.gather [hbm4b:s5+s2], $0x80, v3, vm0, $0xb8;
	[tilespmem:$0x10100] =	vst v63  }
0x133: {  	s20 =	simm.s32 $0xF900  }
0x134: {  	[tilespmem:s20], [sflag:$0x2] =	stream.indirect_vreg.gather [hbm4b:s6+s2], $0x80, v3, vm0, $0xb8;
	[tilespmem:$0x10100] =	vst v63  }
0x135: {  	_ =	swait.ge [sflag:s18], $0x8000  }
0x136: {  	[sflag:s18] =	ssyncset.done $0x0  }
0x137: {  	s20 =	rddreg [dreg:$0x7];
	[sflag:s18] =	ssyncadd.s32 $0xFFFF8000  }
0x138: {  	[hbm4b:s20+s2] =	stream.linear.scatter [tilespmem:s9], [sflag:$0x3], $0x8000, $0x38;
	[tilespmem:$0x10100] =	vst v63  }
0x139: {  	_ =	swait.ge [sflag:s8], $0x8000  }
0x13a: {  	[sflag:s8] =	ssyncset.done $0x0  }
0x13b: {  	[sflag:s8] =	ssyncadd.s32 $0xFFFF8000  }
0x13c: {  	v3 =	vld [tilespmem:$0xC0];
	_ =	sdelay $0x4  }
0x13d: {  	v60 =	vshll.u32 v3, $0x3  }
0x13e: {  	v3 =	vand.u32 $0x7, v3;
	v4 =	vand.u32 $0xFFFFFFC0, v60  }
0x13f: {  	v3 =	vor.u32 v3, v4  }
0x140: {  	v4 =	vperm.xlane v3, v0;
	_ =	sdelay $0x1  }
0x141: {  	v4 =	vadd.s32 v1, v4;
	_ =	sdelay $0x4  }
0x142: {  	[tilespmem:s9], [sflag:$0x1] =	stream.indirect_vreg.gather [hbm4b:s3+s2], $0x80, v4, vm0, $0xb8;
	[tilespmem:$0x10100] =	vst v63  }
0x143: {  	v3 =	vperm.xlane v3, v2  }
0x144: {  	[tilespmem:s21], [sflag:$0x1] =	stream.indirect_vreg.gather [hbm4b:s4+s2], $0x80, v4, vm0, $0xb8;
	[tilespmem:$0x10100] =	vst v63  }
0x145: {  	v3 =	vadd.s32 v1, v3  }
0x146: {  	[tilespmem:s22], [sflag:$0x1] =	stream.indirect_vreg.gather [hbm4b:s5+s2], $0x80, v4, vm0, $0xb8;
	[tilespmem:$0x10100] =	vst v63  }
0x147: {  	_ = 	snop  }
0x148: {  	[tilespmem:s23], [sflag:$0x1] =	stream.indirect_vreg.gather [hbm4b:s6+s2], $0x80, v4, vm0, $0xb8;
	[tilespmem:$0x10100] =	vst v63  }
0x149: {  	_ = 	snop  }
0x14a: {  	[tilespmem:s24], [sflag:$0x1] =	stream.indirect_vreg.gather [hbm4b:s3+s2], $0x80, v3, vm0, $0xb8;
	[tilespmem:$0x10100] =	vst v63  }
0x14b: {  	_ = 	snop  }
0x14c: {  	[tilespmem:s26], [sflag:$0x1] =	stream.indirect_vreg.gather [hbm4b:s4+s2], $0x80, v3, vm0, $0xb8;
	[tilespmem:$0x10100] =	vst v63  }
0x14d: {  	_ = 	snop  }
0x14e: {  	[tilespmem:s28], [sflag:$0x1] =	stream.indirect_vreg.gather [hbm4b:s5+s2], $0x80, v3, vm0, $0xb8;
	[tilespmem:$0x10100] =	vst v63  }
0x14f: {  	_ = 	snop  }
0x150: {  	[tilespmem:s29], [sflag:$0x1] =	stream.indirect_vreg.gather [hbm4b:s6+s2], $0x80, v3, vm0, $0xb8;
	[tilespmem:$0x10100] =	vst v63  }
0x151: {  	v3 =	vld [tilespmem:$0xD0];
	_ =	sdelay $0x4  }
0x152: {  	v61 =	vshll.u32 v3, $0x3  }
0x153: {  	v3 =	vand.u32 $0x7, v3;
	v4 =	vand.u32 $0xFFFFFFC0, v61  }
0x154: {  	v3 =	vor.u32 v3, v4  }
0x155: {  	v4 =	vperm.xlane v3, v0;
	_ =	sdelay $0x1  }
0x156: {  	v4 =	vadd.s32 v1, v4;
	_ =	sdelay $0x4  }
0x157: {  	[tilespmem:s30], [sflag:$0x1] =	stream.indirect_vreg.gather [hbm4b:s3+s2], $0x80, v4, vm0, $0xb8;
	[tilespmem:$0x10100] =	vst v63  }
0x158: {  	v3 =	vperm.xlane v3, v2  }
0x159: {  	[tilespmem:s31], [sflag:$0x1] =	stream.indirect_vreg.gather [hbm4b:s4+s2], $0x80, v4, vm0, $0xb8;
	[tilespmem:$0x10100] =	vst v63  }
0x15a: {  	v3 =	vadd.s32 v1, v3  }
0x15b: {  	[tilespmem:s16], [sflag:$0x1] =	stream.indirect_vreg.gather [hbm4b:s5+s2], $0x80, v4, vm0, $0xb8;
	[tilespmem:$0x10100] =	vst v63  }
0x15c: {  	_ = 	snop  }
0x15d: {  	[tilespmem:s15], [sflag:$0x1] =	stream.indirect_vreg.gather [hbm4b:s6+s2], $0x80, v4, vm0, $0xb8;
	[tilespmem:$0x10100] =	vst v63  }
0x15e: {  	_ = 	snop  }
0x15f: {  	[tilespmem:s10], [sflag:$0x1] =	stream.indirect_vreg.gather [hbm4b:s3+s2], $0x80, v3, vm0, $0xb8;
	[tilespmem:$0x10100] =	vst v63  }
0x160: {  	_ = 	snop  }
0x161: {  	[tilespmem:s11], [sflag:$0x1] =	stream.indirect_vreg.gather [hbm4b:s4+s2], $0x80, v3, vm0, $0xb8;
	[tilespmem:$0x10100] =	vst v63  }
0x162: {  	_ = 	snop  }
0x163: {  	[tilespmem:s12], [sflag:$0x1] =	stream.indirect_vreg.gather [hbm4b:s5+s2], $0x80, v3, vm0, $0xb8;
	[tilespmem:$0x10100] =	vst v63  }
0x164: {  	_ = 	snop  }
0x165: {  	[tilespmem:s13], [sflag:$0x1] =	stream.indirect_vreg.gather [hbm4b:s6+s2], $0x80, v3, vm0, $0xb8;
	[tilespmem:$0x10100] =	vst v63  }
0x166: {  	_ =	swait.ge [sflag:s19], $0x8000  }
0x167: {  	[sflag:s19] =	ssyncset.done $0x0  }
0x168: {  	s10 =	rddreg [dreg:$0x8];
	[sflag:s19] =	ssyncadd.s32 $0xFFFF8000  }
0x169: {  	[hbm4b:s10+s2] =	stream.linear.scatter [tilespmem:s25], [sflag:$0x3], $0x8000, $0x38;
	[tilespmem:$0x10100] =	vst v63  }
0x16a: {  	_ =	swait.ge [sflag:s8], $0x8000  }
0x16b: {  	[sflag:s8] =	ssyncset.done $0x0  }
0x16c: {  	[sflag:s8] =	ssyncadd.s32 $0xFFFF8000  }
0x16d: {  	v3 =	vld [tilespmem:$0xE0];
	_ =	sdelay $0x4  }
0x16e: {  	v62 =	vshll.u32 v3, $0x3  }
0x16f: {  	v3 =	vand.u32 $0x7, v3;
	v4 =	vand.u32 $0xFFFFFFC0, v62  }
0x170: {  	v3 =	vor.u32 v3, v4  }
0x171: {  	v4 =	vperm.xlane v3, v0;
	_ =	sdelay $0x1  }
0x172: {  	v4 =	vadd.s32 v1, v4;
	_ =	sdelay $0x4  }
0x173: {  	[tilespmem:s25], [sflag:$0x2] =	stream.indirect_vreg.gather [hbm4b:s3+s2], $0x80, v4, vm0, $0xb8;
	[tilespmem:$0x10100] =	vst v63  }
0x174: {  	s20 =	simm.s32 $0x8900;
	v3 =	vperm.xlane v3, v2  }
0x175: {  	[tilespmem:s20], [sflag:$0x2] =	stream.indirect_vreg.gather [hbm4b:s4+s2], $0x80, v4, vm0, $0xb8;
	[tilespmem:$0x10100] =	vst v63  }
0x176: {  	s0 =	simm.s32 $0x9100;
	v3 =	vadd.s32 v1, v3  }
0x177: {  	[tilespmem:s0], [sflag:$0x2] =	stream.indirect_vreg.gather [hbm4b:s5+s2], $0x80, v4, vm0, $0xb8;
	[tilespmem:$0x10100] =	vst v63  }
0x178: {  	s1 =	simm.s32 $0x9900  }
0x179: {  	[tilespmem:s1], [sflag:$0x2] =	stream.indirect_vreg.gather [hbm4b:s6+s2], $0x80, v4, vm0, $0xb8;
	[tilespmem:$0x10100] =	vst v63  }
0x17a: {  	s10 =	simm.s32 $0xA100  }
0x17b: {  	[tilespmem:s10], [sflag:$0x2] =	stream.indirect_vreg.gather [hbm4b:s3+s2], $0x80, v3, vm0, $0xb8;
	[tilespmem:$0x10100] =	vst v63  }
0x17c: {  	s14 =	simm.s32 $0xA900  }
0x17d: {  	[tilespmem:s14], [sflag:$0x2] =	stream.indirect_vreg.gather [hbm4b:s4+s2], $0x80, v3, vm0, $0xb8;
	[tilespmem:$0x10100] =	vst v63  }
0x17e: {  	s17 =	simm.s32 $0xB100  }
0x17f: {  	[tilespmem:s17], [sflag:$0x2] =	stream.indirect_vreg.gather [hbm4b:s5+s2], $0x80, v3, vm0, $0xb8;
	[tilespmem:$0x10100] =	vst v63  }
0x180: {  	s17 =	simm.s32 $0xB900  }
0x181: {  	[tilespmem:s17], [sflag:$0x2] =	stream.indirect_vreg.gather [hbm4b:s6+s2], $0x80, v3, vm0, $0xb8;
	[tilespmem:$0x10100] =	vst v63  }
0x182: {  	v3 =	vld [tilespmem:$0xF0];
	_ =	sdelay $0x4  }
0x183: {  	v63 =	vshll.u32 v3, $0x3  }
0x184: {  	v3 =	vand.u32 $0x7, v3;
	v4 =	vand.u32 $0xFFFFFFC0, v63  }
0x185: {  	v3 =	vor.u32 v3, v4  }
0x186: {  	v4 =	vperm.xlane v3, v0;
	_ =	sdelay $0x1  }
0x187: {  	v4 =	vadd.s32 v1, v4;
	_ =	sdelay $0x3  }
0x188: {  	s20 =	simm.s32 $0xC100  }
0x189: {  	[tilespmem:s20], [sflag:$0x2] =	stream.indirect_vreg.gather [hbm4b:s3+s2], $0x80, v4, vm0, $0xb8;
	[tilespmem:$0x10100] =	vst v63  }
0x18a: {  	s1 =	simm.s32 $0xC900;
	v3 =	vperm.xlane v3, v2  }
0x18b: {  	[tilespmem:s1], [sflag:$0x2] =	stream.indirect_vreg.gather [hbm4b:s4+s2], $0x80, v4, vm0, $0xb8;
	[tilespmem:$0x10100] =	vst v63  }
0x18c: {  	s10 =	simm.s32 $0xD100;
	v3 =	vadd.s32 v1, v3  }
0x18d: {  	[tilespmem:s10], [sflag:$0x2] =	stream.indirect_vreg.gather [hbm4b:s5+s2], $0x80, v4, vm0, $0xb8;
	[tilespmem:$0x10100] =	vst v63  }
0x18e: {  	s14 =	simm.s32 $0xD900  }
0x18f: {  	[tilespmem:s14], [sflag:$0x2] =	stream.indirect_vreg.gather [hbm4b:s6+s2], $0x80, v4, vm0, $0xb8;
	[tilespmem:$0x10100] =	vst v63  }
0x190: {  	s17 =	simm.s32 $0xE100  }
0x191: {  	[tilespmem:s17], [sflag:$0x2] =	stream.indirect_vreg.gather [hbm4b:s3+s2], $0x80, v3, vm0, $0xb8;
	[tilespmem:$0x10100] =	vst v63  }
0x192: {  	s20 =	simm.s32 $0xE900  }
0x193: {  	[tilespmem:s20], [sflag:$0x2] =	stream.indirect_vreg.gather [hbm4b:s4+s2], $0x80, v3, vm0, $0xb8;
	[tilespmem:$0x10100] =	vst v63  }
0x194: {  	s1 =	simm.s32 $0xF100  }
0x195: {  	[tilespmem:s1], [sflag:$0x2] =	stream.indirect_vreg.gather [hbm4b:s5+s2], $0x80, v3, vm0, $0xb8;
	[tilespmem:$0x10100] =	vst v63  }
0x196: {  	s10 =	simm.s32 $0xF900  }
0x197: {  	[tilespmem:s10], [sflag:$0x2] =	stream.indirect_vreg.gather [hbm4b:s6+s2], $0x80, v3, vm0, $0xb8;
	[tilespmem:$0x10100] =	vst v63  }
0x198: {  	_ =	swait.ge [sflag:s18], $0x8000  }
0x199: {  	[sflag:s18] =	ssyncset.done $0x0  }
0x19a: {  	s14 =	rddreg [dreg:$0x9];
	[sflag:s18] =	ssyncadd.s32 $0xFFFF8000  }
0x19b: {  	[hbm4b:s14+s2] =	stream.linear.scatter [tilespmem:s9], [sflag:$0x3], $0x8000, $0x38;
	[tilespmem:$0x10100] =	vst v63  }
0x19c: {  	_ =	swait.ge [sflag:s8], $0x8000  }
0x19d: {  	[sflag:s8] =	ssyncset.done $0x0  }
0x19e: {  	[sflag:s8] =	ssyncadd.s32 $0xFFFF8000  }
0x19f: {  	_ =	swait.ge [sflag:s19], $0x8000  }
0x1a0: {  	p0 =	sne.s32 s7, $0x1;
	[sflag:s19] =	ssyncset.done $0x0  }
.Ltmp0:
0x1a1: {  	s17 =	rddreg [dreg:$0xa];
	[sflag:s19] =	ssyncadd.s32 $0xFFFF8000;
	(pc) =	sbr.rel @p0 .LBB2_1-.Ltmp0, $4  }
0x1a2: {  	[hbm4b:s17+s2] =	stream.linear.scatter [tilespmem:s25], [sflag:$0x3], $0x8000, $0x38;
	[tilespmem:$0x10100] =	vst v63  }
0x1a3: {  	_ =	swait.ge [sflag:s8], $0x8000  }
0x1a4: {  	[sflag:s8] =	ssyncset.done $0x0  }
0x1a5: {  	s7 =	sadd.s32 $0xFFFFFFFF, s7;
	[sflag:s8] =	ssyncadd.s32 $0xFFFF8000  }
0x1a6: {  	_ =	sfence.sel $0x180000  }
0x1a7: {  	[bflag:$0x0] =	sbarrier.arrive $0xFFFF  }
0x1a8: {  	_ =	strace $0x9000004A  }
0x1a9: {  	s0 =	stileid.u32;
	[bflag:$0x2] =	sbarrier.arrive $0xFFFF  }
0x1aa: {  	p0 =	sne.s32 s0, $0x0;
	s0 =	rddreg [dreg:$0x1]  }
0x1ab: {  	s0 =	sadd.s32 @!p0 $0x100000, s0  }
0x1ac: {  	[sflag:s0] =	ssyncadd.tile.s32 @!p0 $0x1;
	_ =	shalt  }
.Lfunc_end2:
_tile_overlayer_lowered:
.L_overlay_start_2:
0x1ad: {  	(tag) =	ssettag $0x2  }
0x1ae: {  	s0 =	rddreg [dreg:$0x0];
	s2 =	stileid.u32  }
0x1af: {  	s1 =	rddreg [dreg:$0x1];
	p0 =	sne.s32 s2, $0x0  }
0x1b0: {  	s3 =	rddreg [dreg:$0x2];
	[bflag:$0x3] =	sbarrier.arrive $0xFFFF;
	s2 =	simm.s32 @!p0 $0x1C03  }
0x1b1: {  	[timem:s3], [sflag:s2] =	dma.local @!p0 [hbm:s0], s1  }
0x1b2: {  	s0 =	simm.s32 @!p0 $0x3  }
0x1b3: {  	_ =	swait.ge @!p0 [sflag:s0], s1  }
0x1b4: {  	s1 =	ssub.s32 @!p0 $0x0, s1;
	[sflag:s0] =	ssyncset.done @!p0 $0x0  }
0x1b5: {  	[sflag:s0] =	ssyncadd.s32 @!p0 s1  }
0x1b6: {  	[bflag:$0x3] =	sbarrier.arrive $0xFFFF  }
0x1b7: {  	_ =	shalt  }

// kernel: kernel.7.cloned.1.call-start
scs
__scs_entry_jumppad:
0x0: {  	(pc) =	sbr.rel $0x88, $3  }
0x1: {  	(tag) =	ssettag $0x0;
	lr =	simm.s32 $0x1  }
0x2: {  	[smem:$0x3F9A] =	sst lr;
	_ =	strace $0xD0000000  }
0x3: {  	_ = 	snop  }
0x4: {  	_ = 	snop  }
0x5: {  	_ = 	snop  }
0x6: {  	_ = 	snop  }
0x7: {  	_ = 	snop  }
__scs_overlays_trampoline_lowered:
0x8: {  	[smem:$0x3FA9] =	sst s0  }
0x9: {  	[smem:$0x3FAA] =	sst s1  }
0xa: {  	[smem:$0x3FAB] =	sst s2  }
0xb: {  	[smem:$0x3FAC] =	sst s3  }
0xc: {  	[smem:$0x3FAD] =	sst s4  }
0xd: {  	[smem:$0x3FAE] =	sst s5  }
0xe: {  	[smem:$0x3FAF] =	sst s6  }
0xf: {  	[smem:$0x3FB0] =	sst s7  }
0x10: {  	[smem:$0x3FB1] =	sst s8  }
0x11: {  	[smem:$0x3FB2] =	sst s9;
	s0 =	simm.s32 @!p0 $0x0  }
0x12: {  	s1 =	sld [smem:$0x3F98];
	s0 =	simm.s32 @p0 $0x1  }
0x13: {  	[smem:$0x3FB3] =	sst s0;
	s0 =	simm.s32 @!p1 $0x0  }
0x14: {  	s2 =	sld [smem:$0x3F97];
	s0 =	simm.s32 @p1 $0x1  }
0x15: {  	[smem:$0x3FB4] =	sst s0;
	s0 =	simm.s32 @!p2 $0x0  }
0x16: {  	s3 =	sld [smem:$0x3FDB];
	s0 =	simm.s32 @p2 $0x1  }
0x17: {  	s4 =	simm.s32 $0x1BF5;
	[smem:$0x3FB6] =	sst s0  }
0x18: {  	s0 =	sld [smem:$0x3F99];
	_ =	swait.ge [sflag:s4], $0x0  }
0x19: {  	s7 =	sld [smem:$0x3F9A]  }
0x1a: {  	s8 =	sadd.s32 $0xFFFFE003, lr  }
0x1b: {  	s9 =	sadd.s32 $0xFFFFFEF7, lr;
	s5 =	simm.s32 $0xFFFFFFFF;
	p2 =	slt.u32 s8, $0xFFFFF086  }
0x1c: {  	p1 =	slt.u32 s9, $0xF7A;
	s5 =	simm.s32 @!p2 $0x0  }
0x1d: {  	s5 =	simm.s32 @p1 $0x1;
	p0 =	seq.s32 s7, s2  }
0x1e: {  	s7 =	smul.u32 @!p0 $0xF7A, s2;
	p2 =	seq.s32 @!p0 s5, $0x0  }
0x1f: {  	s9 =	smul.u32 $0xF7A, s1;
	s8 =	simm.s32 @!p0 $0x1BF5;
	p2 =	por !p2, p0  }
0x20: {  	[sflag:s8] =	ssyncset.s32 @!p0 $0xFFFFF086;
	s6 =	sadd.s32 @!p0 s3, s7;
	s7 =	simm.s32 @!p0 $0x108  }
0x21: {  	s3 =	sadd.s32 s3, s9;
	s6 =	sadd.s32 @!p0 $0x88, s6;
	s7 =	simm.s32 @p2 $0x1082  }
0x22: {  	[simem:s7], [sflag:s8] =	dma.local @!p0 [hbm:s6], $0xF7A  }
0x23: {  	s9 =	sor.u32 $0xD0000000, s2;
	s6 =	simm.s32 $0x108;
	_ =	swait.ge @!p0 [sflag:s8], $0x0  }
0x24: {  	s3 =	sadd.s32 $0x88, s3;
	s6 =	simm.s32 @!p1 $0x1082;
	[sflag:s4] =	ssyncset.s32 $0xFFFFF086  }
0x25: {  	[simem:s6], [sflag:s4] =	dma.local [hbm:s3], $0xF7A  }
0x26: {  	[smem:$0x3F9A] =	sst s1;
	(tag) =	ssettag s2;
	_ =	strace s9  }
0x27: {  	s1 =	sld [smem:$0x3FAA]  }
0x28: {  	s2 =	sld [smem:$0x3FAB]  }
0x29: {  	s4 =	sld [smem:$0x3FAD]  }
0x2a: {  	p0 =	seq.s32 s5, $0x0;
	s5 =	sld [smem:$0x3FAE]  }
0x2b: {  	s6 =	sld [smem:$0x3FAF]  }
0x2c: {  	s7 =	sld [smem:$0x3FB0]  }
0x2d: {  	s3 =	simm.s32 $0x108;
	s8 =	sld [smem:$0x3FB1]  }
0x2e: {  	s3 =	simm.s32 @!p0 $0x1082;
	s9 =	sld [smem:$0x3FB2]  }
0x2f: {  	lr =	sadd.s32 s0, s3;
	s0 =	sld [smem:$0x3FA9]  }
0x30: {  	s3 =	sld [smem:$0x3FAC]  }
0x31: {  	[smem:$0x3FB5] =	sst s10  }
0x32: {  	s10 =	sld [smem:$0x3FB3];
	_ =	sdelay $0x3  }
0x33: {  	p0 =	seq.s32 s10, $0x1;
	s10 =	sld [smem:$0x3FB5];
	_ =	sdelay $0x3  }
0x34: {  	[smem:$0x3FB5] =	sst s10  }
0x35: {  	s10 =	sld [smem:$0x3FB4];
	_ =	sdelay $0x3  }
0x36: {  	p1 =	seq.s32 s10, $0x1;
	s10 =	sld [smem:$0x3FB5];
	_ =	sdelay $0x3  }
0x37: {  	[smem:$0x3FB5] =	sst s10  }
0x38: {  	s10 =	sld [smem:$0x3FB6]  }
0x39: {  	_ = 	snop;
	(pc) =	sbr.ind lr, $3  }
0x3a: {  	_ = 	snop  }
0x3b: {  	_ = 	snop  }
0x3c: {  	p2 =	seq.s32 s10, $0x1;
	s10 =	sld [smem:$0x3FB5]  }
0x3d: {  	_ =	shalt  }
0x3e: {  	_ =	shalt  }
0x3f: {  	_ =	shalt  }
0x40: {  	_ =	shalt  }
0x41: {  	_ =	shalt  }
0x42: {  	_ =	shalt  }
0x43: {  	_ =	shalt  }
0x44: {  	_ =	shalt  }
0x45: {  	_ =	shalt  }
0x46: {  	_ =	shalt  }
0x47: {  	_ =	shalt  }
0x48: {  	_ =	shalt  }
0x49: {  	_ =	shalt  }
0x4a: {  	_ =	shalt  }
0x4b: {  	_ =	shalt  }
0x4c: {  	_ =	shalt  }
0x4d: {  	_ =	shalt  }
0x4e: {  	_ =	shalt  }
0x4f: {  	_ =	shalt  }
0x50: {  	_ =	shalt  }
0x51: {  	_ =	shalt  }
0x52: {  	_ =	shalt  }
0x53: {  	_ =	shalt  }
0x54: {  	_ =	shalt  }
0x55: {  	_ =	shalt  }
0x56: {  	_ =	shalt  }
0x57: {  	_ =	shalt  }
0x58: {  	_ =	shalt  }
0x59: {  	_ =	shalt  }
0x5a: {  	_ =	shalt  }
0x5b: {  	_ =	shalt  }
0x5c: {  	_ =	shalt  }
0x5d: {  	_ =	shalt  }
0x5e: {  	_ =	shalt  }
0x5f: {  	_ =	shalt  }
0x60: {  	_ =	shalt  }
0x61: {  	_ =	shalt  }
0x62: {  	_ =	shalt  }
0x63: {  	_ =	shalt  }
0x64: {  	_ =	shalt  }
0x65: {  	_ =	shalt  }
0x66: {  	_ =	shalt  }
0x67: {  	_ =	shalt  }
0x68: {  	_ =	shalt  }
0x69: {  	_ =	shalt  }
0x6a: {  	_ =	shalt  }
0x6b: {  	_ =	shalt  }
0x6c: {  	_ =	shalt  }
0x6d: {  	_ =	shalt  }
0x6e: {  	_ =	shalt  }
0x6f: {  	_ =	shalt  }
0x70: {  	_ =	shalt  }
0x71: {  	_ =	shalt  }
0x72: {  	_ =	shalt  }
0x73: {  	_ =	shalt  }
0x74: {  	_ =	shalt  }
0x75: {  	_ =	shalt  }
0x76: {  	_ =	shalt  }
0x77: {  	_ =	shalt  }
0x78: {  	_ =	shalt  }
0x79: {  	_ =	shalt  }
0x7a: {  	_ =	shalt  }
0x7b: {  	_ =	shalt  }
0x7c: {  	_ =	shalt  }
0x7d: {  	_ =	shalt  }
0x7e: {  	_ =	shalt  }
0x7f: {  	_ =	shalt  }
0x80: {  	_ =	shalt  }
0x81: {  	_ =	shalt  }
0x82: {  	_ =	shalt  }
0x83: {  	_ =	shalt  }
0x84: {  	_ =	shalt  }
0x85: {  	_ =	shalt  }
0x86: {  	_ =	shalt  }
0x87: {  	_ =	shalt  }
.Lfunc_end0:
.L_simem_size_0:
called_computation_lowered:
.L_overlay_start_0:
0x88: {  	s2 =	sld [smem:$0x3FD9]  }
0x89: {  	s3 =	sld [smem:$0x3FFE];
	_ =	sdelay $0x1  }
0x8a: {  	s1 =	srdreg.scid  }
0x8b: {  	s0 =	sand.u32 $0x1, s1  }
0x8c: {  	s16 =	sshll.u32 s0, $0xA;
	s2 =	sadd.s32 s3, s2  }
0x8d: {  	s2 =	sadd.s32 s2, s16  }
0x8e: {  	[smem:$0x3FC1] =	sst s2  }
0x8f: {  	_ = 	snop  }
0x90: {  	(tm) =	ssettm $0x1  }
0x91: {  	s17 =	sld [smem:$0x3FFB];
	_ =	sdelay $0x3  }
0x92: {  	_ =	strace s17  }
0x93: {  	s2 =	sld [smem:$0x3FFC];
	_ =	sdelay $0x3  }
0x94: {  	_ =	strace s2  }
0x95: {  	s2 =	sld [smem:$0x3FFD];
	_ =	sdelay $0x3  }
0x96: {  	_ =	strace s2  }
0x97: {  	_ =	strace $0x8FFFFFFF  }
0x98: {  	s18 =	sld [smem:$0x3FDB];
	_ =	sdelay $0x1  }
0x99: {  	s19 =	simm.s32 $_scs_section_size  }
0x9a: {  	s4 =	simm.s32 $_size__tile_overlayer_lowered;
	s5 =	simm.s32 $_tile_overlayer_lowered  }
0x9b: {  	s22 =	simm.s32 $0x1BFF;
	s21 =	sshll.u32 s5, $0x1;
	s2 =	sadd.s32 s19, s18  }
0x9c: {  	s6 =	simm.s32 $0x0;
	s20 =	sshll.u32 s4, $0x1;
	s4 =	sadd.s32 s21, s2  }
0x9d: {  	[timem:s6], [sflag:s22] =	dma.local [hbm:s4], s20  }
0x9e: {  	_ =	swait.ge [sflag:s22], s20  }
0x9f: {  	s3 =	ssub.s32 $0x0, s20;
	[sflag:s22] =	ssyncset.done $0x0  }
0xa0: {  	[sflag:s22] =	ssyncadd.s32 s3;
	_ =	sdelay $0x1  }
0xa1: {  	s23 =	simm.s32 $0x1B8B  }
0xa2: {  	_ =	swait.ge [sflag:s23], $0x1  }
0xa3: {  	[sflag:s23] =	ssyncset.done $0x0  }
0xa4: {  	s25 =	simm.s32 $0x1B8E;
	s24 =	sld [smem:$0x3FFE];
	[sflag:s23] =	ssyncadd.s32 $0xFFFFFFFF  }
0xa5: {  	s26 =	simm.s32 $execute0_lowered;
	[smem:$0x3FD2] =	sst s25  }
0xa6: {  	s4 =	sshll.u32 s26, $0x1;
	_ =	strace $0x80000046;
	[dreg:$0x1] =	wrdreg $0xFFFFFFFF  }
0xa7: {  	s28 =	simm.s32 $_size_execute0_lowered;
	s2 =	sadd.s32 s2, s4;
	[dreg:$0x0] =	wrdreg $0x0  }
0xa8: {  	s4 =	sshll.u32 s28, $0x1;
	[dreg:$0x2] =	wrdreg s2  }
0xa9: {  	[dreg:$0x3] =	wrdreg s4  }
0xaa: {  	[dreg:$0x4] =	wrdreg $0xC0  }
0xab: {  	_ =	task [dreg:s6], $0x5FFFF  }
0xac: {  	[dreg:$0x1] =	wrdreg $0xFFFFFFFF  }
0xad: {  	[dreg:$0x0] =	wrdreg $0x60  }
0xae: {  	[dreg:$0x2] =	wrdreg s24  }
0xaf: {  	[dreg:$0x3] =	wrdreg $0x9  }
0xb0: {  	_ =	task.clear_ibuf [dreg:s6], $0x4FFFF;
	_ =	strace $0x90000046  }
0xb1: {  	s29 =	simm.s32 $0x9;
	_ =	strace $0x80000048  }
0xb2: {  	_ =	swait.ge [sflag:s29], $0x1  }
0xb3: {  	[sflag:s29] =	ssyncadd.s32 $0xFFFFFFFF  }
0xb4: {  	_ =	strace $0x90000048  }
0xb5: {  	_ =	sfence  }
0xb6: {  	s30 =	sld [smem:$0x0];
	_ =	sdelay $0x2  }
0xb7: {  	s31 =	sshll.u32 s1, $0xD;
	s1 =	sshrl.u32 s1, $0x2  }
0xb8: {  	s3 =	sand.u32 $0x4000, s31;
	s1 =	sadd.s32 s1, s30  }
0xb9: {  	s0 =	sor.u32 s3, s0;
	s1 =	sshll.u32 s1, $0x11  }
0xba: {  	s0 =	sor.u32 s1, s0  }
0xbb: {  	s0 =	sadd.s32 $0x8F2B, s0  }
0xbc: {  	[sflag:s0] =	ssyncadd.remote.s32 $0x1  }
0xbd: {  	_ =	sfence.sel $0xFFFF  }
0xbe: {  	[dreg:$0x0] =	wrdreg $0xFFFFFFFF;
	(pc) =	sbr.abs _section_cstart, $3  }
0xbf: {  	[dreg:$0x1] =	wrdreg $0xFFFFFFFF  }
0xc0: {  	_ =	task.clear_ibuf [dreg:s6], $0x2FFFF;
	_ =	strace $0x9FFFFFFF  }
0xc1: {  	(tm) =	ssettm $0x7FFFFFFF  }
tec
execute0_lowered:
.L_overlay_start_1:
0x0: {  	(tag) =	ssettag $0x1  }
0x1: {  	s0 =	srdreg.scid;
	s1 =	stileid.u32  }
0x2: {  	s0 =	sand.u32 $0x1, s0;
	s1 =	sshll.u32 s1, $0x1  }
0x3: {  	s1 =	sor.u32 s0, s1  }
0x4: {  	s2 =	rddreg [dreg:$0x0];
	s3 =	simm.s32 $0x0;
	s4 =	smul.u32 $0x28, s1  }
0x5: {  	s9 =	simm.s32 $0x3;
	s28 =	simm.s32 $0x180;
	s5 =	smul.u32 $0xA000, s1  }
0x6: {  	[smem:$0x7FF] =	sst s3;
	s6 =	sadd.s32 $0x80A00, s2;
	s1 =	smul.u32 $0x50000, s1  }
0x7: {  	_ =	strace $0x80000047;
	s4 =	sadd.s32 s4, s2;
	s5 =	sadd.s32 s6, s5  }
0x8: {  	s1 =	sshrl.u32 s1, $0x3;
	s4 =	sadd.s32 $0x80400, s4;
	[dreg:$0xc] =	wrdreg s5  }
0x9: {  	s21 =	sadd.s32 $0x1000, s5;
	s1 =	sadd.s32 s6, s1;
	[dreg:$0x2] =	wrdreg s4  }
0xa: {  	s19 =	simm.s32 $0x1;
	[dreg:$0x3] =	wrdreg s21;
	s22 =	sadd.s32 $0x2000, s1  }
0xb: {  	s20 =	simm.s32 $0x2;
	s23 =	sadd.s32 $0x3000, s1;
	[dreg:$0x4] =	wrdreg s22  }
0xc: {  	s7 =	sadd.s32 $0x300, s2;
	s24 =	sadd.s32 $0x4000, s1;
	[dreg:$0x5] =	wrdreg s23  }
0xd: {  	s0 =	ssub.s32 $0x2, s0;
	s25 =	sadd.s32 $0x5000, s1;
	[dreg:$0x6] =	wrdreg s24  }
0xe: {  	s29 =	sshrl.u32 s0, $0x1;
	s26 =	sadd.s32 $0x6000, s1;
	[dreg:$0x7] =	wrdreg s25  }
0xf: {  	s0 =	ssub.s32 s0, s29;
	s30 =	sadd.s32 $0x7000, s1;
	[dreg:$0x8] =	wrdreg s26  }
0x10: {  	v2 =	vlaneseq.u32;
	s8 =	smax.u32 s0, $0x1;
	s31 =	sadd.s32 $0x8000, s1;
	[dreg:$0x9] =	wrdreg s30  }
0x11: {  	vm0 =	vmmov $0xffff;
	v1 =	vshrl.u32 v2, $0x3;
	s5 =	sadd.s32 $0x100, s2;
	s1 =	sadd.s32 $0x9000, s1;
	[dreg:$0xa] =	wrdreg s31  }
0x12: {  	v0 =	vand.u32 $0x7, v2;
	v2 =	vor.u32 $0x8, v2;
	v1 =	vmul.u32 $0x8, v1;
	s6 =	sadd.s32 $0x200, s2;
	[dreg:$0xb] =	wrdreg s1;
	s26 =	simm.s32 $0x8180  }
.LBB2_1:
0x13: {  	s21 =	rddreg [dreg:$0x2]  }
0x14: {  	[tilespmem:s3], [sflag:$0x3] =	stream.linear.gather [hbm4b:s21+s3], $0x140, $0x38;
	[tilespmem:$0x10180] =	vst v63  }
0x15: {  	_ =	swait.ge [sflag:s9], $0x140  }
0x16: {  	[sflag:s9] =	ssyncset.done $0x0  }
0x17: {  	[sflag:s9] =	ssyncadd.s32 $0xFFFFFEC0  }
0x18: {  	v3 =	vld [tilespmem:$0x0];
	_ =	sdelay $0x4  }
0x19: {  	v4 =	vshll.u32 v3, $0x3  }
0x1a: {  	v3 =	vand.u32 $0x7, v3;
	v4 =	vand.u32 $0xFFFFFFC0, v4  }
0x1b: {  	v3 =	vor.u32 v3, v4  }
0x1c: {  	v4 =	vperm.xlane v3, v0;
	_ =	sdelay $0x1  }
0x1d: {  	v4 =	vadd.s32 v1, v4;
	_ =	sdelay $0x4  }
0x1e: {  	[tilespmem:s28], [sflag:$0x1] =	stream.indirect_vreg.gather [hbm4b:s2+s3], $0x80, v4, vm0, $0xb8;
	[tilespmem:$0x10180] =	vst v63  }
0x1f: {  	s0 =	simm.s32 $0x980;
	v3 =	vperm.xlane v3, v2  }
0x20: {  	[tilespmem:s0], [sflag:$0x1] =	stream.indirect_vreg.gather [hbm4b:s5+s3], $0x80, v4, vm0, $0xb8;
	[tilespmem:$0x10180] =	vst v63  }
0x21: {  	s11 =	simm.s32 $0x1180;
	v3 =	vadd.s32 v1, v3  }
0x22: {  	[tilespmem:s11], [sflag:$0x1] =	stream.indirect_vreg.gather [hbm4b:s6+s3], $0x80, v4, vm0, $0xb8;
	[tilespmem:$0x10180] =	vst v63  }
0x23: {  	s12 =	simm.s32 $0x1980  }
0x24: {  	[tilespmem:s12], [sflag:$0x1] =	stream.indirect_vreg.gather [hbm4b:s7+s3], $0x80, v4, vm0, $0xb8;
	[tilespmem:$0x10180] =	vst v63  }
0x25: {  	s13 =	simm.s32 $0x2180  }
0x26: {  	[tilespmem:s13], [sflag:$0x1] =	stream.indirect_vreg.gather [hbm4b:s2+s3], $0x80, v3, vm0, $0xb8;
	[tilespmem:$0x10180] =	vst v63  }
0x27: {  	s14 =	simm.s32 $0x2980  }
0x28: {  	[tilespmem:s14], [sflag:$0x1] =	stream.indirect_vreg.gather [hbm4b:s5+s3], $0x80, v3, vm0, $0xb8;
	[tilespmem:$0x10180] =	vst v63  }
0x29: {  	s15 =	simm.s32 $0x3180  }
0x2a: {  	[tilespmem:s15], [sflag:$0x1] =	stream.indirect_vreg.gather [hbm4b:s6+s3], $0x80, v3, vm0, $0xb8;
	[tilespmem:$0x10180] =	vst v63  }
0x2b: {  	s16 =	simm.s32 $0x3980  }
0x2c: {  	[tilespmem:s16], [sflag:$0x1] =	stream.indirect_vreg.gather [hbm4b:s7+s3], $0x80, v3, vm0, $0xb8;
	[tilespmem:$0x10180] =	vst v63  }
0x2d: {  	v3 =	vld [tilespmem:$0x10];
	_ =	sdelay $0x4  }
0x2e: {  	v45 =	vshll.u32 v3, $0x3  }
0x2f: {  	v3 =	vand.u32 $0x7, v3;
	v4 =	vand.u32 $0xFFFFFFC0, v45  }
0x30: {  	v3 =	vor.u32 v3, v4  }
0x31: {  	v4 =	vperm.xlane v3, v0;
	_ =	sdelay $0x1  }
0x32: {  	v4 =	vadd.s32 v1, v4;
	_ =	sdelay $0x3  }
0x33: {  	s17 =	simm.s32 $0x4180  }
0x34: {  	[tilespmem:s17], [sflag:$0x1] =	stream.indirect_vreg.gather [hbm4b:s2+s3], $0x80, v4, vm0, $0xb8;
	[tilespmem:$0x10180] =	vst v63  }
0x35: {  	s18 =	simm.s32 $0x4980;
	v3 =	vperm.xlane v3, v2  }
0x36: {  	[tilespmem:s18], [sflag:$0x1] =	stream.indirect_vreg.gather [hbm4b:s5+s3], $0x80, v4, vm0, $0xb8;
	[tilespmem:$0x10180] =	vst v63  }
0x37: {  	s21 =	simm.s32 $0x5180;
	v3 =	vadd.s32 v1, v3  }
0x38: {  	[tilespmem:s21], [sflag:$0x1] =	stream.indirect_vreg.gather [hbm4b:s6+s3], $0x80, v4, vm0, $0xb8;
	[tilespmem:$0x10180] =	vst v63  }
0x39: {  	s22 =	simm.s32 $0x5980  }
0x3a: {  	[tilespmem:s22], [sflag:$0x1] =	stream.indirect_vreg.gather [hbm4b:s7+s3], $0x80, v4, vm0, $0xb8;
	[tilespmem:$0x10180] =	vst v63  }
0x3b: {  	s23 =	simm.s32 $0x6180  }
0x3c: {  	[tilespmem:s23], [sflag:$0x1] =	stream.indirect_vreg.gather [hbm4b:s2+s3], $0x80, v3, vm0, $0xb8;
	[tilespmem:$0x10180] =	vst v63  }
0x3d: {  	s24 =	simm.s32 $0x6980  }
0x3e: {  	[tilespmem:s24], [sflag:$0x1] =	stream.indirect_vreg.gather [hbm4b:s5+s3], $0x80, v3, vm0, $0xb8;
	[tilespmem:$0x10180] =	vst v63  }
0x3f: {  	s25 =	simm.s32 $0x7180  }
0x40: {  	[tilespmem:s25], [sflag:$0x1] =	stream.indirect_vreg.gather [hbm4b:s6+s3], $0x80, v3, vm0, $0xb8;
	[tilespmem:$0x10180] =	vst v63  }
0x41: {  	s29 =	simm.s32 $0x7980  }
0x42: {  	[tilespmem:s29], [sflag:$0x1] =	stream.indirect_vreg.gather [hbm4b:s7+s3], $0x80, v3, vm0, $0xb8;
	[tilespmem:$0x10180] =	vst v63  }
0x43: {  	v3 =	vld [tilespmem:$0x20];
	_ =	sdelay $0x4  }
0x44: {  	v46 =	vshll.u32 v3, $0x3  }
0x45: {  	v3 =	vand.u32 $0x7, v3;
	v4 =	vand.u32 $0xFFFFFFC0, v46  }
0x46: {  	v3 =	vor.u32 v3, v4  }
0x47: {  	v4 =	vperm.xlane v3, v0;
	_ =	sdelay $0x1  }
0x48: {  	v4 =	vadd.s32 v1, v4;
	_ =	sdelay $0x4  }
0x49: {  	[tilespmem:s26], [sflag:$0x2] =	stream.indirect_vreg.gather [hbm4b:s2+s3], $0x80, v4, vm0, $0xb8;
	[tilespmem:$0x10180] =	vst v63  }
0x4a: {  	s30 =	simm.s32 $0x8980;
	v3 =	vperm.xlane v3, v2  }
0x4b: {  	[tilespmem:s30], [sflag:$0x2] =	stream.indirect_vreg.gather [hbm4b:s5+s3], $0x80, v4, vm0, $0xb8;
	[tilespmem:$0x10180] =	vst v63  }
0x4c: {  	s31 =	simm.s32 $0x9180;
	v3 =	vadd.s32 v1, v3  }
0x4d: {  	[tilespmem:s31], [sflag:$0x2] =	stream.indirect_vreg.gather [hbm4b:s6+s3], $0x80, v4, vm0, $0xb8;
	[tilespmem:$0x10180] =	vst v63  }
0x4e: {  	s10 =	simm.s32 $0x9980  }
0x4f: {  	[tilespmem:s10], [sflag:$0x2] =	stream.indirect_vreg.gather [hbm4b:s7+s3], $0x80, v4, vm0, $0xb8;
	[tilespmem:$0x10180] =	vst v63  }
0x50: {  	s17 =	simm.s32 $0xA180  }
0x51: {  	[tilespmem:s17], [sflag:$0x2] =	stream.indirect_vreg.gather [hbm4b:s2+s3], $0x80, v3, vm0, $0xb8;
	[tilespmem:$0x10180] =	vst v63  }
0x52: {  	s18 =	simm.s32 $0xA980  }
0x53: {  	[tilespmem:s18], [sflag:$0x2] =	stream.indirect_vreg.gather [hbm4b:s5+s3], $0x80, v3, vm0, $0xb8;
	[tilespmem:$0x10180] =	vst v63  }
0x54: {  	s22 =	simm.s32 $0xB180  }
0x55: {  	[tilespmem:s22], [sflag:$0x2] =	stream.indirect_vreg.gather [hbm4b:s6+s3], $0x80, v3, vm0, $0xb8;
	[tilespmem:$0x10180] =	vst v63  }
0x56: {  	s23 =	simm.s32 $0xB980  }
0x57: {  	[tilespmem:s23], [sflag:$0x2] =	stream.indirect_vreg.gather [hbm4b:s7+s3], $0x80, v3, vm0, $0xb8;
	[tilespmem:$0x10180] =	vst v63  }
0x58: {  	v3 =	vld [tilespmem:$0x30];
	_ =	sdelay $0x4  }
0x59: {  	v47 =	vshll.u32 v3, $0x3  }
0x5a: {  	v3 =	vand.u32 $0x7, v3;
	v4 =	vand.u32 $0xFFFFFFC0, v47  }
0x5b: {  	v3 =	vor.u32 v3, v4  }
0x5c: {  	v4 =	vperm.xlane v3, v0;
	_ =	sdelay $0x1  }
0x5d: {  	v4 =	vadd.s32 v1, v4;
	_ =	sdelay $0x3  }
0x5e: {  	s24 =	simm.s32 $0xC180  }
0x5f: {  	[tilespmem:s24], [sflag:$0x2] =	stream.indirect_vreg.gather [hbm4b:s2+s3], $0x80, v4, vm0, $0xb8;
	[tilespmem:$0x10180] =	vst v63  }
0x60: {  	s25 =	simm.s32 $0xC980;
	v3 =	vperm.xlane v3, v2  }
0x61: {  	[tilespmem:s25], [sflag:$0x2] =	stream.indirect_vreg.gather [hbm4b:s5+s3], $0x80, v4, vm0, $0xb8;
	[tilespmem:$0x10180] =	vst v63  }
0x62: {  	s0 =	simm.s32 $0xD180;
	v3 =	vadd.s32 v1, v3  }
0x63: {  	[tilespmem:s0], [sflag:$0x2] =	stream.indirect_vreg.gather [hbm4b:s6+s3], $0x80, v4, vm0, $0xb8;
	[tilespmem:$0x10180] =	vst v63  }
0x64: {  	s10 =	simm.s32 $0xD980  }
0x65: {  	[tilespmem:s10], [sflag:$0x2] =	stream.indirect_vreg.gather [hbm4b:s7+s3], $0x80, v4, vm0, $0xb8;
	[tilespmem:$0x10180] =	vst v63  }
0x66: {  	s17 =	simm.s32 $0xE180  }
0x67: {  	[tilespmem:s17], [sflag:$0x2] =	stream.indirect_vreg.gather [hbm4b:s2+s3], $0x80, v3, vm0, $0xb8;
	[tilespmem:$0x10180] =	vst v63  }
0x68: {  	s24 =	simm.s32 $0xE980  }
0x69: {  	[tilespmem:s24], [sflag:$0x2] =	stream.indirect_vreg.gather [hbm4b:s5+s3], $0x80, v3, vm0, $0xb8;
	[tilespmem:$0x10180] =	vst v63  }
0x6a: {  	s25 =	simm.s32 $0xF180  }
0x6b: {  	[tilespmem:s25], [sflag:$0x2] =	stream.indirect_vreg.gather [hbm4b:s6+s3], $0x80, v3, vm0, $0xb8;
	[tilespmem:$0x10180] =	vst v63  }
0x6c: {  	s0 =	simm.s32 $0xF980  }
0x6d: {  	[tilespmem:s0], [sflag:$0x2] =	stream.indirect_vreg.gather [hbm4b:s7+s3], $0x80, v3, vm0, $0xb8;
	[tilespmem:$0x10180] =	vst v63  }
0x6e: {  	_ =	swait.ge [sflag:s19], $0x8000  }
0x6f: {  	[sflag:s19] =	ssyncset.done $0x0  }
0x70: {  	s10 =	rddreg [dreg:$0xc];
	[sflag:s19] =	ssyncadd.s32 $0xFFFF8000  }
0x71: {  	[hbm4b:s10+s3] =	stream.linear.scatter [tilespmem:s28], [sflag:$0x3], $0x8000, $0x38;
	[tilespmem:$0x10180] =	vst v63  }
0x72: {  	_ =	swait.ge [sflag:s9], $0x8000  }
0x73: {  	[sflag:s9] =	ssyncset.done $0x0  }
0x74: {  	[sflag:s9] =	ssyncadd.s32 $0xFFFF8000  }
0x75: {  	v3 =	vld [tilespmem:$0x40];
	_ =	sdelay $0x4  }
0x76: {  	v48 =	vshll.u32 v3, $0x3  }
0x77: {  	v3 =	vand.u32 $0x7, v3;
	v4 =	vand.u32 $0xFFFFFFC0, v48  }
0x78: {  	v3 =	vor.u32 v3, v4  }
0x79: {  	v4 =	vperm.xlane v3, v0;
	_ =	sdelay $0x1  }
0x7a: {  	v4 =	vadd.s32 v1, v4;
	_ =	sdelay $0x4  }
0x7b: {  	[tilespmem:s28], [sflag:$0x1] =	stream.indirect_vreg.gather [hbm4b:s2+s3], $0x80, v4, vm0, $0xb8;
	[tilespmem:$0x10180] =	vst v63  }
0x7c: {  	s4 =	simm.s32 $0x980;
	v3 =	vperm.xlane v3, v2  }
0x7d: {  	[tilespmem:s4], [sflag:$0x1] =	stream.indirect_vreg.gather [hbm4b:s5+s3], $0x80, v4, vm0, $0xb8;
	[tilespmem:$0x10180] =	vst v63  }
0x7e: {  	v3 =	vadd.s32 v1, v3;
	s4 =	simm.s32 $0x1180  }
0x7f: {  	[tilespmem:s4], [sflag:$0x1] =	stream.indirect_vreg.gather [hbm4b:s6+s3], $0x80, v4, vm0, $0xb8;
	[tilespmem:$0x10180] =	vst v63  }
0x80: {  	s10 =	simm.s32 $0x1980  }
0x81: {  	[tilespmem:s10], [sflag:$0x1] =	stream.indirect_vreg.gather [hbm4b:s7+s3], $0x80, v4, vm0, $0xb8;
	[tilespmem:$0x10180] =	vst v63  }
0x82: {  	s11 =	simm.s32 $0x2180  }
0x83: {  	[tilespmem:s11], [sflag:$0x1] =	stream.indirect_vreg.gather [hbm4b:s2+s3], $0x80, v3, vm0, $0xb8;
	[tilespmem:$0x10180] =	vst v63  }
0x84: {  	s12 =	simm.s32 $0x2980  }
0x85: {  	[tilespmem:s12], [sflag:$0x1] =	stream.indirect_vreg.gather [hbm4b:s5+s3], $0x80, v3, vm0, $0xb8;
	[tilespmem:$0x10180] =	vst v63  }
0x86: {  	s13 =	simm.s32 $0x3180  }
0x87: {  	[tilespmem:s13], [sflag:$0x1] =	stream.indirect_vreg.gather [hbm4b:s6+s3], $0x80, v3, vm0, $0xb8;
	[tilespmem:$0x10180] =	vst v63  }
0x88: {  	s15 =	simm.s32 $0x3980  }
0x89: {  	[tilespmem:s15], [sflag:$0x1] =	stream.indirect_vreg.gather [hbm4b:s7+s3], $0x80, v3, vm0, $0xb8;
	[tilespmem:$0x10180] =	vst v63  }
0x8a: {  	v3 =	vld [tilespmem:$0x50];
	_ =	sdelay $0x4  }
0x8b: {  	v49 =	vshll.u32 v3, $0x3  }
0x8c: {  	v3 =	vand.u32 $0x7, v3;
	v4 =	vand.u32 $0xFFFFFFC0, v49  }
0x8d: {  	v3 =	vor.u32 v3, v4  }
0x8e: {  	v4 =	vperm.xlane v3, v0;
	_ =	sdelay $0x1  }
0x8f: {  	v4 =	vadd.s32 v1, v4;
	_ =	sdelay $0x3  }
0x90: {  	s16 =	simm.s32 $0x4180  }
0x91: {  	[tilespmem:s16], [sflag:$0x1] =	stream.indirect_vreg.gather [hbm4b:s2+s3], $0x80, v4, vm0, $0xb8;
	[tilespmem:$0x10180] =	vst v63  }
0x92: {  	s14 =	simm.s32 $0x4980;
	v3 =	vperm.xlane v3, v2  }
0x93: {  	[tilespmem:s14], [sflag:$0x1] =	stream.indirect_vreg.gather [hbm4b:s5+s3], $0x80, v4, vm0, $0xb8;
	[tilespmem:$0x10180] =	vst v63  }
0x94: {  	s11 =	simm.s32 $0x5180;
	v3 =	vadd.s32 v1, v3  }
0x95: {  	[tilespmem:s11], [sflag:$0x1] =	stream.indirect_vreg.gather [hbm4b:s6+s3], $0x80, v4, vm0, $0xb8;
	[tilespmem:$0x10180] =	vst v63  }
0x96: {  	s12 =	simm.s32 $0x5980  }
0x97: {  	[tilespmem:s12], [sflag:$0x1] =	stream.indirect_vreg.gather [hbm4b:s7+s3], $0x80, v4, vm0, $0xb8;
	[tilespmem:$0x10180] =	vst v63  }
0x98: {  	s13 =	simm.s32 $0x6180  }
0x99: {  	[tilespmem:s13], [sflag:$0x1] =	stream.indirect_vreg.gather [hbm4b:s2+s3], $0x80, v3, vm0, $0xb8;
	[tilespmem:$0x10180] =	vst v63  }
0x9a: {  	s14 =	simm.s32 $0x6980  }
0x9b: {  	[tilespmem:s14], [sflag:$0x1] =	stream.indirect_vreg.gather [hbm4b:s5+s3], $0x80, v3, vm0, $0xb8;
	[tilespmem:$0x10180] =	vst v63  }
0x9c: {  	s15 =	simm.s32 $0x7180  }
0x9d: {  	[tilespmem:s15], [sflag:$0x1] =	stream.indirect_vreg.gather [hbm4b:s6+s3], $0x80, v3, vm0, $0xb8;
	[tilespmem:$0x10180] =	vst v63  }
0x9e: {  	s16 =	simm.s32 $0x7980  }
0x9f: {  	[tilespmem:s16], [sflag:$0x1] =	stream.indirect_vreg.gather [hbm4b:s7+s3], $0x80, v3, vm0, $0xb8;
	[tilespmem:$0x10180] =	vst v63  }
0xa0: {  	_ =	swait.ge [sflag:s20], $0x8000  }
0xa1: {  	[sflag:s20] =	ssyncset.done $0x0  }
0xa2: {  	s0 =	rddreg [dreg:$0x3];
	[sflag:s20] =	ssyncadd.s32 $0xFFFF8000  }
0xa3: {  	[hbm4b:s0+s3] =	stream.linear.scatter [tilespmem:s26], [sflag:$0x3], $0x8000, $0x38;
	[tilespmem:$0x10180] =	vst v63  }
0xa4: {  	_ =	swait.ge [sflag:s9], $0x8000  }
0xa5: {  	[sflag:s9] =	ssyncset.done $0x0  }
0xa6: {  	[sflag:s9] =	ssyncadd.s32 $0xFFFF8000  }
0xa7: {  	v3 =	vld [tilespmem:$0x60];
	_ =	sdelay $0x4  }
0xa8: {  	v50 =	vshll.u32 v3, $0x3  }
0xa9: {  	v3 =	vand.u32 $0x7, v3;
	v4 =	vand.u32 $0xFFFFFFC0, v50  }
0xaa: {  	v3 =	vor.u32 v3, v4  }
0xab: {  	v4 =	vperm.xlane v3, v0;
	_ =	sdelay $0x1  }
0xac: {  	v4 =	vadd.s32 v1, v4;
	_ =	sdelay $0x4  }
0xad: {  	[tilespmem:s26], [sflag:$0x2] =	stream.indirect_vreg.gather [hbm4b:s2+s3], $0x80, v4, vm0, $0xb8;
	[tilespmem:$0x10180] =	vst v63  }
0xae: {  	s1 =	simm.s32 $0x8980;
	v3 =	vperm.xlane v3, v2  }
0xaf: {  	[tilespmem:s1], [sflag:$0x2] =	stream.indirect_vreg.gather [hbm4b:s5+s3], $0x80, v4, vm0, $0xb8;
	[tilespmem:$0x10180] =	vst v63  }
0xb0: {  	s0 =	simm.s32 $0x9180;
	v3 =	vadd.s32 v1, v3  }
0xb1: {  	[tilespmem:s0], [sflag:$0x2] =	stream.indirect_vreg.gather [hbm4b:s6+s3], $0x80, v4, vm0, $0xb8;
	[tilespmem:$0x10180] =	vst v63  }
0xb2: {  	s1 =	simm.s32 $0x9980  }
0xb3: {  	[tilespmem:s1], [sflag:$0x2] =	stream.indirect_vreg.gather [hbm4b:s7+s3], $0x80, v4, vm0, $0xb8;
	[tilespmem:$0x10180] =	vst v63  }
0xb4: {  	s31 =	simm.s32 $0xA180  }
0xb5: {  	[tilespmem:s31], [sflag:$0x2] =	stream.indirect_vreg.gather [hbm4b:s2+s3], $0x80, v3, vm0, $0xb8;
	[tilespmem:$0x10180] =	vst v63  }
0xb6: {  	s29 =	simm.s32 $0xA980  }
0xb7: {  	[tilespmem:s29], [sflag:$0x2] =	stream.indirect_vreg.gather [hbm4b:s5+s3], $0x80, v3, vm0, $0xb8;
	[tilespmem:$0x10180] =	vst v63  }
0xb8: {  	s30 =	simm.s32 $0xB180  }
0xb9: {  	[tilespmem:s30], [sflag:$0x2] =	stream.indirect_vreg.gather [hbm4b:s6+s3], $0x80, v3, vm0, $0xb8;
	[tilespmem:$0x10180] =	vst v63  }
0xba: {  	s18 =	simm.s32 $0xB980  }
0xbb: {  	[tilespmem:s18], [sflag:$0x2] =	stream.indirect_vreg.gather [hbm4b:s7+s3], $0x80, v3, vm0, $0xb8;
	[tilespmem:$0x10180] =	vst v63  }
0xbc: {  	v3 =	vld [tilespmem:$0x70];
	_ =	sdelay $0x4  }
0xbd: {  	v51 =	vshll.u32 v3, $0x3  }
0xbe: {  	v3 =	vand.u32 $0x7, v3;
	v4 =	vand.u32 $0xFFFFFFC0, v51  }
0xbf: {  	v3 =	vor.u32 v3, v4  }
0xc0: {  	v4 =	vperm.xlane v3, v0;
	_ =	sdelay $0x1  }
0xc1: {  	v4 =	vadd.s32 v1, v4;
	_ =	sdelay $0x3  }
0xc2: {  	s22 =	simm.s32 $0xC180  }
0xc3: {  	[tilespmem:s22], [sflag:$0x2] =	stream.indirect_vreg.gather [hbm4b:s2+s3], $0x80, v4, vm0, $0xb8;
	[tilespmem:$0x10180] =	vst v63  }
0xc4: {  	s23 =	simm.s32 $0xC980;
	v3 =	vperm.xlane v3, v2  }
0xc5: {  	[tilespmem:s23], [sflag:$0x2] =	stream.indirect_vreg.gather [hbm4b:s5+s3], $0x80, v4, vm0, $0xb8;
	[tilespmem:$0x10180] =	vst v63  }
0xc6: {  	v3 =	vadd.s32 v1, v3;
	s23 =	simm.s32 $0xD180  }
0xc7: {  	[tilespmem:s23], [sflag:$0x2] =	stream.indirect_vreg.gather [hbm4b:s6+s3], $0x80, v4, vm0, $0xb8;
	[tilespmem:$0x10180] =	vst v63  }
0xc8: {  	s21 =	simm.s32 $0xD980  }
0xc9: {  	[tilespmem:s21], [sflag:$0x2] =	stream.indirect_vreg.gather [hbm4b:s7+s3], $0x80, v4, vm0, $0xb8;
	[tilespmem:$0x10180] =	vst v63  }
0xca: {  	s23 =	simm.s32 $0xE180  }
0xcb: {  	[tilespmem:s23], [sflag:$0x2] =	stream.indirect_vreg.gather [hbm4b:s2+s3], $0x80, v3, vm0, $0xb8;
	[tilespmem:$0x10180] =	vst v63  }
0xcc: {  	s24 =	simm.s32 $0xE980  }
0xcd: {  	[tilespmem:s24], [sflag:$0x2] =	stream.indirect_vreg.gather [hbm4b:s5+s3], $0x80, v3, vm0, $0xb8;
	[tilespmem:$0x10180] =	vst v63  }
0xce: {  	s25 =	simm.s32 $0xF180  }
0xcf: {  	[tilespmem:s25], [sflag:$0x2] =	stream.indirect_vreg.gather [hbm4b:s6+s3], $0x80, v3, vm0, $0xb8;
	[tilespmem:$0x10180] =	vst v63  }
0xd0: {  	s17 =	simm.s32 $0xF980  }
0xd1: {  	[tilespmem:s17], [sflag:$0x2] =	stream.indirect_vreg.gather [hbm4b:s7+s3], $0x80, v3, vm0, $0xb8;
	[tilespmem:$0x10180] =	vst v63  }
0xd2: {  	_ =	swait.ge [sflag:s19], $0x8000  }
0xd3: {  	[sflag:s19] =	ssyncset.done $0x0  }
0xd4: {  	s25 =	rddreg [dreg:$0x4];
	[sflag:s19] =	ssyncadd.s32 $0xFFFF8000  }
0xd5: {  	[hbm4b:s25+s3] =	stream.linear.scatter [tilespmem:s28], [sflag:$0x3], $0x8000, $0x38;
	[tilespmem:$0x10180] =	vst v63  }
0xd6: {  	_ =	swait.ge [sflag:s9], $0x8000  }
0xd7: {  	[sflag:s9] =	ssyncset.done $0x0  }
0xd8: {  	[sflag:s9] =	ssyncadd.s32 $0xFFFF8000  }
0xd9: {  	v3 =	vld [tilespmem:$0x80];
	_ =	sdelay $0x4  }
0xda: {  	v52 =	vshll.u32 v3, $0x3  }
0xdb: {  	v3 =	vand.u32 $0x7, v3;
	v4 =	vand.u32 $0xFFFFFFC0, v52  }
0xdc: {  	v3 =	vor.u32 v3, v4  }
0xdd: {  	v4 =	vperm.xlane v3, v0;
	_ =	sdelay $0x1  }
0xde: {  	v4 =	vadd.s32 v1, v4;
	_ =	sdelay $0x4  }
0xdf: {  	[tilespmem:s28], [sflag:$0x1] =	stream.indirect_vreg.gather [hbm4b:s2+s3], $0x80, v4, vm0, $0xb8;
	[tilespmem:$0x10180] =	vst v63  }
0xe0: {  	s25 =	simm.s32 $0x980;
	v3 =	vperm.xlane v3, v2  }
0xe1: {  	[tilespmem:s25], [sflag:$0x1] =	stream.indirect_vreg.gather [hbm4b:s5+s3], $0x80, v4, vm0, $0xb8;
	[tilespmem:$0x10180] =	vst v63  }
0xe2: {  	v3 =	vadd.s32 v1, v3  }
0xe3: {  	[tilespmem:s4], [sflag:$0x1] =	stream.indirect_vreg.gather [hbm4b:s6+s3], $0x80, v4, vm0, $0xb8;
	[tilespmem:$0x10180] =	vst v63  }
0xe4: {  	_ = 	snop  }
0xe5: {  	[tilespmem:s10], [sflag:$0x1] =	stream.indirect_vreg.gather [hbm4b:s7+s3], $0x80, v4, vm0, $0xb8;
	[tilespmem:$0x10180] =	vst v63  }
0xe6: {  	s21 =	simm.s32 $0x2180  }
0xe7: {  	[tilespmem:s21], [sflag:$0x1] =	stream.indirect_vreg.gather [hbm4b:s2+s3], $0x80, v3, vm0, $0xb8;
	[tilespmem:$0x10180] =	vst v63  }
0xe8: {  	s25 =	simm.s32 $0x2980  }
0xe9: {  	[tilespmem:s25], [sflag:$0x1] =	stream.indirect_vreg.gather [hbm4b:s5+s3], $0x80, v3, vm0, $0xb8;
	[tilespmem:$0x10180] =	vst v63  }
0xea: {  	s21 =	simm.s32 $0x3180  }
0xeb: {  	[tilespmem:s21], [sflag:$0x1] =	stream.indirect_vreg.gather [hbm4b:s6+s3], $0x80, v3, vm0, $0xb8;
	[tilespmem:$0x10180] =	vst v63  }
0xec: {  	s25 =	simm.s32 $0x3980  }
0xed: {  	[tilespmem:s25], [sflag:$0x1] =	stream.indirect_vreg.gather [hbm4b:s7+s3], $0x80, v3, vm0, $0xb8;
	[tilespmem:$0x10180] =	vst v63  }
0xee: {  	v3 =	vld [tilespmem:$0x90];
	_ =	sdelay $0x4  }
0xef: {  	v53 =	vshll.u32 v3, $0x3  }
0xf0: {  	v3 =	vand.u32 $0x7, v3;
	v4 =	vand.u32 $0xFFFFFFC0, v53  }
0xf1: {  	v3 =	vor.u32 v3, v4  }
0xf2: {  	v4 =	vperm.xlane v3, v0;
	_ =	sdelay $0x1  }
0xf3: {  	v4 =	vadd.s32 v1, v4;
	_ =	sdelay $0x3  }
0xf4: {  	s21 =	simm.s32 $0x4180  }
0xf5: {  	[tilespmem:s21], [sflag:$0x1] =	stream.indirect_vreg.gather [hbm4b:s2+s3], $0x80, v4, vm0, $0xb8;
	[tilespmem:$0x10180] =	vst v63  }
0xf6: {  	s25 =	simm.s32 $0x4980;
	v3 =	vperm.xlane v3, v2  }
0xf7: {  	[tilespmem:s25], [sflag:$0x1] =	stream.indirect_vreg.gather [hbm4b:s5+s3], $0x80, v4, vm0, $0xb8;
	[tilespmem:$0x10180] =	vst v63  }
0xf8: {  	v3 =	vadd.s32 v1, v3  }
0xf9: {  	[tilespmem:s11], [sflag:$0x1] =	stream.indirect_vreg.gather [hbm4b:s6+s3], $0x80, v4, vm0, $0xb8;
	[tilespmem:$0x10180] =	vst v63  }
0xfa: {  	_ = 	snop  }
0xfb: {  	[tilespmem:s12], [sflag:$0x1] =	stream.indirect_vreg.gather [hbm4b:s7+s3], $0x80, v4, vm0, $0xb8;
	[tilespmem:$0x10180] =	vst v63  }
0xfc: {  	_ = 	snop  }
0xfd: {  	[tilespmem:s13], [sflag:$0x1] =	stream.indirect_vreg.gather [hbm4b:s2+s3], $0x80, v3, vm0, $0xb8;
	[tilespmem:$0x10180] =	vst v63  }
0xfe: {  	_ = 	snop  }
0xff: {  	[tilespmem:s14], [sflag:$0x1] =	stream.indirect_vreg.gather [hbm4b:s5+s3], $0x80, v3, vm0, $0xb8;
	[tilespmem:$0x10180] =	vst v63  }
0x100: {  	_ = 	snop  }
0x101: {  	[tilespmem:s15], [sflag:$0x1] =	stream.indirect_vreg.gather [hbm4b:s6+s3], $0x80, v3, vm0, $0xb8;
	[tilespmem:$0x10180] =	vst v63  }
0x102: {  	_ = 	snop  }
0x103: {  	[tilespmem:s16], [sflag:$0x1] =	stream.indirect_vreg.gather [hbm4b:s7+s3], $0x80, v3, vm0, $0xb8;
	[tilespmem:$0x10180] =	vst v63  }
0x104: {  	_ =	swait.ge [sflag:s20], $0x8000  }
0x105: {  	[sflag:s20] =	ssyncset.done $0x0  }
0x106: {  	s15 =	rddreg [dreg:$0x5];
	[sflag:s20] =	ssyncadd.s32 $0xFFFF8000  }
0x107: {  	[hbm4b:s15+s3] =	stream.linear.scatter [tilespmem:s26], [sflag:$0x3], $0x8000, $0x38;
	[tilespmem:$0x10180] =	vst v63  }
0x108: {  	_ =	swait.ge [sflag:s9], $0x8000  }
0x109: {  	[sflag:s9] =	ssyncset.done $0x0  }
0x10a: {  	[sflag:s9] =	ssyncadd.s32 $0xFFFF8000  }
0x10b: {  	v3 =	vld [tilespmem:$0xA0];
	_ =	sdelay $0x4  }
0x10c: {  	v54 =	vshll.u32 v3, $0x3  }
0x10d: {  	v3 =	vand.u32 $0x7, v3;
	v4 =	vand.u32 $0xFFFFFFC0, v54  }
0x10e: {  	v3 =	vor.u32 v3, v4  }
0x10f: {  	v4 =	vperm.xlane v3, v0;
	_ =	sdelay $0x1  }
0x110: {  	v4 =	vadd.s32 v1, v4;
	_ =	sdelay $0x4  }
0x111: {  	[tilespmem:s26], [sflag:$0x2] =	stream.indirect_vreg.gather [hbm4b:s2+s3], $0x80, v4, vm0, $0xb8;
	[tilespmem:$0x10180] =	vst v63  }
0x112: {  	s25 =	simm.s32 $0x8980;
	v3 =	vperm.xlane v3, v2  }
0x113: {  	[tilespmem:s25], [sflag:$0x2] =	stream.indirect_vreg.gather [hbm4b:s5+s3], $0x80, v4, vm0, $0xb8;
	[tilespmem:$0x10180] =	vst v63  }
0x114: {  	v3 =	vadd.s32 v1, v3  }
0x115: {  	[tilespmem:s0], [sflag:$0x2] =	stream.indirect_vreg.gather [hbm4b:s6+s3], $0x80, v4, vm0, $0xb8;
	[tilespmem:$0x10180] =	vst v63  }
0x116: {  	_ = 	snop  }
0x117: {  	[tilespmem:s1], [sflag:$0x2] =	stream.indirect_vreg.gather [hbm4b:s7+s3], $0x80, v4, vm0, $0xb8;
	[tilespmem:$0x10180] =	vst v63  }
0x118: {  	s31 =	simm.s32 $0xA180  }
0x119: {  	[tilespmem:s31], [sflag:$0x2] =	stream.indirect_vreg.gather [hbm4b:s2+s3], $0x80, v3, vm0, $0xb8;
	[tilespmem:$0x10180] =	vst v63  }
0x11a: {  	s29 =	simm.s32 $0xA980  }
0x11b: {  	[tilespmem:s29], [sflag:$0x2] =	stream.indirect_vreg.gather [hbm4b:s5+s3], $0x80, v3, vm0, $0xb8;
	[tilespmem:$0x10180] =	vst v63  }
0x11c: {  	s30 =	simm.s32 $0xB180  }
0x11d: {  	[tilespmem:s30], [sflag:$0x2] =	stream.indirect_vreg.gather [hbm4b:s6+s3], $0x80, v3, vm0, $0xb8;
	[tilespmem:$0x10180] =	vst v63  }
0x11e: {  	s29 =	simm.s32 $0xB980  }
0x11f: {  	[tilespmem:s29], [sflag:$0x2] =	stream.indirect_vreg.gather [hbm4b:s7+s3], $0x80, v3, vm0, $0xb8;
	[tilespmem:$0x10180] =	vst v63  }
0x120: {  	v3 =	vld [tilespmem:$0xB0];
	_ =	sdelay $0x4  }
0x121: {  	v55 =	vshll.u32 v3, $0x3  }
0x122: {  	v3 =	vand.u32 $0x7, v3;
	v4 =	vand.u32 $0xFFFFFFC0, v55  }
0x123: {  	v3 =	vor.u32 v3, v4  }
0x124: {  	v4 =	vperm.xlane v3, v0;
	_ =	sdelay $0x1  }
0x125: {  	v4 =	vadd.s32 v1, v4;
	_ =	sdelay $0x3  }
0x126: {  	s30 =	simm.s32 $0xC180  }
0x127: {  	[tilespmem:s30], [sflag:$0x2] =	stream.indirect_vreg.gather [hbm4b:s2+s3], $0x80, v4, vm0, $0xb8;
	[tilespmem:$0x10180] =	vst v63  }
0x128: {  	s31 =	simm.s32 $0xC980;
	v3 =	vperm.xlane v3, v2  }
0x129: {  	[tilespmem:s31], [sflag:$0x2] =	stream.indirect_vreg.gather [hbm4b:s5+s3], $0x80, v4, vm0, $0xb8;
	[tilespmem:$0x10180] =	vst v63  }
0x12a: {  	s22 =	simm.s32 $0xD180;
	v3 =	vadd.s32 v1, v3  }
0x12b: {  	[tilespmem:s22], [sflag:$0x2] =	stream.indirect_vreg.gather [hbm4b:s6+s3], $0x80, v4, vm0, $0xb8;
	[tilespmem:$0x10180] =	vst v63  }
0x12c: {  	s18 =	simm.s32 $0xD980  }
0x12d: {  	[tilespmem:s18], [sflag:$0x2] =	stream.indirect_vreg.gather [hbm4b:s7+s3], $0x80, v4, vm0, $0xb8;
	[tilespmem:$0x10180] =	vst v63  }
0x12e: {  	s29 =	simm.s32 $0xE180  }
0x12f: {  	[tilespmem:s29], [sflag:$0x2] =	stream.indirect_vreg.gather [hbm4b:s2+s3], $0x80, v3, vm0, $0xb8;
	[tilespmem:$0x10180] =	vst v63  }
0x130: {  	s24 =	simm.s32 $0xE980  }
0x131: {  	[tilespmem:s24], [sflag:$0x2] =	stream.indirect_vreg.gather [hbm4b:s5+s3], $0x80, v3, vm0, $0xb8;
	[tilespmem:$0x10180] =	vst v63  }
0x132: {  	s23 =	simm.s32 $0xF180  }
0x133: {  	[tilespmem:s23], [sflag:$0x2] =	stream.indirect_vreg.gather [hbm4b:s6+s3], $0x80, v3, vm0, $0xb8;
	[tilespmem:$0x10180] =	vst v63  }
0x134: {  	s17 =	simm.s32 $0xF980  }
0x135: {  	[tilespmem:s17], [sflag:$0x2] =	stream.indirect_vreg.gather [hbm4b:s7+s3], $0x80, v3, vm0, $0xb8;
	[tilespmem:$0x10180] =	vst v63  }
0x136: {  	_ =	swait.ge [sflag:s19], $0x8000  }
0x137: {  	[sflag:s19] =	ssyncset.done $0x0  }
0x138: {  	s18 =	rddreg [dreg:$0x6];
	[sflag:s19] =	ssyncadd.s32 $0xFFFF8000  }
0x139: {  	[hbm4b:s18+s3] =	stream.linear.scatter [tilespmem:s28], [sflag:$0x3], $0x8000, $0x38;
	[tilespmem:$0x10180] =	vst v63  }
0x13a: {  	_ =	swait.ge [sflag:s9], $0x8000  }
0x13b: {  	[sflag:s9] =	ssyncset.done $0x0  }
0x13c: {  	[sflag:s9] =	ssyncadd.s32 $0xFFFF8000  }
0x13d: {  	v3 =	vld [tilespmem:$0xC0];
	_ =	sdelay $0x4  }
0x13e: {  	v56 =	vshll.u32 v3, $0x3  }
0x13f: {  	v3 =	vand.u32 $0x7, v3;
	v4 =	vand.u32 $0xFFFFFFC0, v56  }
0x140: {  	v3 =	vor.u32 v3, v4  }
0x141: {  	v4 =	vperm.xlane v3, v0;
	_ =	sdelay $0x1  }
0x142: {  	v4 =	vadd.s32 v1, v4;
	_ =	sdelay $0x4  }
0x143: {  	[tilespmem:s28], [sflag:$0x1] =	stream.indirect_vreg.gather [hbm4b:s2+s3], $0x80, v4, vm0, $0xb8;
	[tilespmem:$0x10180] =	vst v63  }
0x144: {  	s23 =	simm.s32 $0x980;
	v3 =	vperm.xlane v3, v2  }
0x145: {  	[tilespmem:s23], [sflag:$0x1] =	stream.indirect_vreg.gather [hbm4b:s5+s3], $0x80, v4, vm0, $0xb8;
	[tilespmem:$0x10180] =	vst v63  }
0x146: {  	s24 =	simm.s32 $0x1180;
	v3 =	vadd.s32 v1, v3  }
0x147: {  	[tilespmem:s24], [sflag:$0x1] =	stream.indirect_vreg.gather [hbm4b:s6+s3], $0x80, v4, vm0, $0xb8;
	[tilespmem:$0x10180] =	vst v63  }
0x148: {  	s10 =	simm.s32 $0x1980  }
0x149: {  	[tilespmem:s10], [sflag:$0x1] =	stream.indirect_vreg.gather [hbm4b:s7+s3], $0x80, v4, vm0, $0xb8;
	[tilespmem:$0x10180] =	vst v63  }
0x14a: {  	s17 =	simm.s32 $0x2180  }
0x14b: {  	[tilespmem:s17], [sflag:$0x1] =	stream.indirect_vreg.gather [hbm4b:s2+s3], $0x80, v3, vm0, $0xb8;
	[tilespmem:$0x10180] =	vst v63  }
0x14c: {  	s21 =	simm.s32 $0x2980  }
0x14d: {  	[tilespmem:s21], [sflag:$0x1] =	stream.indirect_vreg.gather [hbm4b:s5+s3], $0x80, v3, vm0, $0xb8;
	[tilespmem:$0x10180] =	vst v63  }
0x14e: {  	s23 =	simm.s32 $0x3180  }
0x14f: {  	[tilespmem:s23], [sflag:$0x1] =	stream.indirect_vreg.gather [hbm4b:s6+s3], $0x80, v3, vm0, $0xb8;
	[tilespmem:$0x10180] =	vst v63  }
0x150: {  	s17 =	simm.s32 $0x3980  }
0x151: {  	[tilespmem:s17], [sflag:$0x1] =	stream.indirect_vreg.gather [hbm4b:s7+s3], $0x80, v3, vm0, $0xb8;
	[tilespmem:$0x10180] =	vst v63  }
0x152: {  	v3 =	vld [tilespmem:$0xD0];
	_ =	sdelay $0x4  }
0x153: {  	v57 =	vshll.u32 v3, $0x3  }
0x154: {  	v3 =	vand.u32 $0x7, v3;
	v4 =	vand.u32 $0xFFFFFFC0, v57  }
0x155: {  	v3 =	vor.u32 v3, v4  }
0x156: {  	v4 =	vperm.xlane v3, v0;
	_ =	sdelay $0x1  }
0x157: {  	v4 =	vadd.s32 v1, v4;
	_ =	sdelay $0x3  }
0x158: {  	s21 =	simm.s32 $0x4180  }
0x159: {  	[tilespmem:s21], [sflag:$0x1] =	stream.indirect_vreg.gather [hbm4b:s2+s3], $0x80, v4, vm0, $0xb8;
	[tilespmem:$0x10180] =	vst v63  }
0x15a: {  	s23 =	simm.s32 $0x4980;
	v3 =	vperm.xlane v3, v2  }
0x15b: {  	[tilespmem:s23], [sflag:$0x1] =	stream.indirect_vreg.gather [hbm4b:s5+s3], $0x80, v4, vm0, $0xb8;
	[tilespmem:$0x10180] =	vst v63  }
0x15c: {  	s11 =	simm.s32 $0x5180;
	v3 =	vadd.s32 v1, v3  }
0x15d: {  	[tilespmem:s11], [sflag:$0x1] =	stream.indirect_vreg.gather [hbm4b:s6+s3], $0x80, v4, vm0, $0xb8;
	[tilespmem:$0x10180] =	vst v63  }
0x15e: {  	s12 =	simm.s32 $0x5980  }
0x15f: {  	[tilespmem:s12], [sflag:$0x1] =	stream.indirect_vreg.gather [hbm4b:s7+s3], $0x80, v4, vm0, $0xb8;
	[tilespmem:$0x10180] =	vst v63  }
0x160: {  	s13 =	simm.s32 $0x6180  }
0x161: {  	[tilespmem:s13], [sflag:$0x1] =	stream.indirect_vreg.gather [hbm4b:s2+s3], $0x80, v3, vm0, $0xb8;
	[tilespmem:$0x10180] =	vst v63  }
0x162: {  	s14 =	simm.s32 $0x6980  }
0x163: {  	[tilespmem:s14], [sflag:$0x1] =	stream.indirect_vreg.gather [hbm4b:s5+s3], $0x80, v3, vm0, $0xb8;
	[tilespmem:$0x10180] =	vst v63  }
0x164: {  	s4 =	simm.s32 $0x7180  }
0x165: {  	[tilespmem:s4], [sflag:$0x1] =	stream.indirect_vreg.gather [hbm4b:s6+s3], $0x80, v3, vm0, $0xb8;
	[tilespmem:$0x10180] =	vst v63  }
0x166: {  	s16 =	simm.s32 $0x7980  }
0x167: {  	[tilespmem:s16], [sflag:$0x1] =	stream.indirect_vreg.gather [hbm4b:s7+s3], $0x80, v3, vm0, $0xb8;
	[tilespmem:$0x10180] =	vst v63  }
0x168: {  	_ =	swait.ge [sflag:s20], $0x8000  }
0x169: {  	[sflag:s20] =	ssyncset.done $0x0  }
0x16a: {  	s16 =	rddreg [dreg:$0x7];
	[sflag:s20] =	ssyncadd.s32 $0xFFFF8000  }
0x16b: {  	[hbm4b:s16+s3] =	stream.linear.scatter [tilespmem:s26], [sflag:$0x3], $0x8000, $0x38;
	[tilespmem:$0x10180] =	vst v63  }
0x16c: {  	_ =	swait.ge [sflag:s9], $0x8000  }
0x16d: {  	[sflag:s9] =	ssyncset.done $0x0  }
0x16e: {  	[sflag:s9] =	ssyncadd.s32 $0xFFFF8000  }
0x16f: {  	v3 =	vld [tilespmem:$0xE0];
	_ =	sdelay $0x4  }
0x170: {  	v58 =	vshll.u32 v3, $0x3  }
0x171: {  	v3 =	vand.u32 $0x7, v3;
	v4 =	vand.u32 $0xFFFFFFC0, v58  }
0x172: {  	v3 =	vor.u32 v3, v4  }
0x173: {  	v4 =	vperm.xlane v3, v0;
	_ =	sdelay $0x1  }
0x174: {  	v4 =	vadd.s32 v1, v4;
	_ =	sdelay $0x4  }
0x175: {  	[tilespmem:s26], [sflag:$0x2] =	stream.indirect_vreg.gather [hbm4b:s2+s3], $0x80, v4, vm0, $0xb8;
	[tilespmem:$0x10180] =	vst v63  }
0x176: {  	s23 =	simm.s32 $0x8980;
	v3 =	vperm.xlane v3, v2  }
0x177: {  	[tilespmem:s23], [sflag:$0x2] =	stream.indirect_vreg.gather [hbm4b:s5+s3], $0x80, v4, vm0, $0xb8;
	[tilespmem:$0x10180] =	vst v63  }
0x178: {  	s0 =	simm.s32 $0x9180;
	v3 =	vadd.s32 v1, v3  }
0x179: {  	[tilespmem:s0], [sflag:$0x2] =	stream.indirect_vreg.gather [hbm4b:s6+s3], $0x80, v4, vm0, $0xb8;
	[tilespmem:$0x10180] =	vst v63  }
0x17a: {  	s1 =	simm.s32 $0x9980  }
0x17b: {  	[tilespmem:s1], [sflag:$0x2] =	stream.indirect_vreg.gather [hbm4b:s7+s3], $0x80, v4, vm0, $0xb8;
	[tilespmem:$0x10180] =	vst v63  }
0x17c: {  	s16 =	simm.s32 $0xA180  }
0x17d: {  	[tilespmem:s16], [sflag:$0x2] =	stream.indirect_vreg.gather [hbm4b:s2+s3], $0x80, v3, vm0, $0xb8;
	[tilespmem:$0x10180] =	vst v63  }
0x17e: {  	s15 =	simm.s32 $0xA980  }
0x17f: {  	[tilespmem:s15], [sflag:$0x2] =	stream.indirect_vreg.gather [hbm4b:s5+s3], $0x80, v3, vm0, $0xb8;
	[tilespmem:$0x10180] =	vst v63  }
0x180: {  	s25 =	simm.s32 $0xB180  }
0x181: {  	[tilespmem:s25], [sflag:$0x2] =	stream.indirect_vreg.gather [hbm4b:s6+s3], $0x80, v3, vm0, $0xb8;
	[tilespmem:$0x10180] =	vst v63  }
0x182: {  	s21 =	simm.s32 $0xB980  }
0x183: {  	[tilespmem:s21], [sflag:$0x2] =	stream.indirect_vreg.gather [hbm4b:s7+s3], $0x80, v3, vm0, $0xb8;
	[tilespmem:$0x10180] =	vst v63  }
0x184: {  	v3 =	vld [tilespmem:$0xF0];
	_ =	sdelay $0x4  }
0x185: {  	v59 =	vshll.u32 v3, $0x3  }
0x186: {  	v3 =	vand.u32 $0x7, v3;
	v4 =	vand.u32 $0xFFFFFFC0, v59  }
0x187: {  	v3 =	vor.u32 v3, v4  }
0x188: {  	v4 =	vperm.xlane v3, v0;
	_ =	sdelay $0x1  }
0x189: {  	v4 =	vadd.s32 v1, v4;
	_ =	sdelay $0x3  }
0x18a: {  	s23 =	simm.s32 $0xC180  }
0x18b: {  	[tilespmem:s23], [sflag:$0x2] =	stream.indirect_vreg.gather [hbm4b:s2+s3], $0x80, v4, vm0, $0xb8;
	[tilespmem:$0x10180] =	vst v63  }
0x18c: {  	s25 =	simm.s32 $0xC980;
	v3 =	vperm.xlane v3, v2  }
0x18d: {  	[tilespmem:s25], [sflag:$0x2] =	stream.indirect_vreg.gather [hbm4b:s5+s3], $0x80, v4, vm0, $0xb8;
	[tilespmem:$0x10180] =	vst v63  }
0x18e: {  	s31 =	simm.s32 $0xD180;
	v3 =	vadd.s32 v1, v3  }
0x18f: {  	[tilespmem:s31], [sflag:$0x2] =	stream.indirect_vreg.gather [hbm4b:s6+s3], $0x80, v4, vm0, $0xb8;
	[tilespmem:$0x10180] =	vst v63  }
0x190: {  	s30 =	simm.s32 $0xD980  }
0x191: {  	[tilespmem:s30], [sflag:$0x2] =	stream.indirect_vreg.gather [hbm4b:s7+s3], $0x80, v4, vm0, $0xb8;
	[tilespmem:$0x10180] =	vst v63  }
0x192: {  	s29 =	simm.s32 $0xE180  }
0x193: {  	[tilespmem:s29], [sflag:$0x2] =	stream.indirect_vreg.gather [hbm4b:s2+s3], $0x80, v3, vm0, $0xb8;
	[tilespmem:$0x10180] =	vst v63  }
0x194: {  	s21 =	simm.s32 $0xE980  }
0x195: {  	[tilespmem:s21], [sflag:$0x2] =	stream.indirect_vreg.gather [hbm4b:s5+s3], $0x80, v3, vm0, $0xb8;
	[tilespmem:$0x10180] =	vst v63  }
0x196: {  	s22 =	simm.s32 $0xF180  }
0x197: {  	[tilespmem:s22], [sflag:$0x2] =	stream.indirect_vreg.gather [hbm4b:s6+s3], $0x80, v3, vm0, $0xb8;
	[tilespmem:$0x10180] =	vst v63  }
0x198: {  	s22 =	simm.s32 $0xF980  }
0x199: {  	[tilespmem:s22], [sflag:$0x2] =	stream.indirect_vreg.gather [hbm4b:s7+s3], $0x80, v3, vm0, $0xb8;
	[tilespmem:$0x10180] =	vst v63  }
0x19a: {  	_ =	swait.ge [sflag:s19], $0x8000  }
0x19b: {  	[sflag:s19] =	ssyncset.done $0x0  }
0x19c: {  	s30 =	rddreg [dreg:$0x8];
	[sflag:s19] =	ssyncadd.s32 $0xFFFF8000  }
0x19d: {  	[hbm4b:s30+s3] =	stream.linear.scatter [tilespmem:s28], [sflag:$0x3], $0x8000, $0x38;
	[tilespmem:$0x10180] =	vst v63  }
0x19e: {  	_ =	swait.ge [sflag:s9], $0x8000  }
0x19f: {  	[sflag:s9] =	ssyncset.done $0x0  }
0x1a0: {  	[sflag:s9] =	ssyncadd.s32 $0xFFFF8000  }
0x1a1: {  	v3 =	vld [tilespmem:$0x100];
	_ =	sdelay $0x4  }
0x1a2: {  	v60 =	vshll.u32 v3, $0x3  }
0x1a3: {  	v3 =	vand.u32 $0x7, v3;
	v4 =	vand.u32 $0xFFFFFFC0, v60  }
0x1a4: {  	v3 =	vor.u32 v3, v4  }
0x1a5: {  	v4 =	vperm.xlane v3, v0;
	_ =	sdelay $0x1  }
0x1a6: {  	v4 =	vadd.s32 v1, v4;
	_ =	sdelay $0x4  }
0x1a7: {  	[tilespmem:s28], [sflag:$0x1] =	stream.indirect_vreg.gather [hbm4b:s2+s3], $0x80, v4, vm0, $0xb8;
	[tilespmem:$0x10180] =	vst v63  }
0x1a8: {  	s30 =	simm.s32 $0x980;
	v3 =	vperm.xlane v3, v2  }
0x1a9: {  	[tilespmem:s30], [sflag:$0x1] =	stream.indirect_vreg.gather [hbm4b:s5+s3], $0x80, v4, vm0, $0xb8;
	[tilespmem:$0x10180] =	vst v63  }
0x1aa: {  	s18 =	simm.s32 $0x1180;
	v3 =	vadd.s32 v1, v3  }
0x1ab: {  	[tilespmem:s18], [sflag:$0x1] =	stream.indirect_vreg.gather [hbm4b:s6+s3], $0x80, v4, vm0, $0xb8;
	[tilespmem:$0x10180] =	vst v63  }
0x1ac: {  	s24 =	simm.s32 $0x1980  }
0x1ad: {  	[tilespmem:s24], [sflag:$0x1] =	stream.indirect_vreg.gather [hbm4b:s7+s3], $0x80, v4, vm0, $0xb8;
	[tilespmem:$0x10180] =	vst v63  }
0x1ae: {  	s21 =	simm.s32 $0x2180  }
0x1af: {  	[tilespmem:s21], [sflag:$0x1] =	stream.indirect_vreg.gather [hbm4b:s2+s3], $0x80, v3, vm0, $0xb8;
	[tilespmem:$0x10180] =	vst v63  }
0x1b0: {  	s24 =	simm.s32 $0x2980  }
0x1b1: {  	[tilespmem:s24], [sflag:$0x1] =	stream.indirect_vreg.gather [hbm4b:s5+s3], $0x80, v3, vm0, $0xb8;
	[tilespmem:$0x10180] =	vst v63  }
0x1b2: {  	s30 =	simm.s32 $0x3180  }
0x1b3: {  	[tilespmem:s30], [sflag:$0x1] =	stream.indirect_vreg.gather [hbm4b:s6+s3], $0x80, v3, vm0, $0xb8;
	[tilespmem:$0x10180] =	vst v63  }
0x1b4: {  	s21 =	simm.s32 $0x3980  }
0x1b5: {  	[tilespmem:s21], [sflag:$0x1] =	stream.indirect_vreg.gather [hbm4b:s7+s3], $0x80, v3, vm0, $0xb8;
	[tilespmem:$0x10180] =	vst v63  }
0x1b6: {  	v3 =	vld [tilespmem:$0x110];
	_ =	sdelay $0x4  }
0x1b7: {  	v61 =	vshll.u32 v3, $0x3  }
0x1b8: {  	v3 =	vand.u32 $0x7, v3;
	v4 =	vand.u32 $0xFFFFFFC0, v61  }
0x1b9: {  	v3 =	vor.u32 v3, v4  }
0x1ba: {  	v4 =	vperm.xlane v3, v0;
	_ =	sdelay $0x1  }
0x1bb: {  	v4 =	vadd.s32 v1, v4;
	_ =	sdelay $0x3  }
0x1bc: {  	s24 =	simm.s32 $0x4180  }
0x1bd: {  	[tilespmem:s24], [sflag:$0x1] =	stream.indirect_vreg.gather [hbm4b:s2+s3], $0x80, v4, vm0, $0xb8;
	[tilespmem:$0x10180] =	vst v63  }
0x1be: {  	s30 =	simm.s32 $0x4980;
	v3 =	vperm.xlane v3, v2  }
0x1bf: {  	[tilespmem:s30], [sflag:$0x1] =	stream.indirect_vreg.gather [hbm4b:s5+s3], $0x80, v4, vm0, $0xb8;
	[tilespmem:$0x10180] =	vst v63  }
0x1c0: {  	s10 =	simm.s32 $0x5180;
	v3 =	vadd.s32 v1, v3  }
0x1c1: {  	[tilespmem:s10], [sflag:$0x1] =	stream.indirect_vreg.gather [hbm4b:s6+s3], $0x80, v4, vm0, $0xb8;
	[tilespmem:$0x10180] =	vst v63  }
0x1c2: {  	s11 =	simm.s32 $0x5980  }
0x1c3: {  	[tilespmem:s11], [sflag:$0x1] =	stream.indirect_vreg.gather [hbm4b:s7+s3], $0x80, v4, vm0, $0xb8;
	[tilespmem:$0x10180] =	vst v63  }
0x1c4: {  	s12 =	simm.s32 $0x6180  }
0x1c5: {  	[tilespmem:s12], [sflag:$0x1] =	stream.indirect_vreg.gather [hbm4b:s2+s3], $0x80, v3, vm0, $0xb8;
	[tilespmem:$0x10180] =	vst v63  }
0x1c6: {  	s13 =	simm.s32 $0x6980  }
0x1c7: {  	[tilespmem:s13], [sflag:$0x1] =	stream.indirect_vreg.gather [hbm4b:s5+s3], $0x80, v3, vm0, $0xb8;
	[tilespmem:$0x10180] =	vst v63  }
0x1c8: {  	s17 =	simm.s32 $0x7180  }
0x1c9: {  	[tilespmem:s17], [sflag:$0x1] =	stream.indirect_vreg.gather [hbm4b:s6+s3], $0x80, v3, vm0, $0xb8;
	[tilespmem:$0x10180] =	vst v63  }
0x1ca: {  	s14 =	simm.s32 $0x7980  }
0x1cb: {  	[tilespmem:s14], [sflag:$0x1] =	stream.indirect_vreg.gather [hbm4b:s7+s3], $0x80, v3, vm0, $0xb8;
	[tilespmem:$0x10180] =	vst v63  }
0x1cc: {  	_ =	swait.ge [sflag:s20], $0x8000  }
0x1cd: {  	[sflag:s20] =	ssyncset.done $0x0  }
0x1ce: {  	s13 =	rddreg [dreg:$0x9];
	[sflag:s20] =	ssyncadd.s32 $0xFFFF8000  }
0x1cf: {  	[hbm4b:s13+s3] =	stream.linear.scatter [tilespmem:s26], [sflag:$0x3], $0x8000, $0x38;
	[tilespmem:$0x10180] =	vst v63  }
0x1d0: {  	_ =	swait.ge [sflag:s9], $0x8000  }
0x1d1: {  	[sflag:s9] =	ssyncset.done $0x0  }
0x1d2: {  	[sflag:s9] =	ssyncadd.s32 $0xFFFF8000  }
0x1d3: {  	v3 =	vld [tilespmem:$0x120];
	_ =	sdelay $0x4  }
0x1d4: {  	v62 =	vshll.u32 v3, $0x3  }
0x1d5: {  	v3 =	vand.u32 $0x7, v3;
	v4 =	vand.u32 $0xFFFFFFC0, v62  }
0x1d6: {  	v3 =	vor.u32 v3, v4  }
0x1d7: {  	v4 =	vperm.xlane v3, v0;
	_ =	sdelay $0x1  }
0x1d8: {  	v4 =	vadd.s32 v1, v4;
	_ =	sdelay $0x4  }
0x1d9: {  	[tilespmem:s26], [sflag:$0x2] =	stream.indirect_vreg.gather [hbm4b:s2+s3], $0x80, v4, vm0, $0xb8;
	[tilespmem:$0x10180] =	vst v63  }
0x1da: {  	s14 =	simm.s32 $0x8980;
	v3 =	vperm.xlane v3, v2  }
0x1db: {  	[tilespmem:s14], [sflag:$0x2] =	stream.indirect_vreg.gather [hbm4b:s5+s3], $0x80, v4, vm0, $0xb8;
	[tilespmem:$0x10180] =	vst v63  }
0x1dc: {  	s4 =	simm.s32 $0x9180;
	v3 =	vadd.s32 v1, v3  }
0x1dd: {  	[tilespmem:s4], [sflag:$0x2] =	stream.indirect_vreg.gather [hbm4b:s6+s3], $0x80, v4, vm0, $0xb8;
	[tilespmem:$0x10180] =	vst v63  }
0x1de: {  	s0 =	simm.s32 $0x9980  }
0x1df: {  	[tilespmem:s0], [sflag:$0x2] =	stream.indirect_vreg.gather [hbm4b:s7+s3], $0x80, v4, vm0, $0xb8;
	[tilespmem:$0x10180] =	vst v63  }
0x1e0: {  	s17 =	simm.s32 $0xA180  }
0x1e1: {  	[tilespmem:s17], [sflag:$0x2] =	stream.indirect_vreg.gather [hbm4b:s2+s3], $0x80, v3, vm0, $0xb8;
	[tilespmem:$0x10180] =	vst v63  }
0x1e2: {  	s1 =	simm.s32 $0xA980  }
0x1e3: {  	[tilespmem:s1], [sflag:$0x2] =	stream.indirect_vreg.gather [hbm4b:s5+s3], $0x80, v3, vm0, $0xb8;
	[tilespmem:$0x10180] =	vst v63  }
0x1e4: {  	s15 =	simm.s32 $0xB180  }
0x1e5: {  	[tilespmem:s15], [sflag:$0x2] =	stream.indirect_vreg.gather [hbm4b:s6+s3], $0x80, v3, vm0, $0xb8;
	[tilespmem:$0x10180] =	vst v63  }
0x1e6: {  	s18 =	simm.s32 $0xB980  }
0x1e7: {  	[tilespmem:s18], [sflag:$0x2] =	stream.indirect_vreg.gather [hbm4b:s7+s3], $0x80, v3, vm0, $0xb8;
	[tilespmem:$0x10180] =	vst v63  }
0x1e8: {  	v3 =	vld [tilespmem:$0x130];
	_ =	sdelay $0x4  }
0x1e9: {  	v63 =	vshll.u32 v3, $0x3  }
0x1ea: {  	v3 =	vand.u32 $0x7, v3;
	v4 =	vand.u32 $0xFFFFFFC0, v63  }
0x1eb: {  	v3 =	vor.u32 v3, v4  }
0x1ec: {  	v4 =	vperm.xlane v3, v0;
	_ =	sdelay $0x1  }
0x1ed: {  	v4 =	vadd.s32 v1, v4;
	_ =	sdelay $0x3  }
0x1ee: {  	s21 =	simm.s32 $0xC180  }
0x1ef: {  	[tilespmem:s21], [sflag:$0x2] =	stream.indirect_vreg.gather [hbm4b:s2+s3], $0x80, v4, vm0, $0xb8;
	[tilespmem:$0x10180] =	vst v63  }
0x1f0: {  	s24 =	simm.s32 $0xC980;
	v3 =	vperm.xlane v3, v2  }
0x1f1: {  	[tilespmem:s24], [sflag:$0x2] =	stream.indirect_vreg.gather [hbm4b:s5+s3], $0x80, v4, vm0, $0xb8;
	[tilespmem:$0x10180] =	vst v63  }
0x1f2: {  	s31 =	simm.s32 $0xD180;
	v3 =	vadd.s32 v1, v3  }
0x1f3: {  	[tilespmem:s31], [sflag:$0x2] =	stream.indirect_vreg.gather [hbm4b:s6+s3], $0x80, v4, vm0, $0xb8;
	[tilespmem:$0x10180] =	vst v63  }
0x1f4: {  	s23 =	simm.s32 $0xD980  }
0x1f5: {  	[tilespmem:s23], [sflag:$0x2] =	stream.indirect_vreg.gather [hbm4b:s7+s3], $0x80, v4, vm0, $0xb8;
	[tilespmem:$0x10180] =	vst v63  }
0x1f6: {  	s25 =	simm.s32 $0xE180  }
0x1f7: {  	[tilespmem:s25], [sflag:$0x2] =	stream.indirect_vreg.gather [hbm4b:s2+s3], $0x80, v3, vm0, $0xb8;
	[tilespmem:$0x10180] =	vst v63  }
0x1f8: {  	s29 =	simm.s32 $0xE980  }
0x1f9: {  	[tilespmem:s29], [sflag:$0x2] =	stream.indirect_vreg.gather [hbm4b:s5+s3], $0x80, v3, vm0, $0xb8;
	[tilespmem:$0x10180] =	vst v63  }
0x1fa: {  	s16 =	simm.s32 $0xF180  }
0x1fb: {  	[tilespmem:s16], [sflag:$0x2] =	stream.indirect_vreg.gather [hbm4b:s6+s3], $0x80, v3, vm0, $0xb8;
	[tilespmem:$0x10180] =	vst v63  }
0x1fc: {  	s22 =	simm.s32 $0xF980  }
0x1fd: {  	[tilespmem:s22], [sflag:$0x2] =	stream.indirect_vreg.gather [hbm4b:s7+s3], $0x80, v3, vm0, $0xb8;
	[tilespmem:$0x10180] =	vst v63  }
0x1fe: {  	_ =	swait.ge [sflag:s19], $0x8000  }
0x1ff: {  	[sflag:s19] =	ssyncset.done $0x0  }
0x200: {  	s30 =	rddreg [dreg:$0xa];
	[sflag:s19] =	ssyncadd.s32 $0xFFFF8000  }
0x201: {  	[hbm4b:s30+s3] =	stream.linear.scatter [tilespmem:s28], [sflag:$0x3], $0x8000, $0x38;
	[tilespmem:$0x10180] =	vst v63  }
0x202: {  	_ =	swait.ge [sflag:s9], $0x8000  }
0x203: {  	[sflag:s9] =	ssyncset.done $0x0  }
0x204: {  	[sflag:s9] =	ssyncadd.s32 $0xFFFF8000  }
0x205: {  	_ =	swait.ge [sflag:s20], $0x8000  }
0x206: {  	p0 =	sne.s32 s8, $0x1;
	[sflag:s20] =	ssyncset.done $0x0  }
.Ltmp0:
0x207: {  	s31 =	rddreg [dreg:$0xb];
	[sflag:s20] =	ssyncadd.s32 $0xFFFF8000;
	(pc) =	sbr.rel @p0 .LBB2_1-.Ltmp0, $4  }
0x208: {  	[hbm4b:s31+s3] =	stream.linear.scatter [tilespmem:s26], [sflag:$0x3], $0x8000, $0x38;
	[tilespmem:$0x10180] =	vst v63  }
0x209: {  	_ =	swait.ge [sflag:s9], $0x8000  }
0x20a: {  	[sflag:s9] =	ssyncset.done $0x0  }
0x20b: {  	s8 =	sadd.s32 $0xFFFFFFFF, s8;
	[sflag:s9] =	ssyncadd.s32 $0xFFFF8000  }
0x20c: {  	_ =	sfence.sel $0x180000  }
0x20d: {  	[bflag:$0x0] =	sbarrier.arrive $0xFFFF  }
0x20e: {  	_ =	strace $0x90000047  }
0x20f: {  	s0 =	stileid.u32;
	[bflag:$0x2] =	sbarrier.arrive $0xFFFF  }
0x210: {  	p0 =	sne.s32 s0, $0x0;
	s0 =	rddreg [dreg:$0x1]  }
0x211: {  	s0 =	sadd.s32 @!p0 $0x100000, s0  }
0x212: {  	[sflag:s0] =	ssyncadd.tile.s32 @!p0 $0x1;
	_ =	shalt  }
.Lfunc_end2:
_tile_overlayer_lowered:
.L_overlay_start_2:
0x213: {  	(tag) =	ssettag $0x2  }
0x214: {  	s0 =	rddreg [dreg:$0x0];
	s2 =	stileid.u32  }
0x215: {  	s1 =	rddreg [dreg:$0x1];
	p0 =	sne.s32 s2, $0x0  }
0x216: {  	s3 =	rddreg [dreg:$0x2];
	[bflag:$0x3] =	sbarrier.arrive $0xFFFF;
	s2 =	simm.s32 @!p0 $0x1C03  }
0x217: {  	[timem:s3], [sflag:s2] =	dma.local @!p0 [hbm:s0], s1  }
0x218: {  	s0 =	simm.s32 @!p0 $0x3  }
0x219: {  	_ =	swait.ge @!p0 [sflag:s0], s1  }
0x21a: {  	s1 =	ssub.s32 @!p0 $0x0, s1;
	[sflag:s0] =	ssyncset.done @!p0 $0x0  }
0x21b: {  	[sflag:s0] =	ssyncadd.s32 @!p0 s1  }
0x21c: {  	[bflag:$0x3] =	sbarrier.arrive $0xFFFF  }
0x21d: {  	_ =	shalt  }

</sc_bundles>
